<compile_context>
chip_gen: v7x
topology: tpu7x:2x2x1
jax: 0.10.2.dev20260603
libtpu: 0.0.44.dev20260713+nightly
codegen_flags: <defaults>
</compile_context>

<pallas_src>
import functools

import jax
import jax.numpy as jnp
from jax import lax
from jax.experimental import pallas as pl
from jax.experimental.pallas import tpu as pltpu
from jax.experimental.pallas import tpu_sc as plsc

N = 10000
E = 320000
D = 128
G = 64

NPAD = 10112
NC = 2
NS = 16
NW = NC * NS
EC = 2560
CPW0 = 104
CPW1 = EC // NS - CPW0
B = 8
ROWS_PER_TILE = NPAD // NS

BLK = 2528
NBLK = NPAD // BLK


def _sc_scatter_body(x_hbm, src_hbm, dst_hbm, zeros_hbm, out_hbm,
                     srcv, dstv, rows, agg_sh, sem):
    cid = lax.axis_index("c")
    sid = lax.axis_index("s")

    with jax.named_scope("agg_init"):
        pltpu.sync_copy(zeros_hbm,
                        agg_sh.at[pl.ds(sid * ROWS_PER_TILE, ROWS_PER_TILE)])
        plsc.subcore_barrier()

    row0 = jnp.where(cid == 0, sid * CPW0, NS * CPW0 + sid * CPW1)
    nblk = jnp.where(cid == 0, CPW0 // B, CPW1 // B)

    def _drain(slot):
        pltpu.make_async_copy(x_hbm.at[pl.ds(0, 128)], rows.at[slot], sem).wait()

    def block(t, _):
        @pl.when(t > 0)
        def _():
            _drain((B - 1) % 2)
            pltpu.sync_copy(rows.at[(B - 1) % 2], agg_sh.at[dstv.at[B - 1]],
                            add=True)

        base = row0 + t * B
        pltpu.sync_copy(src_hbm.at[pl.ds(base, B)], srcv)
        pltpu.sync_copy(dst_hbm.at[pl.ds(base, B)], dstv)
        for j in range(B):
            pltpu.async_copy(x_hbm.at[srcv.at[j]], rows.at[j % 2], sem)
            if j > 0:
                _drain((j - 1) % 2)
                pltpu.sync_copy(rows.at[(j - 1) % 2],
                                agg_sh.at[dstv.at[j - 1]], add=True)
        return 0

    with jax.named_scope("edge_phase"):
        lax.fori_loop(0, nblk, block, 0)

        @pl.when(nblk > 0)
        def _():
            _drain((B - 1) % 2)
            pltpu.sync_copy(rows.at[(B - 1) % 2], agg_sh.at[dstv.at[B - 1]],
                            add=True)

        plsc.subcore_barrier()

    with jax.named_scope("copy_out"):
        pltpu.sync_copy(agg_sh.at[pl.ds(sid * ROWS_PER_TILE, ROWS_PER_TILE)],
                        out_hbm.at[cid, pl.ds(sid * ROWS_PER_TILE, ROWS_PER_TILE)])


_sc_scatter = functools.partial(
    pl.kernel,
    out_type=jax.ShapeDtypeStruct((NC, NPAD, D), jnp.float32),
    mesh=plsc.VectorSubcoreMesh(core_axis_name="c", subcore_axis_name="s"),
    scratch_types=[
        pltpu.VMEM((B, 128), jnp.int32),
        pltpu.VMEM((B, 128), jnp.int32),
        pltpu.VMEM((2, 128, D), jnp.float32),
        pltpu.VMEM_SHARED((NPAD, D), jnp.float32),
        pltpu.SemaphoreType.DMA,
    ],
)(_sc_scatter_body)


USE2 = CPW1 > 0


def _mlp_body(x_ref, a0_ref, *rest):
    if USE2:
        a1_ref, wa_ref, ba_ref, wb_ref, bb_ref, o_ref = rest
        z = x_ref[...] + a0_ref[...] + a1_ref[...]
    else:
        wa_ref, ba_ref, wb_ref, bb_ref, o_ref = rest
        z = x_ref[...] + a0_ref[...]
    t = jnp.maximum(
        jnp.dot(z, wa_ref[...], preferred_element_type=jnp.float32) + ba_ref[...], 0.0)
    o_ref[...] = jnp.maximum(
        jnp.dot(t, wb_ref[...], preferred_element_type=jnp.float32) + bb_ref[...], 0.0)


def _mlp1(x, a0, a1, wa, ba, wb, bb):
    full = lambda i: (0, 0)
    row = lambda i: (i, 0)
    aggs = [a0, a1] if USE2 else [a0]
    return pl.pallas_call(
        _mlp_body,
        grid=(NBLK,),
        in_specs=[pl.BlockSpec((BLK, D), row)] * (1 + len(aggs)) + [
            pl.BlockSpec((D, D), full),
            pl.BlockSpec((1, D), full),
            pl.BlockSpec((D, D), full),
            pl.BlockSpec((1, D), full),
        ],
        out_specs=pl.BlockSpec((BLK, D), row),
        out_shape=jax.ShapeDtypeStruct((NPAD, D), jnp.float32),
    )(x, *aggs, wa, ba, wb, bb)


def _mlp2_pool_body(h_ref, a0_ref, *rest):
    if USE2:
        (a1_ref, wa_ref, ba_ref, wb_ref, bb_ref,
         bat_ref, wfc_ref, bfc_ref, o_ref, acc, cnt) = rest
        z = h_ref[...] + a0_ref[...] + a1_ref[...]
    else:
        (wa_ref, ba_ref, wb_ref, bb_ref,
         bat_ref, wfc_ref, bfc_ref, o_ref, acc, cnt) = rest
        z = h_ref[...] + a0_ref[...]
    i = pl.program_id(0)

    @pl.when(i == 0)
    def _():
        acc[...] = jnp.zeros_like(acc)
        cnt[...] = jnp.zeros_like(cnt)

    t = jnp.maximum(
        jnp.dot(z, wa_ref[...], preferred_element_type=jnp.float32) + ba_ref[...], 0.0)
    h2 = jnp.maximum(
        jnp.dot(t, wb_ref[...], preferred_element_type=jnp.float32) + bb_ref[...], 0.0)

    oh = (bat_ref[...] == lax.broadcasted_iota(jnp.int32, (BLK, 128), 1)
          ).astype(jnp.float32)
    dnum = (((0,), (0,)), ((), ()))
    acc[...] += lax.dot_general(oh, h2, dnum, preferred_element_type=jnp.float32)
    cnt[...] += lax.dot_general(oh, jnp.ones((BLK, 128), jnp.float32), dnum,
                                preferred_element_type=jnp.float32)

    @pl.when(i == NBLK - 1)
    def _():
        pooled = acc[...] / jnp.maximum(cnt[...], 1.0)
        o_ref[...] = (jnp.dot(pooled, wfc_ref[...],
                              preferred_element_type=jnp.float32) + bfc_ref[...])


def _mlp2_pool(h, a0, a1, wa, ba, wb, bb, bat, wfc, bfc):
    full = lambda i: (0, 0)
    row = lambda i: (i, 0)
    aggs = [a0, a1] if USE2 else [a0]
    return pl.pallas_call(
        _mlp2_pool_body,
        grid=(NBLK,),
        in_specs=[pl.BlockSpec((BLK, D), row)] * (1 + len(aggs)) + [
            pl.BlockSpec((D, D), full),
            pl.BlockSpec((1, D), full),
            pl.BlockSpec((D, D), full),
            pl.BlockSpec((1, D), full),
            pl.BlockSpec((BLK, 1), row),
            pl.BlockSpec((D, 1), full),
            pl.BlockSpec((1, 1), full),
        ],
        out_specs=pl.BlockSpec((128, 1), full),
        out_shape=jax.ShapeDtypeStruct((128, 1), jnp.float32),
        scratch_shapes=[
            pltpu.VMEM((128, 128), jnp.float32),
            pltpu.VMEM((128, 128), jnp.float32),
        ],
    )(h, *aggs, wa, ba, wb, bb, bat, wfc, bfc)


def kernel(x, edge_index, edge_weight, batch,
           W1a, b1a, W1b, b1b, W2a, b2a, W2b, b2b, Wfc, bfc):
    del edge_weight

    x_pad = jnp.zeros((NPAD, D), jnp.float32).at[:N].set(x)
    epad = EC * 128 - E
    src = jnp.concatenate([edge_index[0], jnp.zeros((epad,), jnp.int32)]).reshape(EC, 128)
    dst = jnp.concatenate([edge_index[1], jnp.full((epad,), N, jnp.int32)]).reshape(EC, 128)
    bat = jnp.concatenate([batch, jnp.full((NPAD - N,), G, jnp.int32)]).reshape(NPAD, 1)
    b1a2, b1b2 = b1a.reshape(1, D), b1b.reshape(1, D)
    b2a2, b2b2 = b2a.reshape(1, D), b2b.reshape(1, D)
    bfc2 = bfc.reshape(1, 1)

    zeros_tile = jnp.zeros((ROWS_PER_TILE, D), jnp.float32)
    agg = _sc_scatter(x_pad, src, dst, zeros_tile)
    h = _mlp1(x_pad, agg[0], agg[1], W1a, b1a2, W1b, b1b2)

    agg2 = _sc_scatter(h, src, dst, zeros_tile)
    pred = _mlp2_pool(h, agg2[0], agg2[1], W2a, b2a2, W2b, b2b2, bat, Wfc, bfc2)

    return pred[:G]

# --- scband reference (transcript-rebuilt; emitter-appended) ---
"""Pipeline reference for scband-gin-pyg-80255758893329 (READ-ONLY COPY).

The authoritative reference and input builder live on the scoring server;
editing this copy changes nothing except your own understanding.
"""

import jax, jax.numpy as jnp
import numpy as np

N = 10000
E = 320000
D = 128
G = 64

def setup_inputs(seed: int = 0) -> dict:
    key = jax.random.key(seed)
    ks = jax.random.split(key, 16)
    x = jax.random.normal(ks[0], (N, D), dtype=jnp.float32)
    edge_index = jax.random.randint(ks[1], (2, E), 0, N, dtype=jnp.int32)
    edge_weight = jax.random.uniform(ks[2], (E,), dtype=jnp.float32)
    batch = jnp.sort(jax.random.randint(ks[3], (N,), 0, G, dtype=jnp.int32))
    s = 0.05
    W1a = jax.random.normal(ks[4], (D, D), dtype=jnp.float32) * s
    b1a = jnp.zeros((D,), dtype=jnp.float32)
    W1b = jax.random.normal(ks[5], (D, D), dtype=jnp.float32) * s
    b1b = jnp.zeros((D,), dtype=jnp.float32)
    W2a = jax.random.normal(ks[6], (D, D), dtype=jnp.float32) * s
    b2a = jnp.zeros((D,), dtype=jnp.float32)
    W2b = jax.random.normal(ks[7], (D, D), dtype=jnp.float32) * s
    b2b = jnp.zeros((D,), dtype=jnp.float32)
    Wfc = jax.random.normal(ks[8], (D, 1), dtype=jnp.float32) * s
    bfc = jnp.zeros((1,), dtype=jnp.float32)
    return {"x": x, "edge_index": edge_index, "edge_weight": edge_weight, "batch": batch,
            "W1a": W1a, "b1a": b1a, "W1b": W1b, "b1b": b1b,
            "W2a": W2a, "b2a": b2a, "W2b": W2b, "b2b": b2b,
            "Wfc": Wfc, "bfc": bfc}

def _gin_conv(x, edge_index, Wa, ba, Wb, bb):
    # GINConv with eps=0: nn((1+eps)*x + sum_{j in N(i)} x_j)
    src = edge_index[0]
    dst = edge_index[1]
    msgs = jnp.take(x, src, axis=0)
    agg = jnp.zeros_like(x).at[dst].add(msgs)
    h = x + agg
    h = jax.nn.relu(h @ Wa + ba) @ Wb + bb
    return h

def reference(x, edge_index, edge_weight, batch,
              W1a, b1a, W1b, b1b, W2a, b2a, W2b, b2b, Wfc, bfc):
    # edge_weight is unpacked in the original forward but unused by GINConv
    h = jax.nn.relu(_gin_conv(x, edge_index, W1a, b1a, W1b, b1b))
    # dropout p=0.0 (eval) -> identity
    h = jax.nn.relu(_gin_conv(h, edge_index, W2a, b2a, W2b, b2b))
    # global_mean_pool over batch ids
    sums = jax.ops.segment_sum(h, batch, num_segments=G)
    counts = jax.ops.segment_sum(jnp.ones((h.shape[0], 1), dtype=h.dtype), batch, num_segments=G)
    pooled = sums / jnp.maximum(counts, 1.0)
    predict = pooled @ Wfc + bfc
    return predict

if __name__ == "__main__":
    import jax
    _d = setup_inputs()
    print(jax.jit(kernel)(*tuple(_d.values())))

</pallas_src>

<mosaic_0001>
#map = affine_map<(d0, d1) -> (0, 0)>
#map1 = affine_map<(d0, d1) -> (0, 0, 0)>
module attributes {stable_mosaic.version = 14 : i64} {
  func.func @_sc_scatter_body(%arg0: i32, %arg1: i32, %arg2: memref<10112x128xf32, #tpu.memory_space<hbm>>, %arg3: memref<2560x128xi32, #tpu.memory_space<hbm>>, %arg4: memref<2560x128xi32, #tpu.memory_space<hbm>>, %arg5: memref<632x128xf32, #tpu.memory_space<hbm>>, %arg6: memref<2x10112x128xf32, #tpu.memory_space<hbm>>, %arg7: memref<8x128xi32, #tpu.memory_space<vmem>>, %arg8: memref<8x128xi32, #tpu.memory_space<vmem>>, %arg9: memref<2x128x128xf32, #tpu.memory_space<vmem>>, %arg10: memref<10112x128xf32, #tpu.memory_space<vmem_shared>>, %arg11: memref<!tpu.dma_semaphore, #tpu.memory_space<semaphore_mem>>) attributes {dimension_semantics = [#tpu.dimension_semantics<core_parallel>, #tpu.dimension_semantics<subcore_parallel>], iteration_bounds = array<i64: 2, 16>, scalar_prefetch = 0 : i64, scratch_operands = 5 : i64, tpu.core_type = #tpu.core_type<sc_vector_subcore>, window_params = [{transform_indices = #map}, {transform_indices = #map}, {transform_indices = #map}, {transform_indices = #map}, {transform_indices = #map1}]} {
    "tpu.trace_start"() <{level = 10 : i32, message = "agg_init"}> : () -> ()
    %mul3A = arith.constant 632 : i32
    %mul3A_0 = arith.muli %arg1, %mul3A : i32
    "tpu.region"() ({
      %run_scoped3A = tpu.sem_alloc : memref<!tpu.dma_semaphore, #tpu.memory_space<semaphore_mem>>
      %dma_start3A = arith.constant 0 : i32
      %dma_start3A_29 = tpu.memref_slice %arg10[%mul3A_0, %dma_start3A] : memref<10112x128xf32, #tpu.memory_space<vmem_shared>> -> memref<632x128xf32, #tpu.memory_space<vmem_shared>>
      tpu.enqueue_dma source(%arg5 : memref<632x128xf32, #tpu.memory_space<hbm>>) target(%dma_start3A_29 : memref<632x128xf32, #tpu.memory_space<vmem_shared>>) target_semaphore(%run_scoped3A : memref<!tpu.dma_semaphore, #tpu.memory_space<semaphore_mem>>)
      %dma_wait3A = arith.constant 0 : i32
      %dma_wait3A_30 = tpu.memref_slice %arg10[%mul3A_0, %dma_wait3A] : memref<10112x128xf32, #tpu.memory_space<vmem_shared>> -> memref<632x128xf32, #tpu.memory_space<vmem_shared>>
      tpu.wait_dma2 semaphore(%run_scoped3A : memref<!tpu.dma_semaphore, #tpu.memory_space<semaphore_mem>>) src(%arg5 : memref<632x128xf32, #tpu.memory_space<hbm>>) dst(%dma_wait3A_30 : memref<632x128xf32, #tpu.memory_space<vmem_shared>>)
      tpu.yield
    }) : () -> ()
    %barrier3A = arith.constant 0 : index
    tpu.barrier barrier_id(%barrier3A)
    %eq3A = arith.constant 0 : i32
    "tpu.trace_stop"() : () -> ()
    %eq3A_1 = arith.cmpi eq, %arg0, %eq3A : i32
    %mul3A_2 = arith.constant 104 : i32
    %mul3A_3 = arith.muli %arg1, %mul3A_2 : i32
    %mul3A_4 = arith.constant 56 : i32
    %mul3A_5 = arith.muli %arg1, %mul3A_4 : i32
    %add3A = arith.constant 1664 : i32
    %add3A_6 = arith.addi %add3A, %mul3A_5 : i32
    %select_n3A = arith.select %eq3A_1, %mul3A_3, %add3A_6 : i32
    %eq3A_7 = arith.constant 0 : i32
    %eq3A_8 = arith.cmpi eq, %arg0, %eq3A_7 : i32
    %jit3A = arith.constant 13 : i32
    %jit3A_9 = arith.constant 7 : i32
    %select_n3A_10 = arith.select %eq3A_8, %jit3A, %jit3A_9 : i32
    %while3A = arith.constant 0 : i32
    %while3A_11 = arith.constant 0 : i32
    "tpu.trace_start"() <{level = 10 : i32, message = "edge_phase"}> : () -> ()
    %while3A_12 = arith.subi %select_n3A_10, %while3A : i32
    %while3A_13 = arith.addi %while3A, %while3A_12 : i32
    %while3A_14 = arith.constant 1 : i32
    %while3A_15 = arith.divsi %while3A_12, %while3A_14 : i32
    %while3A_16 = arith.muli %while3A_15, %while3A_14 : i32
    %while3A_17 = arith.addi %while3A, %while3A_16 : i32
    %while3A_18 = arith.constant 1 : i32
    %while3A_19 = scf.for %while3A_29 = %while3A to %while3A_17 step %while3A_18 iter_args(%while3A_30 = %while3A_11) -> (i32)  : i32 {
      %gt3A_31 = arith.constant 0 : i32
      %gt3A_32 = arith.cmpi sgt, %while3A_29, %gt3A_31 : i32
      %convert_element_type3A_33 = arith.extui %gt3A_32 : i1 to i32
      %cond3A_34 = arith.constant 0 : i32
      %cond3A_35 = arith.cmpi ne, %convert_element_type3A_33, %cond3A_34 : i32
      scf.if %cond3A_35 {
        %dma_wait3A_252 = arith.constant 1 : i32
        %dma_wait3A_253 = arith.constant 0 : i32
        %dma_wait3A_254 = arith.constant 0 : i32
        %dma_wait3A_255 = tpu.memref_slice %arg9[%dma_wait3A_252, %dma_wait3A_253, %dma_wait3A_254] : memref<2x128x128xf32, #tpu.memory_space<vmem>> -> memref<1x128x128xf32, #tpu.memory_space<vmem>>
        %dma_wait3A_256 = tpu.memref_squeeze %dma_wait3A_255 : memref<1x128x128xf32, #tpu.memory_space<vmem>> -> memref<128x128xf32, #tpu.memory_space<vmem>>
        %dma_wait3A_257 = arith.constant 0 : i32
        %dma_wait3A_258 = arith.constant 0 : i32
        %dma_wait3A_259 = tpu.memref_slice %arg2[%dma_wait3A_257, %dma_wait3A_258] : memref<10112x128xf32, #tpu.memory_space<hbm>> -> memref<128x128xf32, #tpu.memory_space<hbm>>
        %dma_wait3A_260 = arith.constant 0 : i32
        %dma_wait3A_261 = arith.constant 0 : i32
        %dma_wait3A_262 = tpu.memref_slice %arg9[%dma_wait3A_252, %dma_wait3A_260, %dma_wait3A_261] : memref<2x128x128xf32, #tpu.memory_space<vmem>> -> memref<1x128x128xf32, #tpu.memory_space<vmem>>
        %dma_wait3A_263 = tpu.memref_squeeze %dma_wait3A_262 : memref<1x128x128xf32, #tpu.memory_space<vmem>> -> memref<128x128xf32, #tpu.memory_space<vmem>>
        %dma_wait3A_264 = arith.constant 0 : i32
        %dma_wait3A_265 = arith.constant 0 : i32
        %dma_wait3A_266 = tpu.memref_slice %arg2[%dma_wait3A_264, %dma_wait3A_265] : memref<10112x128xf32, #tpu.memory_space<hbm>> -> memref<128x128xf32, #tpu.memory_space<hbm>>
        tpu.wait_dma2 semaphore(%arg11 : memref<!tpu.dma_semaphore, #tpu.memory_space<semaphore_mem>>) src(%dma_wait3A_266 : memref<128x128xf32, #tpu.memory_space<hbm>>) dst(%dma_wait3A_263 : memref<128x128xf32, #tpu.memory_space<vmem>>)
        %run_scoped3A_267 = arith.constant 1 : i32
        %run_scoped3A_268 = arith.constant 7 : i32
        "tpu.region"() ({
          %run_scoped3A_269 = tpu.sem_alloc : memref<!tpu.dma_semaphore, #tpu.memory_space<semaphore_mem>>
          %dma_start3A_270 = arith.constant 0 : i32
          %dma_start3A_271 = arith.constant 0 : i32
          %dma_start3A_272 = tpu.memref_slice %arg9[%run_scoped3A_267, %dma_start3A_270, %dma_start3A_271] : memref<2x128x128xf32, #tpu.memory_space<vmem>> -> memref<1x128x128xf32, #tpu.memory_space<vmem>>
          %dma_start3A_273 = tpu.memref_squeeze %dma_start3A_272 : memref<1x128x128xf32, #tpu.memory_space<vmem>> -> memref<128x128xf32, #tpu.memory_space<vmem>>
          %dma_start3A_274 = arith.constant 0 : i32
          %dma_start3A_275 = tpu.memref_slice %arg8[%run_scoped3A_268, %dma_start3A_274] : memref<8x128xi32, #tpu.memory_space<vmem>> -> memref<1x128xi32, #tpu.memory_space<vmem>>
          %dma_start3A_276 = tpu.memref_squeeze %dma_start3A_275 : memref<1x128xi32, #tpu.memory_space<vmem>> -> memref<128xi32, #tpu.memory_space<vmem>>
          %dma_start3A_277 = arith.constant 0 : i32
          %dma_start3A_278 = arith.constant 0 : i32
          %dma_start3A_279 = tpu.memref_slice %arg10[%dma_start3A_277, %dma_start3A_278] : memref<10112x128xf32, #tpu.memory_space<vmem_shared>> -> memref<10112x128xf32, #tpu.memory_space<vmem_shared>>
          tpu.enqueue_indirect_dma source(%dma_start3A_273 : memref<128x128xf32, #tpu.memory_space<vmem>>) target(%dma_start3A_279 : memref<10112x128xf32, #tpu.memory_space<vmem_shared>>) offsets(%dma_start3A_276 : memref<128xi32, #tpu.memory_space<vmem>>) semaphore(%run_scoped3A_269 : memref<!tpu.dma_semaphore, #tpu.memory_space<semaphore_mem>>) {add = true}
          %dma_wait3A_280 = arith.constant 0 : i32
          %dma_wait3A_281 = arith.constant 0 : i32
          %dma_wait3A_282 = tpu.memref_slice %arg9[%run_scoped3A_267, %dma_wait3A_280, %dma_wait3A_281] : memref<2x128x128xf32, #tpu.memory_space<vmem>> -> memref<1x128x128xf32, #tpu.memory_space<vmem>>
          %dma_wait3A_283 = tpu.memref_squeeze %dma_wait3A_282 : memref<1x128x128xf32, #tpu.memory_space<vmem>> -> memref<128x128xf32, #tpu.memory_space<vmem>>
          %dma_wait3A_284 = arith.constant 0 : i32
          %dma_wait3A_285 = tpu.memref_slice %arg8[%run_scoped3A_268, %dma_wait3A_284] : memref<8x128xi32, #tpu.memory_space<vmem>> -> memref<1x128xi32, #tpu.memory_space<vmem>>
          %dma_wait3A_286 = tpu.memref_squeeze %dma_wait3A_285 : memref<1x128xi32, #tpu.memory_space<vmem>> -> memref<128xi32, #tpu.memory_space<vmem>>
          %dma_wait3A_287 = arith.constant 0 : i32
          %dma_wait3A_288 = arith.constant 0 : i32
          %dma_wait3A_289 = tpu.memref_slice %arg10[%dma_wait3A_287, %dma_wait3A_288] : memref<10112x128xf32, #tpu.memory_space<vmem_shared>> -> memref<10112x128xf32, #tpu.memory_space<vmem_shared>>
          tpu.wait_indirect_dma semaphore(%run_scoped3A_269 : memref<!tpu.dma_semaphore, #tpu.memory_space<semaphore_mem>>) src(%dma_wait3A_283 : memref<128x128xf32, #tpu.memory_space<vmem>>) dst(%dma_wait3A_289 : memref<10112x128xf32, #tpu.memory_space<vmem_shared>>)
          tpu.yield
        }) : () -> ()
      } else {
      }
      %mul3A_36 = arith.constant 8 : i32
      %mul3A_37 = arith.muli %while3A_29, %mul3A_36 : i32
      %add3A_38 = arith.addi %select_n3A, %mul3A_37 : i32
      "tpu.region"() ({
        %run_scoped3A_252 = tpu.sem_alloc : memref<!tpu.dma_semaphore, #tpu.memory_space<semaphore_mem>>
        %dma_start3A_253 = arith.constant 0 : i32
        %dma_start3A_254 = tpu.memref_slice %arg3[%add3A_38, %dma_start3A_253] : memref<2560x128xi32, #tpu.memory_space<hbm>> -> memref<8x128xi32, #tpu.memory_space<hbm>>
        %dma_start3A_255 = arith.constant 0 : i32
        %dma_start3A_256 = tpu.memref_slice %arg3[%add3A_38, %dma_start3A_255] : memref<2560x128xi32, #tpu.memory_space<hbm>> -> memref<8x128xi32, #tpu.memory_space<hbm>>
        tpu.enqueue_dma source(%dma_start3A_256 : memref<8x128xi32, #tpu.memory_space<hbm>>) target(%arg7 : memref<8x128xi32, #tpu.memory_space<vmem>>) target_semaphore(%run_scoped3A_252 : memref<!tpu.dma_semaphore, #tpu.memory_space<semaphore_mem>>)
        %dma_wait3A_257 = arith.constant 0 : i32
        %dma_wait3A_258 = tpu.memref_slice %arg3[%add3A_38, %dma_wait3A_257] : memref<2560x128xi32, #tpu.memory_space<hbm>> -> memref<8x128xi32, #tpu.memory_space<hbm>>
        %dma_wait3A_259 = arith.constant 0 : i32
        %dma_wait3A_260 = tpu.memref_slice %arg3[%add3A_38, %dma_wait3A_259] : memref<2560x128xi32, #tpu.memory_space<hbm>> -> memref<8x128xi32, #tpu.memory_space<hbm>>
        tpu.wait_dma2 semaphore(%run_scoped3A_252 : memref<!tpu.dma_semaphore, #tpu.memory_space<semaphore_mem>>) src(%dma_wait3A_260 : memref<8x128xi32, #tpu.memory_space<hbm>>) dst(%arg7 : memref<8x128xi32, #tpu.memory_space<vmem>>)
        tpu.yield
      }) : () -> ()
      "tpu.region"() ({
        %run_scoped3A_252 = tpu.sem_alloc : memref<!tpu.dma_semaphore, #tpu.memory_space<semaphore_mem>>
        %dma_start3A_253 = arith.constant 0 : i32
        %dma_start3A_254 = tpu.memref_slice %arg4[%add3A_38, %dma_start3A_253] : memref<2560x128xi32, #tpu.memory_space<hbm>> -> memref<8x128xi32, #tpu.memory_space<hbm>>
        %dma_start3A_255 = arith.constant 0 : i32
        %dma_start3A_256 = tpu.memref_slice %arg4[%add3A_38, %dma_start3A_255] : memref<2560x128xi32, #tpu.memory_space<hbm>> -> memref<8x128xi32, #tpu.memory_space<hbm>>
        tpu.enqueue_dma source(%dma_start3A_256 : memref<8x128xi32, #tpu.memory_space<hbm>>) target(%arg8 : memref<8x128xi32, #tpu.memory_space<vmem>>) target_semaphore(%run_scoped3A_252 : memref<!tpu.dma_semaphore, #tpu.memory_space<semaphore_mem>>)
        %dma_wait3A_257 = arith.constant 0 : i32
        %dma_wait3A_258 = tpu.memref_slice %arg4[%add3A_38, %dma_wait3A_257] : memref<2560x128xi32, #tpu.memory_space<hbm>> -> memref<8x128xi32, #tpu.memory_space<hbm>>
        %dma_wait3A_259 = arith.constant 0 : i32
        %dma_wait3A_260 = tpu.memref_slice %arg4[%add3A_38, %dma_wait3A_259] : memref<2560x128xi32, #tpu.memory_space<hbm>> -> memref<8x128xi32, #tpu.memory_space<hbm>>
        tpu.wait_dma2 semaphore(%run_scoped3A_252 : memref<!tpu.dma_semaphore, #tpu.memory_space<semaphore_mem>>) src(%dma_wait3A_260 : memref<8x128xi32, #tpu.memory_space<hbm>>) dst(%arg8 : memref<8x128xi32, #tpu.memory_space<vmem>>)
        tpu.yield
      }) : () -> ()
      %dma_start3A = arith.constant 0 : i32
      %dma_start3A_39 = arith.constant 0 : i32
      %dma_start3A_40 = arith.constant 0 : i32
      %dma_start3A_41 = arith.constant 0 : i32
      %dma_start3A_42 = tpu.memref_slice %arg9[%dma_start3A_39, %dma_start3A_40, %dma_start3A_41] : memref<2x128x128xf32, #tpu.memory_space<vmem>> -> memref<1x128x128xf32, #tpu.memory_space<vmem>>
      %dma_start3A_43 = tpu.memref_squeeze %dma_start3A_42 : memref<1x128x128xf32, #tpu.memory_space<vmem>> -> memref<128x128xf32, #tpu.memory_space<vmem>>
      %dma_start3A_44 = arith.constant 0 : i32
      %dma_start3A_45 = tpu.memref_slice %arg7[%dma_start3A, %dma_start3A_44] : memref<8x128xi32, #tpu.memory_space<vmem>> -> memref<1x128xi32, #tpu.memory_space<vmem>>
      %dma_start3A_46 = tpu.memref_squeeze %dma_start3A_45 : memref<1x128xi32, #tpu.memory_space<vmem>> -> memref<128xi32, #tpu.memory_space<vmem>>
      %dma_start3A_47 = arith.constant 0 : i32
      %dma_start3A_48 = arith.constant 0 : i32
      %dma_start3A_49 = tpu.memref_slice %arg2[%dma_start3A_47, %dma_start3A_48] : memref<10112x128xf32, #tpu.memory_space<hbm>> -> memref<10112x128xf32, #tpu.memory_space<hbm>>
      tpu.enqueue_indirect_dma source(%dma_start3A_49 : memref<10112x128xf32, #tpu.memory_space<hbm>>) target(%dma_start3A_43 : memref<128x128xf32, #tpu.memory_space<vmem>>) offsets(%dma_start3A_46 : memref<128xi32, #tpu.memory_space<vmem>>) semaphore(%arg11 : memref<!tpu.dma_semaphore, #tpu.memory_space<semaphore_mem>>)
      %dma_start3A_50 = arith.constant 1 : i32
      %dma_start3A_51 = arith.constant 1 : i32
      %dma_start3A_52 = arith.constant 0 : i32
      %dma_start3A_53 = arith.constant 0 : i32
      %dma_start3A_54 = tpu.memref_slice %arg9[%dma_start3A_51, %dma_start3A_52, %dma_start3A_53] : memref<2x128x128xf32, #tpu.memory_space<vmem>> -> memref<1x128x128xf32, #tpu.memory_space<vmem>>
      %dma_start3A_55 = tpu.memref_squeeze %dma_start3A_54 : memref<1x128x128xf32, #tpu.memory_space<vmem>> -> memref<128x128xf32, #tpu.memory_space<vmem>>
      %dma_start3A_56 = arith.constant 0 : i32
      %dma_start3A_57 = tpu.memref_slice %arg7[%dma_start3A_50, %dma_start3A_56] : memref<8x128xi32, #tpu.memory_space<vmem>> -> memref<1x128xi32, #tpu.memory_space<vmem>>
      %dma_start3A_58 = tpu.memref_squeeze %dma_start3A_57 : memref<1x128xi32, #tpu.memory_space<vmem>> -> memref<128xi32, #tpu.memory_space<vmem>>
      %dma_start3A_59 = arith.constant 0 : i32
      %dma_start3A_60 = arith.constant 0 : i32
      %dma_start3A_61 = tpu.memref_slice %arg2[%dma_start3A_59, %dma_start3A_60] : memref<10112x128xf32, #tpu.memory_space<hbm>> -> memref<10112x128xf32, #tpu.memory_space<hbm>>
      tpu.enqueue_indirect_dma source(%dma_start3A_61 : memref<10112x128xf32, #tpu.memory_space<hbm>>) target(%dma_start3A_55 : memref<128x128xf32, #tpu.memory_space<vmem>>) offsets(%dma_start3A_58 : memref<128xi32, #tpu.memory_space<vmem>>) semaphore(%arg11 : memref<!tpu.dma_semaphore, #tpu.memory_space<semaphore_mem>>)
      %dma_wait3A = arith.constant 0 : i32
      %dma_wait3A_62 = arith.constant 0 : i32
      %dma_wait3A_63 = arith.constant 0 : i32
      %dma_wait3A_64 = tpu.memref_slice %arg9[%dma_wait3A, %dma_wait3A_62, %dma_wait3A_63] : memref<2x128x128xf32, #tpu.memory_space<vmem>> -> memref<1x128x128xf32, #tpu.memory_space<vmem>>
      %dma_wait3A_65 = tpu.memref_squeeze %dma_wait3A_64 : memref<1x128x128xf32, #tpu.memory_space<vmem>> -> memref<128x128xf32, #tpu.memory_space<vmem>>
      %dma_wait3A_66 = arith.constant 0 : i32
      %dma_wait3A_67 = arith.constant 0 : i32
      %dma_wait3A_68 = tpu.memref_slice %arg2[%dma_wait3A_66, %dma_wait3A_67] : memref<10112x128xf32, #tpu.memory_space<hbm>> -> memref<128x128xf32, #tpu.memory_space<hbm>>
      %dma_wait3A_69 = arith.constant 0 : i32
      %dma_wait3A_70 = arith.constant 0 : i32
      %dma_wait3A_71 = tpu.memref_slice %arg9[%dma_wait3A, %dma_wait3A_69, %dma_wait3A_70] : memref<2x128x128xf32, #tpu.memory_space<vmem>> -> memref<1x128x128xf32, #tpu.memory_space<vmem>>
      %dma_wait3A_72 = tpu.memref_squeeze %dma_wait3A_71 : memref<1x128x128xf32, #tpu.memory_space<vmem>> -> memref<128x128xf32, #tpu.memory_space<vmem>>
      %dma_wait3A_73 = arith.constant 0 : i32
      %dma_wait3A_74 = arith.constant 0 : i32
      %dma_wait3A_75 = tpu.memref_slice %arg2[%dma_wait3A_73, %dma_wait3A_74] : memref<10112x128xf32, #tpu.memory_space<hbm>> -> memref<128x128xf32, #tpu.memory_space<hbm>>
      tpu.wait_dma2 semaphore(%arg11 : memref<!tpu.dma_semaphore, #tpu.memory_space<semaphore_mem>>) src(%dma_wait3A_75 : memref<128x128xf32, #tpu.memory_space<hbm>>) dst(%dma_wait3A_72 : memref<128x128xf32, #tpu.memory_space<vmem>>)
      %run_scoped3A = arith.constant 0 : i32
      %run_scoped3A_76 = arith.constant 0 : i32
      "tpu.region"() ({
        %run_scoped3A_252 = tpu.sem_alloc : memref<!tpu.dma_semaphore, #tpu.memory_space<semaphore_mem>>
        %dma_start3A_253 = arith.constant 0 : i32
        %dma_start3A_254 = arith.constant 0 : i32
        %dma_start3A_255 = tpu.memref_slice %arg9[%run_scoped3A, %dma_start3A_253, %dma_start3A_254] : memref<2x128x128xf32, #tpu.memory_space<vmem>> -> memref<1x128x128xf32, #tpu.memory_space<vmem>>
        %dma_start3A_256 = tpu.memref_squeeze %dma_start3A_255 : memref<1x128x128xf32, #tpu.memory_space<vmem>> -> memref<128x128xf32, #tpu.memory_space<vmem>>
        %dma_start3A_257 = arith.constant 0 : i32
        %dma_start3A_258 = tpu.memref_slice %arg8[%run_scoped3A_76, %dma_start3A_257] : memref<8x128xi32, #tpu.memory_space<vmem>> -> memref<1x128xi32, #tpu.memory_space<vmem>>
        %dma_start3A_259 = tpu.memref_squeeze %dma_start3A_258 : memref<1x128xi32, #tpu.memory_space<vmem>> -> memref<128xi32, #tpu.memory_space<vmem>>
        %dma_start3A_260 = arith.constant 0 : i32
        %dma_start3A_261 = arith.constant 0 : i32
        %dma_start3A_262 = tpu.memref_slice %arg10[%dma_start3A_260, %dma_start3A_261] : memref<10112x128xf32, #tpu.memory_space<vmem_shared>> -> memref<10112x128xf32, #tpu.memory_space<vmem_shared>>
        tpu.enqueue_indirect_dma source(%dma_start3A_256 : memref<128x128xf32, #tpu.memory_space<vmem>>) target(%dma_start3A_262 : memref<10112x128xf32, #tpu.memory_space<vmem_shared>>) offsets(%dma_start3A_259 : memref<128xi32, #tpu.memory_space<vmem>>) semaphore(%run_scoped3A_252 : memref<!tpu.dma_semaphore, #tpu.memory_space<semaphore_mem>>) {add = true}
        %dma_wait3A_263 = arith.constant 0 : i32
        %dma_wait3A_264 = arith.constant 0 : i32
        %dma_wait3A_265 = tpu.memref_slice %arg9[%run_scoped3A, %dma_wait3A_263, %dma_wait3A_264] : memref<2x128x128xf32, #tpu.memory_space<vmem>> -> memref<1x128x128xf32, #tpu.memory_space<vmem>>
        %dma_wait3A_266 = tpu.memref_squeeze %dma_wait3A_265 : memref<1x128x128xf32, #tpu.memory_space<vmem>> -> memref<128x128xf32, #tpu.memory_space<vmem>>
        %dma_wait3A_267 = arith.constant 0 : i32
        %dma_wait3A_268 = tpu.memref_slice %arg8[%run_scoped3A_76, %dma_wait3A_267] : memref<8x128xi32, #tpu.memory_space<vmem>> -> memref<1x128xi32, #tpu.memory_space<vmem>>
        %dma_wait3A_269 = tpu.memref_squeeze %dma_wait3A_268 : memref<1x128xi32, #tpu.memory_space<vmem>> -> memref<128xi32, #tpu.memory_space<vmem>>
        %dma_wait3A_270 = arith.constant 0 : i32
        %dma_wait3A_271 = arith.constant 0 : i32
        %dma_wait3A_272 = tpu.memref_slice %arg10[%dma_wait3A_270, %dma_wait3A_271] : memref<10112x128xf32, #tpu.memory_space<vmem_shared>> -> memref<10112x128xf32, #tpu.memory_space<vmem_shared>>
        tpu.wait_indirect_dma semaphore(%run_scoped3A_252 : memref<!tpu.dma_semaphore, #tpu.memory_space<semaphore_mem>>) src(%dma_wait3A_266 : memref<128x128xf32, #tpu.memory_space<vmem>>) dst(%dma_wait3A_272 : memref<10112x128xf32, #tpu.memory_space<vmem_shared>>)
        tpu.yield
      }) : () -> ()
      %dma_start3A_77 = arith.constant 2 : i32
      %dma_start3A_78 = arith.constant 0 : i32
      %dma_start3A_79 = arith.constant 0 : i32
      %dma_start3A_80 = arith.constant 0 : i32
      %dma_start3A_81 = tpu.memref_slice %arg9[%dma_start3A_78, %dma_start3A_79, %dma_start3A_80] : memref<2x128x128xf32, #tpu.memory_space<vmem>> -> memref<1x128x128xf32, #tpu.memory_space<vmem>>
      %dma_start3A_82 = tpu.memref_squeeze %dma_start3A_81 : memref<1x128x128xf32, #tpu.memory_space<vmem>> -> memref<128x128xf32, #tpu.memory_space<vmem>>
      %dma_start3A_83 = arith.constant 0 : i32
      %dma_start3A_84 = tpu.memref_slice %arg7[%dma_start3A_77, %dma_start3A_83] : memref<8x128xi32, #tpu.memory_space<vmem>> -> memref<1x128xi32, #tpu.memory_space<vmem>>
      %dma_start3A_85 = tpu.memref_squeeze %dma_start3A_84 : memref<1x128xi32, #tpu.memory_space<vmem>> -> memref<128xi32, #tpu.memory_space<vmem>>
      %dma_start3A_86 = arith.constant 0 : i32
      %dma_start3A_87 = arith.constant 0 : i32
      %dma_start3A_88 = tpu.memref_slice %arg2[%dma_start3A_86, %dma_start3A_87] : memref<10112x128xf32, #tpu.memory_space<hbm>> -> memref<10112x128xf32, #tpu.memory_space<hbm>>
      tpu.enqueue_indirect_dma source(%dma_start3A_88 : memref<10112x128xf32, #tpu.memory_space<hbm>>) target(%dma_start3A_82 : memref<128x128xf32, #tpu.memory_space<vmem>>) offsets(%dma_start3A_85 : memref<128xi32, #tpu.memory_space<vmem>>) semaphore(%arg11 : memref<!tpu.dma_semaphore, #tpu.memory_space<semaphore_mem>>)
      %dma_wait3A_89 = arith.constant 1 : i32
      %dma_wait3A_90 = arith.constant 0 : i32
      %dma_wait3A_91 = arith.constant 0 : i32
      %dma_wait3A_92 = tpu.memref_slice %arg9[%dma_wait3A_89, %dma_wait3A_90, %dma_wait3A_91] : memref<2x128x128xf32, #tpu.memory_space<vmem>> -> memref<1x128x128xf32, #tpu.memory_space<vmem>>
      %dma_wait3A_93 = tpu.memref_squeeze %dma_wait3A_92 : memref<1x128x128xf32, #tpu.memory_space<vmem>> -> memref<128x128xf32, #tpu.memory_space<vmem>>
      %dma_wait3A_94 = arith.constant 0 : i32
      %dma_wait3A_95 = arith.constant 0 : i32
      %dma_wait3A_96 = tpu.memref_slice %arg2[%dma_wait3A_94, %dma_wait3A_95] : memref<10112x128xf32, #tpu.memory_space<hbm>> -> memref<128x128xf32, #tpu.memory_space<hbm>>
      %dma_wait3A_97 = arith.constant 0 : i32
      %dma_wait3A_98 = arith.constant 0 : i32
      %dma_wait3A_99 = tpu.memref_slice %arg9[%dma_wait3A_89, %dma_wait3A_97, %dma_wait3A_98] : memref<2x128x128xf32, #tpu.memory_space<vmem>> -> memref<1x128x128xf32, #tpu.memory_space<vmem>>
      %dma_wait3A_100 = tpu.memref_squeeze %dma_wait3A_99 : memref<1x128x128xf32, #tpu.memory_space<vmem>> -> memref<128x128xf32, #tpu.memory_space<vmem>>
      %dma_wait3A_101 = arith.constant 0 : i32
      %dma_wait3A_102 = arith.constant 0 : i32
      %dma_wait3A_103 = tpu.memref_slice %arg2[%dma_wait3A_101, %dma_wait3A_102] : memref<10112x128xf32, #tpu.memory_space<hbm>> -> memref<128x128xf32, #tpu.memory_space<hbm>>
      tpu.wait_dma2 semaphore(%arg11 : memref<!tpu.dma_semaphore, #tpu.memory_space<semaphore_mem>>) src(%dma_wait3A_103 : memref<128x128xf32, #tpu.memory_space<hbm>>) dst(%dma_wait3A_100 : memref<128x128xf32, #tpu.memory_space<vmem>>)
      %run_scoped3A_104 = arith.constant 1 : i32
      %run_scoped3A_105 = arith.constant 1 : i32
      "tpu.region"() ({
        %run_scoped3A_252 = tpu.sem_alloc : memref<!tpu.dma_semaphore, #tpu.memory_space<semaphore_mem>>
        %dma_start3A_253 = arith.constant 0 : i32
        %dma_start3A_254 = arith.constant 0 : i32
        %dma_start3A_255 = tpu.memref_slice %arg9[%run_scoped3A_104, %dma_start3A_253, %dma_start3A_254] : memref<2x128x128xf32, #tpu.memory_space<vmem>> -> memref<1x128x128xf32, #tpu.memory_space<vmem>>
        %dma_start3A_256 = tpu.memref_squeeze %dma_start3A_255 : memref<1x128x128xf32, #tpu.memory_space<vmem>> -> memref<128x128xf32, #tpu.memory_space<vmem>>
        %dma_start3A_257 = arith.constant 0 : i32
        %dma_start3A_258 = tpu.memref_slice %arg8[%run_scoped3A_105, %dma_start3A_257] : memref<8x128xi32, #tpu.memory_space<vmem>> -> memref<1x128xi32, #tpu.memory_space<vmem>>
        %dma_start3A_259 = tpu.memref_squeeze %dma_start3A_258 : memref<1x128xi32, #tpu.memory_space<vmem>> -> memref<128xi32, #tpu.memory_space<vmem>>
        %dma_start3A_260 = arith.constant 0 : i32
        %dma_start3A_261 = arith.constant 0 : i32
        %dma_start3A_262 = tpu.memref_slice %arg10[%dma_start3A_260, %dma_start3A_261] : memref<10112x128xf32, #tpu.memory_space<vmem_shared>> -> memref<10112x128xf32, #tpu.memory_space<vmem_shared>>
        tpu.enqueue_indirect_dma source(%dma_start3A_256 : memref<128x128xf32, #tpu.memory_space<vmem>>) target(%dma_start3A_262 : memref<10112x128xf32, #tpu.memory_space<vmem_shared>>) offsets(%dma_start3A_259 : memref<128xi32, #tpu.memory_space<vmem>>) semaphore(%run_scoped3A_252 : memref<!tpu.dma_semaphore, #tpu.memory_space<semaphore_mem>>) {add = true}
        %dma_wait3A_263 = arith.constant 0 : i32
        %dma_wait3A_264 = arith.constant 0 : i32
        %dma_wait3A_265 = tpu.memref_slice %arg9[%run_scoped3A_104, %dma_wait3A_263, %dma_wait3A_264] : memref<2x128x128xf32, #tpu.memory_space<vmem>> -> memref<1x128x128xf32, #tpu.memory_space<vmem>>
        %dma_wait3A_266 = tpu.memref_squeeze %dma_wait3A_265 : memref<1x128x128xf32, #tpu.memory_space<vmem>> -> memref<128x128xf32, #tpu.memory_space<vmem>>
        %dma_wait3A_267 = arith.constant 0 : i32
        %dma_wait3A_268 = tpu.memref_slice %arg8[%run_scoped3A_105, %dma_wait3A_267] : memref<8x128xi32, #tpu.memory_space<vmem>> -> memref<1x128xi32, #tpu.memory_space<vmem>>
        %dma_wait3A_269 = tpu.memref_squeeze %dma_wait3A_268 : memref<1x128xi32, #tpu.memory_space<vmem>> -> memref<128xi32, #tpu.memory_space<vmem>>
        %dma_wait3A_270 = arith.constant 0 : i32
        %dma_wait3A_271 = arith.constant 0 : i32
        %dma_wait3A_272 = tpu.memref_slice %arg10[%dma_wait3A_270, %dma_wait3A_271] : memref<10112x128xf32, #tpu.memory_space<vmem_shared>> -> memref<10112x128xf32, #tpu.memory_space<vmem_shared>>
        tpu.wait_indirect_dma semaphore(%run_scoped3A_252 : memref<!tpu.dma_semaphore, #tpu.memory_space<semaphore_mem>>) src(%dma_wait3A_266 : memref<128x128xf32, #tpu.memory_space<vmem>>) dst(%dma_wait3A_272 : memref<10112x128xf32, #tpu.memory_space<vmem_shared>>)
        tpu.yield
      }) : () -> ()
      %dma_start3A_106 = arith.constant 3 : i32
      %dma_start3A_107 = arith.constant 1 : i32
      %dma_start3A_108 = arith.constant 0 : i32
      %dma_start3A_109 = arith.constant 0 : i32
      %dma_start3A_110 = tpu.memref_slice %arg9[%dma_start3A_107, %dma_start3A_108, %dma_start3A_109] : memref<2x128x128xf32, #tpu.memory_space<vmem>> -> memref<1x128x128xf32, #tpu.memory_space<vmem>>
      %dma_start3A_111 = tpu.memref_squeeze %dma_start3A_110 : memref<1x128x128xf32, #tpu.memory_space<vmem>> -> memref<128x128xf32, #tpu.memory_space<vmem>>
      %dma_start3A_112 = arith.constant 0 : i32
      %dma_start3A_113 = tpu.memref_slice %arg7[%dma_start3A_106, %dma_start3A_112] : memref<8x128xi32, #tpu.memory_space<vmem>> -> memref<1x128xi32, #tpu.memory_space<vmem>>
      %dma_start3A_114 = tpu.memref_squeeze %dma_start3A_113 : memref<1x128xi32, #tpu.memory_space<vmem>> -> memref<128xi32, #tpu.memory_space<vmem>>
      %dma_start3A_115 = arith.constant 0 : i32
      %dma_start3A_116 = arith.constant 0 : i32
      %dma_start3A_117 = tpu.memref_slice %arg2[%dma_start3A_115, %dma_start3A_116] : memref<10112x128xf32, #tpu.memory_space<hbm>> -> memref<10112x128xf32, #tpu.memory_space<hbm>>
      tpu.enqueue_indirect_dma source(%dma_start3A_117 : memref<10112x128xf32, #tpu.memory_space<hbm>>) target(%dma_start3A_111 : memref<128x128xf32, #tpu.memory_space<vmem>>) offsets(%dma_start3A_114 : memref<128xi32, #tpu.memory_space<vmem>>) semaphore(%arg11 : memref<!tpu.dma_semaphore, #tpu.memory_space<semaphore_mem>>)
      %dma_wait3A_118 = arith.constant 0 : i32
      %dma_wait3A_119 = arith.constant 0 : i32
      %dma_wait3A_120 = arith.constant 0 : i32
      %dma_wait3A_121 = tpu.memref_slice %arg9[%dma_wait3A_118, %dma_wait3A_119, %dma_wait3A_120] : memref<2x128x128xf32, #tpu.memory_space<vmem>> -> memref<1x128x128xf32, #tpu.memory_space<vmem>>
      %dma_wait3A_122 = tpu.memref_squeeze %dma_wait3A_121 : memref<1x128x128xf32, #tpu.memory_space<vmem>> -> memref<128x128xf32, #tpu.memory_space<vmem>>
      %dma_wait3A_123 = arith.constant 0 : i32
      %dma_wait3A_124 = arith.constant 0 : i32
      %dma_wait3A_125 = tpu.memref_slice %arg2[%dma_wait3A_123, %dma_wait3A_124] : memref<10112x128xf32, #tpu.memory_space<hbm>> -> memref<128x128xf32, #tpu.memory_space<hbm>>
      %dma_wait3A_126 = arith.constant 0 : i32
      %dma_wait3A_127 = arith.constant 0 : i32
      %dma_wait3A_128 = tpu.memref_slice %arg9[%dma_wait3A_118, %dma_wait3A_126, %dma_wait3A_127] : memref<2x128x128xf32, #tpu.memory_space<vmem>> -> memref<1x128x128xf32, #tpu.memory_space<vmem>>
      %dma_wait3A_129 = tpu.memref_squeeze %dma_wait3A_128 : memref<1x128x128xf32, #tpu.memory_space<vmem>> -> memref<128x128xf32, #tpu.memory_space<vmem>>
      %dma_wait3A_130 = arith.constant 0 : i32
      %dma_wait3A_131 = arith.constant 0 : i32
      %dma_wait3A_132 = tpu.memref_slice %arg2[%dma_wait3A_130, %dma_wait3A_131] : memref<10112x128xf32, #tpu.memory_space<hbm>> -> memref<128x128xf32, #tpu.memory_space<hbm>>
      tpu.wait_dma2 semaphore(%arg11 : memref<!tpu.dma_semaphore, #tpu.memory_space<semaphore_mem>>) src(%dma_wait3A_132 : memref<128x128xf32, #tpu.memory_space<hbm>>) dst(%dma_wait3A_129 : memref<128x128xf32, #tpu.memory_space<vmem>>)
      %run_scoped3A_133 = arith.constant 0 : i32
      %run_scoped3A_134 = arith.constant 2 : i32
      "tpu.region"() ({
        %run_scoped3A_252 = tpu.sem_alloc : memref<!tpu.dma_semaphore, #tpu.memory_space<semaphore_mem>>
        %dma_start3A_253 = arith.constant 0 : i32
        %dma_start3A_254 = arith.constant 0 : i32
        %dma_start3A_255 = tpu.memref_slice %arg9[%run_scoped3A_133, %dma_start3A_253, %dma_start3A_254] : memref<2x128x128xf32, #tpu.memory_space<vmem>> -> memref<1x128x128xf32, #tpu.memory_space<vmem>>
        %dma_start3A_256 = tpu.memref_squeeze %dma_start3A_255 : memref<1x128x128xf32, #tpu.memory_space<vmem>> -> memref<128x128xf32, #tpu.memory_space<vmem>>
        %dma_start3A_257 = arith.constant 0 : i32
        %dma_start3A_258 = tpu.memref_slice %arg8[%run_scoped3A_134, %dma_start3A_257] : memref<8x128xi32, #tpu.memory_space<vmem>> -> memref<1x128xi32, #tpu.memory_space<vmem>>
        %dma_start3A_259 = tpu.memref_squeeze %dma_start3A_258 : memref<1x128xi32, #tpu.memory_space<vmem>> -> memref<128xi32, #tpu.memory_space<vmem>>
        %dma_start3A_260 = arith.constant 0 : i32
        %dma_start3A_261 = arith.constant 0 : i32
        %dma_start3A_262 = tpu.memref_slice %arg10[%dma_start3A_260, %dma_start3A_261] : memref<10112x128xf32, #tpu.memory_space<vmem_shared>> -> memref<10112x128xf32, #tpu.memory_space<vmem_shared>>
        tpu.enqueue_indirect_dma source(%dma_start3A_256 : memref<128x128xf32, #tpu.memory_space<vmem>>) target(%dma_start3A_262 : memref<10112x128xf32, #tpu.memory_space<vmem_shared>>) offsets(%dma_start3A_259 : memref<128xi32, #tpu.memory_space<vmem>>) semaphore(%run_scoped3A_252 : memref<!tpu.dma_semaphore, #tpu.memory_space<semaphore_mem>>) {add = true}
        %dma_wait3A_263 = arith.constant 0 : i32
        %dma_wait3A_264 = arith.constant 0 : i32
        %dma_wait3A_265 = tpu.memref_slice %arg9[%run_scoped3A_133, %dma_wait3A_263, %dma_wait3A_264] : memref<2x128x128xf32, #tpu.memory_space<vmem>> -> memref<1x128x128xf32, #tpu.memory_space<vmem>>
        %dma_wait3A_266 = tpu.memref_squeeze %dma_wait3A_265 : memref<1x128x128xf32, #tpu.memory_space<vmem>> -> memref<128x128xf32, #tpu.memory_space<vmem>>
        %dma_wait3A_267 = arith.constant 0 : i32
        %dma_wait3A_268 = tpu.memref_slice %arg8[%run_scoped3A_134, %dma_wait3A_267] : memref<8x128xi32, #tpu.memory_space<vmem>> -> memref<1x128xi32, #tpu.memory_space<vmem>>
        %dma_wait3A_269 = tpu.memref_squeeze %dma_wait3A_268 : memref<1x128xi32, #tpu.memory_space<vmem>> -> memref<128xi32, #tpu.memory_space<vmem>>
        %dma_wait3A_270 = arith.constant 0 : i32
        %dma_wait3A_271 = arith.constant 0 : i32
        %dma_wait3A_272 = tpu.memref_slice %arg10[%dma_wait3A_270, %dma_wait3A_271] : memref<10112x128xf32, #tpu.memory_space<vmem_shared>> -> memref<10112x128xf32, #tpu.memory_space<vmem_shared>>
        tpu.wait_indirect_dma semaphore(%run_scoped3A_252 : memref<!tpu.dma_semaphore, #tpu.memory_space<semaphore_mem>>) src(%dma_wait3A_266 : memref<128x128xf32, #tpu.memory_space<vmem>>) dst(%dma_wait3A_272 : memref<10112x128xf32, #tpu.memory_space<vmem_shared>>)
        tpu.yield
      }) : () -> ()
      %dma_start3A_135 = arith.constant 4 : i32
      %dma_start3A_136 = arith.constant 0 : i32
      %dma_start3A_137 = arith.constant 0 : i32
      %dma_start3A_138 = arith.constant 0 : i32
      %dma_start3A_139 = tpu.memref_slice %arg9[%dma_start3A_136, %dma_start3A_137, %dma_start3A_138] : memref<2x128x128xf32, #tpu.memory_space<vmem>> -> memref<1x128x128xf32, #tpu.memory_space<vmem>>
      %dma_start3A_140 = tpu.memref_squeeze %dma_start3A_139 : memref<1x128x128xf32, #tpu.memory_space<vmem>> -> memref<128x128xf32, #tpu.memory_space<vmem>>
      %dma_start3A_141 = arith.constant 0 : i32
      %dma_start3A_142 = tpu.memref_slice %arg7[%dma_start3A_135, %dma_start3A_141] : memref<8x128xi32, #tpu.memory_space<vmem>> -> memref<1x128xi32, #tpu.memory_space<vmem>>
      %dma_start3A_143 = tpu.memref_squeeze %dma_start3A_142 : memref<1x128xi32, #tpu.memory_space<vmem>> -> memref<128xi32, #tpu.memory_space<vmem>>
      %dma_start3A_144 = arith.constant 0 : i32
      %dma_start3A_145 = arith.constant 0 : i32
      %dma_start3A_146 = tpu.memref_slice %arg2[%dma_start3A_144, %dma_start3A_145] : memref<10112x128xf32, #tpu.memory_space<hbm>> -> memref<10112x128xf32, #tpu.memory_space<hbm>>
      tpu.enqueue_indirect_dma source(%dma_start3A_146 : memref<10112x128xf32, #tpu.memory_space<hbm>>) target(%dma_start3A_140 : memref<128x128xf32, #tpu.memory_space<vmem>>) offsets(%dma_start3A_143 : memref<128xi32, #tpu.memory_space<vmem>>) semaphore(%arg11 : memref<!tpu.dma_semaphore, #tpu.memory_space<semaphore_mem>>)
      %dma_wait3A_147 = arith.constant 1 : i32
      %dma_wait3A_148 = arith.constant 0 : i32
      %dma_wait3A_149 = arith.constant 0 : i32
      %dma_wait3A_150 = tpu.memref_slice %arg9[%dma_wait3A_147, %dma_wait3A_148, %dma_wait3A_149] : memref<2x128x128xf32, #tpu.memory_space<vmem>> -> memref<1x128x128xf32, #tpu.memory_space<vmem>>
      %dma_wait3A_151 = tpu.memref_squeeze %dma_wait3A_150 : memref<1x128x128xf32, #tpu.memory_space<vmem>> -> memref<128x128xf32, #tpu.memory_space<vmem>>
      %dma_wait3A_152 = arith.constant 0 : i32
      %dma_wait3A_153 = arith.constant 0 : i32
      %dma_wait3A_154 = tpu.memref_slice %arg2[%dma_wait3A_152, %dma_wait3A_153] : memref<10112x128xf32, #tpu.memory_space<hbm>> -> memref<128x128xf32, #tpu.memory_space<hbm>>
      %dma_wait3A_155 = arith.constant 0 : i32
      %dma_wait3A_156 = arith.constant 0 : i32
      %dma_wait3A_157 = tpu.memref_slice %arg9[%dma_wait3A_147, %dma_wait3A_155, %dma_wait3A_156] : memref<2x128x128xf32, #tpu.memory_space<vmem>> -> memref<1x128x128xf32, #tpu.memory_space<vmem>>
      %dma_wait3A_158 = tpu.memref_squeeze %dma_wait3A_157 : memref<1x128x128xf32, #tpu.memory_space<vmem>> -> memref<128x128xf32, #tpu.memory_space<vmem>>
      %dma_wait3A_159 = arith.constant 0 : i32
      %dma_wait3A_160 = arith.constant 0 : i32
      %dma_wait3A_161 = tpu.memref_slice %arg2[%dma_wait3A_159, %dma_wait3A_160] : memref<10112x128xf32, #tpu.memory_space<hbm>> -> memref<128x128xf32, #tpu.memory_space<hbm>>
      tpu.wait_dma2 semaphore(%arg11 : memref<!tpu.dma_semaphore, #tpu.memory_space<semaphore_mem>>) src(%dma_wait3A_161 : memref<128x128xf32, #tpu.memory_space<hbm>>) dst(%dma_wait3A_158 : memref<128x128xf32, #tpu.memory_space<vmem>>)
      %run_scoped3A_162 = arith.constant 1 : i32
      %run_scoped3A_163 = arith.constant 3 : i32
      "tpu.region"() ({
        %run_scoped3A_252 = tpu.sem_alloc : memref<!tpu.dma_semaphore, #tpu.memory_space<semaphore_mem>>
        %dma_start3A_253 = arith.constant 0 : i32
        %dma_start3A_254 = arith.constant 0 : i32
        %dma_start3A_255 = tpu.memref_slice %arg9[%run_scoped3A_162, %dma_start3A_253, %dma_start3A_254] : memref<2x128x128xf32, #tpu.memory_space<vmem>> -> memref<1x128x128xf32, #tpu.memory_space<vmem>>
        %dma_start3A_256 = tpu.memref_squeeze %dma_start3A_255 : memref<1x128x128xf32, #tpu.memory_space<vmem>> -> memref<128x128xf32, #tpu.memory_space<vmem>>
        %dma_start3A_257 = arith.constant 0 : i32
        %dma_start3A_258 = tpu.memref_slice %arg8[%run_scoped3A_163, %dma_start3A_257] : memref<8x128xi32, #tpu.memory_space<vmem>> -> memref<1x128xi32, #tpu.memory_space<vmem>>
        %dma_start3A_259 = tpu.memref_squeeze %dma_start3A_258 : memref<1x128xi32, #tpu.memory_space<vmem>> -> memref<128xi32, #tpu.memory_space<vmem>>
        %dma_start3A_260 = arith.constant 0 : i32
        %dma_start3A_261 = arith.constant 0 : i32
        %dma_start3A_262 = tpu.memref_slice %arg10[%dma_start3A_260, %dma_start3A_261] : memref<10112x128xf32, #tpu.memory_space<vmem_shared>> -> memref<10112x128xf32, #tpu.memory_space<vmem_shared>>
        tpu.enqueue_indirect_dma source(%dma_start3A_256 : memref<128x128xf32, #tpu.memory_space<vmem>>) target(%dma_start3A_262 : memref<10112x128xf32, #tpu.memory_space<vmem_shared>>) offsets(%dma_start3A_259 : memref<128xi32, #tpu.memory_space<vmem>>) semaphore(%run_scoped3A_252 : memref<!tpu.dma_semaphore, #tpu.memory_space<semaphore_mem>>) {add = true}
        %dma_wait3A_263 = arith.constant 0 : i32
        %dma_wait3A_264 = arith.constant 0 : i32
        %dma_wait3A_265 = tpu.memref_slice %arg9[%run_scoped3A_162, %dma_wait3A_263, %dma_wait3A_264] : memref<2x128x128xf32, #tpu.memory_space<vmem>> -> memref<1x128x128xf32, #tpu.memory_space<vmem>>
        %dma_wait3A_266 = tpu.memref_squeeze %dma_wait3A_265 : memref<1x128x128xf32, #tpu.memory_space<vmem>> -> memref<128x128xf32, #tpu.memory_space<vmem>>
        %dma_wait3A_267 = arith.constant 0 : i32
        %dma_wait3A_268 = tpu.memref_slice %arg8[%run_scoped3A_163, %dma_wait3A_267] : memref<8x128xi32, #tpu.memory_space<vmem>> -> memref<1x128xi32, #tpu.memory_space<vmem>>
        %dma_wait3A_269 = tpu.memref_squeeze %dma_wait3A_268 : memref<1x128xi32, #tpu.memory_space<vmem>> -> memref<128xi32, #tpu.memory_space<vmem>>
        %dma_wait3A_270 = arith.constant 0 : i32
        %dma_wait3A_271 = arith.constant 0 : i32
        %dma_wait3A_272 = tpu.memref_slice %arg10[%dma_wait3A_270, %dma_wait3A_271] : memref<10112x128xf32, #tpu.memory_space<vmem_shared>> -> memref<10112x128xf32, #tpu.memory_space<vmem_shared>>
        tpu.wait_indirect_dma semaphore(%run_scoped3A_252 : memref<!tpu.dma_semaphore, #tpu.memory_space<semaphore_mem>>) src(%dma_wait3A_266 : memref<128x128xf32, #tpu.memory_space<vmem>>) dst(%dma_wait3A_272 : memref<10112x128xf32, #tpu.memory_space<vmem_shared>>)
        tpu.yield
      }) : () -> ()
      %dma_start3A_164 = arith.constant 5 : i32
      %dma_start3A_165 = arith.constant 1 : i32
      %dma_start3A_166 = arith.constant 0 : i32
      %dma_start3A_167 = arith.constant 0 : i32
      %dma_start3A_168 = tpu.memref_slice %arg9[%dma_start3A_165, %dma_start3A_166, %dma_start3A_167] : memref<2x128x128xf32, #tpu.memory_space<vmem>> -> memref<1x128x128xf32, #tpu.memory_space<vmem>>
      %dma_start3A_169 = tpu.memref_squeeze %dma_start3A_168 : memref<1x128x128xf32, #tpu.memory_space<vmem>> -> memref<128x128xf32, #tpu.memory_space<vmem>>
      %dma_start3A_170 = arith.constant 0 : i32
      %dma_start3A_171 = tpu.memref_slice %arg7[%dma_start3A_164, %dma_start3A_170] : memref<8x128xi32, #tpu.memory_space<vmem>> -> memref<1x128xi32, #tpu.memory_space<vmem>>
      %dma_start3A_172 = tpu.memref_squeeze %dma_start3A_171 : memref<1x128xi32, #tpu.memory_space<vmem>> -> memref<128xi32, #tpu.memory_space<vmem>>
      %dma_start3A_173 = arith.constant 0 : i32
      %dma_start3A_174 = arith.constant 0 : i32
      %dma_start3A_175 = tpu.memref_slice %arg2[%dma_start3A_173, %dma_start3A_174] : memref<10112x128xf32, #tpu.memory_space<hbm>> -> memref<10112x128xf32, #tpu.memory_space<hbm>>
      tpu.enqueue_indirect_dma source(%dma_start3A_175 : memref<10112x128xf32, #tpu.memory_space<hbm>>) target(%dma_start3A_169 : memref<128x128xf32, #tpu.memory_space<vmem>>) offsets(%dma_start3A_172 : memref<128xi32, #tpu.memory_space<vmem>>) semaphore(%arg11 : memref<!tpu.dma_semaphore, #tpu.memory_space<semaphore_mem>>)
      %dma_wait3A_176 = arith.constant 0 : i32
      %dma_wait3A_177 = arith.constant 0 : i32
      %dma_wait3A_178 = arith.constant 0 : i32
      %dma_wait3A_179 = tpu.memref_slice %arg9[%dma_wait3A_176, %dma_wait3A_177, %dma_wait3A_178] : memref<2x128x128xf32, #tpu.memory_space<vmem>> -> memref<1x128x128xf32, #tpu.memory_space<vmem>>
      %dma_wait3A_180 = tpu.memref_squeeze %dma_wait3A_179 : memref<1x128x128xf32, #tpu.memory_space<vmem>> -> memref<128x128xf32, #tpu.memory_space<vmem>>
      %dma_wait3A_181 = arith.constant 0 : i32
      %dma_wait3A_182 = arith.constant 0 : i32
      %dma_wait3A_183 = tpu.memref_slice %arg2[%dma_wait3A_181, %dma_wait3A_182] : memref<10112x128xf32, #tpu.memory_space<hbm>> -> memref<128x128xf32, #tpu.memory_space<hbm>>
      %dma_wait3A_184 = arith.constant 0 : i32
      %dma_wait3A_185 = arith.constant 0 : i32
      %dma_wait3A_186 = tpu.memref_slice %arg9[%dma_wait3A_176, %dma_wait3A_184, %dma_wait3A_185] : memref<2x128x128xf32, #tpu.memory_space<vmem>> -> memref<1x128x128xf32, #tpu.memory_space<vmem>>
      %dma_wait3A_187 = tpu.memref_squeeze %dma_wait3A_186 : memref<1x128x128xf32, #tpu.memory_space<vmem>> -> memref<128x128xf32, #tpu.memory_space<vmem>>
      %dma_wait3A_188 = arith.constant 0 : i32
      %dma_wait3A_189 = arith.constant 0 : i32
      %dma_wait3A_190 = tpu.memref_slice %arg2[%dma_wait3A_188, %dma_wait3A_189] : memref<10112x128xf32, #tpu.memory_space<hbm>> -> memref<128x128xf32, #tpu.memory_space<hbm>>
      tpu.wait_dma2 semaphore(%arg11 : memref<!tpu.dma_semaphore, #tpu.memory_space<semaphore_mem>>) src(%dma_wait3A_190 : memref<128x128xf32, #tpu.memory_space<hbm>>) dst(%dma_wait3A_187 : memref<128x128xf32, #tpu.memory_space<vmem>>)
      %run_scoped3A_191 = arith.constant 0 : i32
      %run_scoped3A_192 = arith.constant 4 : i32
      "tpu.region"() ({
        %run_scoped3A_252 = tpu.sem_alloc : memref<!tpu.dma_semaphore, #tpu.memory_space<semaphore_mem>>
        %dma_start3A_253 = arith.constant 0 : i32
        %dma_start3A_254 = arith.constant 0 : i32
        %dma_start3A_255 = tpu.memref_slice %arg9[%run_scoped3A_191, %dma_start3A_253, %dma_start3A_254] : memref<2x128x128xf32, #tpu.memory_space<vmem>> -> memref<1x128x128xf32, #tpu.memory_space<vmem>>
        %dma_start3A_256 = tpu.memref_squeeze %dma_start3A_255 : memref<1x128x128xf32, #tpu.memory_space<vmem>> -> memref<128x128xf32, #tpu.memory_space<vmem>>
        %dma_start3A_257 = arith.constant 0 : i32
        %dma_start3A_258 = tpu.memref_slice %arg8[%run_scoped3A_192, %dma_start3A_257] : memref<8x128xi32, #tpu.memory_space<vmem>> -> memref<1x128xi32, #tpu.memory_space<vmem>>
        %dma_start3A_259 = tpu.memref_squeeze %dma_start3A_258 : memref<1x128xi32, #tpu.memory_space<vmem>> -> memref<128xi32, #tpu.memory_space<vmem>>
        %dma_start3A_260 = arith.constant 0 : i32
        %dma_start3A_261 = arith.constant 0 : i32
        %dma_start3A_262 = tpu.memref_slice %arg10[%dma_start3A_260, %dma_start3A_261] : memref<10112x128xf32, #tpu.memory_space<vmem_shared>> -> memref<10112x128xf32, #tpu.memory_space<vmem_shared>>
        tpu.enqueue_indirect_dma source(%dma_start3A_256 : memref<128x128xf32, #tpu.memory_space<vmem>>) target(%dma_start3A_262 : memref<10112x128xf32, #tpu.memory_space<vmem_shared>>) offsets(%dma_start3A_259 : memref<128xi32, #tpu.memory_space<vmem>>) semaphore(%run_scoped3A_252 : memref<!tpu.dma_semaphore, #tpu.memory_space<semaphore_mem>>) {add = true}
        %dma_wait3A_263 = arith.constant 0 : i32
        %dma_wait3A_264 = arith.constant 0 : i32
        %dma_wait3A_265 = tpu.memref_slice %arg9[%run_scoped3A_191, %dma_wait3A_263, %dma_wait3A_264] : memref<2x128x128xf32, #tpu.memory_space<vmem>> -> memref<1x128x128xf32, #tpu.memory_space<vmem>>
        %dma_wait3A_266 = tpu.memref_squeeze %dma_wait3A_265 : memref<1x128x128xf32, #tpu.memory_space<vmem>> -> memref<128x128xf32, #tpu.memory_space<vmem>>
        %dma_wait3A_267 = arith.constant 0 : i32
        %dma_wait3A_268 = tpu.memref_slice %arg8[%run_scoped3A_192, %dma_wait3A_267] : memref<8x128xi32, #tpu.memory_space<vmem>> -> memref<1x128xi32, #tpu.memory_space<vmem>>
        %dma_wait3A_269 = tpu.memref_squeeze %dma_wait3A_268 : memref<1x128xi32, #tpu.memory_space<vmem>> -> memref<128xi32, #tpu.memory_space<vmem>>
        %dma_wait3A_270 = arith.constant 0 : i32
        %dma_wait3A_271 = arith.constant 0 : i32
        %dma_wait3A_272 = tpu.memref_slice %arg10[%dma_wait3A_270, %dma_wait3A_271] : memref<10112x128xf32, #tpu.memory_space<vmem_shared>> -> memref<10112x128xf32, #tpu.memory_space<vmem_shared>>
        tpu.wait_indirect_dma semaphore(%run_scoped3A_252 : memref<!tpu.dma_semaphore, #tpu.memory_space<semaphore_mem>>) src(%dma_wait3A_266 : memref<128x128xf32, #tpu.memory_space<vmem>>) dst(%dma_wait3A_272 : memref<10112x128xf32, #tpu.memory_space<vmem_shared>>)
        tpu.yield
      }) : () -> ()
      %dma_start3A_193 = arith.constant 6 : i32
      %dma_start3A_194 = arith.constant 0 : i32
      %dma_start3A_195 = arith.constant 0 : i32
      %dma_start3A_196 = arith.constant 0 : i32
      %dma_start3A_197 = tpu.memref_slice %arg9[%dma_start3A_194, %dma_start3A_195, %dma_start3A_196] : memref<2x128x128xf32, #tpu.memory_space<vmem>> -> memref<1x128x128xf32, #tpu.memory_space<vmem>>
      %dma_start3A_198 = tpu.memref_squeeze %dma_start3A_197 : memref<1x128x128xf32, #tpu.memory_space<vmem>> -> memref<128x128xf32, #tpu.memory_space<vmem>>
      %dma_start3A_199 = arith.constant 0 : i32
      %dma_start3A_200 = tpu.memref_slice %arg7[%dma_start3A_193, %dma_start3A_199] : memref<8x128xi32, #tpu.memory_space<vmem>> -> memref<1x128xi32, #tpu.memory_space<vmem>>
      %dma_start3A_201 = tpu.memref_squeeze %dma_start3A_200 : memref<1x128xi32, #tpu.memory_space<vmem>> -> memref<128xi32, #tpu.memory_space<vmem>>
      %dma_start3A_202 = arith.constant 0 : i32
      %dma_start3A_203 = arith.constant 0 : i32
      %dma_start3A_204 = tpu.memref_slice %arg2[%dma_start3A_202, %dma_start3A_203] : memref<10112x128xf32, #tpu.memory_space<hbm>> -> memref<10112x128xf32, #tpu.memory_space<hbm>>
      tpu.enqueue_indirect_dma source(%dma_start3A_204 : memref<10112x128xf32, #tpu.memory_space<hbm>>) target(%dma_start3A_198 : memref<128x128xf32, #tpu.memory_space<vmem>>) offsets(%dma_start3A_201 : memref<128xi32, #tpu.memory_space<vmem>>) semaphore(%arg11 : memref<!tpu.dma_semaphore, #tpu.memory_space<semaphore_mem>>)
      %dma_wait3A_205 = arith.constant 1 : i32
      %dma_wait3A_206 = arith.constant 0 : i32
      %dma_wait3A_207 = arith.constant 0 : i32
      %dma_wait3A_208 = tpu.memref_slice %arg9[%dma_wait3A_205, %dma_wait3A_206, %dma_wait3A_207] : memref<2x128x128xf32, #tpu.memory_space<vmem>> -> memref<1x128x128xf32, #tpu.memory_space<vmem>>
      %dma_wait3A_209 = tpu.memref_squeeze %dma_wait3A_208 : memref<1x128x128xf32, #tpu.memory_space<vmem>> -> memref<128x128xf32, #tpu.memory_space<vmem>>
      %dma_wait3A_210 = arith.constant 0 : i32
      %dma_wait3A_211 = arith.constant 0 : i32
      %dma_wait3A_212 = tpu.memref_slice %arg2[%dma_wait3A_210, %dma_wait3A_211] : memref<10112x128xf32, #tpu.memory_space<hbm>> -> memref<128x128xf32, #tpu.memory_space<hbm>>
      %dma_wait3A_213 = arith.constant 0 : i32
      %dma_wait3A_214 = arith.constant 0 : i32
      %dma_wait3A_215 = tpu.memref_slice %arg9[%dma_wait3A_205, %dma_wait3A_213, %dma_wait3A_214] : memref<2x128x128xf32, #tpu.memory_space<vmem>> -> memref<1x128x128xf32, #tpu.memory_space<vmem>>
      %dma_wait3A_216 = tpu.memref_squeeze %dma_wait3A_215 : memref<1x128x128xf32, #tpu.memory_space<vmem>> -> memref<128x128xf32, #tpu.memory_space<vmem>>
      %dma_wait3A_217 = arith.constant 0 : i32
      %dma_wait3A_218 = arith.constant 0 : i32
      %dma_wait3A_219 = tpu.memref_slice %arg2[%dma_wait3A_217, %dma_wait3A_218] : memref<10112x128xf32, #tpu.memory_space<hbm>> -> memref<128x128xf32, #tpu.memory_space<hbm>>
      tpu.wait_dma2 semaphore(%arg11 : memref<!tpu.dma_semaphore, #tpu.memory_space<semaphore_mem>>) src(%dma_wait3A_219 : memref<128x128xf32, #tpu.memory_space<hbm>>) dst(%dma_wait3A_216 : memref<128x128xf32, #tpu.memory_space<vmem>>)
      %run_scoped3A_220 = arith.constant 1 : i32
      %run_scoped3A_221 = arith.constant 5 : i32
      "tpu.region"() ({
        %run_scoped3A_252 = tpu.sem_alloc : memref<!tpu.dma_semaphore, #tpu.memory_space<semaphore_mem>>
        %dma_start3A_253 = arith.constant 0 : i32
        %dma_start3A_254 = arith.constant 0 : i32
        %dma_start3A_255 = tpu.memref_slice %arg9[%run_scoped3A_220, %dma_start3A_253, %dma_start3A_254] : memref<2x128x128xf32, #tpu.memory_space<vmem>> -> memref<1x128x128xf32, #tpu.memory_space<vmem>>
        %dma_start3A_256 = tpu.memref_squeeze %dma_start3A_255 : memref<1x128x128xf32, #tpu.memory_space<vmem>> -> memref<128x128xf32, #tpu.memory_space<vmem>>
        %dma_start3A_257 = arith.constant 0 : i32
        %dma_start3A_258 = tpu.memref_slice %arg8[%run_scoped3A_221, %dma_start3A_257] : memref<8x128xi32, #tpu.memory_space<vmem>> -> memref<1x128xi32, #tpu.memory_space<vmem>>
        %dma_start3A_259 = tpu.memref_squeeze %dma_start3A_258 : memref<1x128xi32, #tpu.memory_space<vmem>> -> memref<128xi32, #tpu.memory_space<vmem>>
        %dma_start3A_260 = arith.constant 0 : i32
        %dma_start3A_261 = arith.constant 0 : i32
        %dma_start3A_262 = tpu.memref_slice %arg10[%dma_start3A_260, %dma_start3A_261] : memref<10112x128xf32, #tpu.memory_space<vmem_shared>> -> memref<10112x128xf32, #tpu.memory_space<vmem_shared>>
        tpu.enqueue_indirect_dma source(%dma_start3A_256 : memref<128x128xf32, #tpu.memory_space<vmem>>) target(%dma_start3A_262 : memref<10112x128xf32, #tpu.memory_space<vmem_shared>>) offsets(%dma_start3A_259 : memref<128xi32, #tpu.memory_space<vmem>>) semaphore(%run_scoped3A_252 : memref<!tpu.dma_semaphore, #tpu.memory_space<semaphore_mem>>) {add = true}
        %dma_wait3A_263 = arith.constant 0 : i32
        %dma_wait3A_264 = arith.constant 0 : i32
        %dma_wait3A_265 = tpu.memref_slice %arg9[%run_scoped3A_220, %dma_wait3A_263, %dma_wait3A_264] : memref<2x128x128xf32, #tpu.memory_space<vmem>> -> memref<1x128x128xf32, #tpu.memory_space<vmem>>
        %dma_wait3A_266 = tpu.memref_squeeze %dma_wait3A_265 : memref<1x128x128xf32, #tpu.memory_space<vmem>> -> memref<128x128xf32, #tpu.memory_space<vmem>>
        %dma_wait3A_267 = arith.constant 0 : i32
        %dma_wait3A_268 = tpu.memref_slice %arg8[%run_scoped3A_221, %dma_wait3A_267] : memref<8x128xi32, #tpu.memory_space<vmem>> -> memref<1x128xi32, #tpu.memory_space<vmem>>
        %dma_wait3A_269 = tpu.memref_squeeze %dma_wait3A_268 : memref<1x128xi32, #tpu.memory_space<vmem>> -> memref<128xi32, #tpu.memory_space<vmem>>
        %dma_wait3A_270 = arith.constant 0 : i32
        %dma_wait3A_271 = arith.constant 0 : i32
        %dma_wait3A_272 = tpu.memref_slice %arg10[%dma_wait3A_270, %dma_wait3A_271] : memref<10112x128xf32, #tpu.memory_space<vmem_shared>> -> memref<10112x128xf32, #tpu.memory_space<vmem_shared>>
        tpu.wait_indirect_dma semaphore(%run_scoped3A_252 : memref<!tpu.dma_semaphore, #tpu.memory_space<semaphore_mem>>) src(%dma_wait3A_266 : memref<128x128xf32, #tpu.memory_space<vmem>>) dst(%dma_wait3A_272 : memref<10112x128xf32, #tpu.memory_space<vmem_shared>>)
        tpu.yield
      }) : () -> ()
      %dma_start3A_222 = arith.constant 7 : i32
      %dma_start3A_223 = arith.constant 1 : i32
      %dma_start3A_224 = arith.constant 0 : i32
      %dma_start3A_225 = arith.constant 0 : i32
      %dma_start3A_226 = tpu.memref_slice %arg9[%dma_start3A_223, %dma_start3A_224, %dma_start3A_225] : memref<2x128x128xf32, #tpu.memory_space<vmem>> -> memref<1x128x128xf32, #tpu.memory_space<vmem>>
      %dma_start3A_227 = tpu.memref_squeeze %dma_start3A_226 : memref<1x128x128xf32, #tpu.memory_space<vmem>> -> memref<128x128xf32, #tpu.memory_space<vmem>>
      %dma_start3A_228 = arith.constant 0 : i32
      %dma_start3A_229 = tpu.memref_slice %arg7[%dma_start3A_222, %dma_start3A_228] : memref<8x128xi32, #tpu.memory_space<vmem>> -> memref<1x128xi32, #tpu.memory_space<vmem>>
      %dma_start3A_230 = tpu.memref_squeeze %dma_start3A_229 : memref<1x128xi32, #tpu.memory_space<vmem>> -> memref<128xi32, #tpu.memory_space<vmem>>
      %dma_start3A_231 = arith.constant 0 : i32
      %dma_start3A_232 = arith.constant 0 : i32
      %dma_start3A_233 = tpu.memref_slice %arg2[%dma_start3A_231, %dma_start3A_232] : memref<10112x128xf32, #tpu.memory_space<hbm>> -> memref<10112x128xf32, #tpu.memory_space<hbm>>
      tpu.enqueue_indirect_dma source(%dma_start3A_233 : memref<10112x128xf32, #tpu.memory_space<hbm>>) target(%dma_start3A_227 : memref<128x128xf32, #tpu.memory_space<vmem>>) offsets(%dma_start3A_230 : memref<128xi32, #tpu.memory_space<vmem>>) semaphore(%arg11 : memref<!tpu.dma_semaphore, #tpu.memory_space<semaphore_mem>>)
      %dma_wait3A_234 = arith.constant 0 : i32
      %dma_wait3A_235 = arith.constant 0 : i32
      %dma_wait3A_236 = arith.constant 0 : i32
      %dma_wait3A_237 = tpu.memref_slice %arg9[%dma_wait3A_234, %dma_wait3A_235, %dma_wait3A_236] : memref<2x128x128xf32, #tpu.memory_space<vmem>> -> memref<1x128x128xf32, #tpu.memory_space<vmem>>
      %dma_wait3A_238 = tpu.memref_squeeze %dma_wait3A_237 : memref<1x128x128xf32, #tpu.memory_space<vmem>> -> memref<128x128xf32, #tpu.memory_space<vmem>>
      %dma_wait3A_239 = arith.constant 0 : i32
      %dma_wait3A_240 = arith.constant 0 : i32
      %dma_wait3A_241 = tpu.memref_slice %arg2[%dma_wait3A_239, %dma_wait3A_240] : memref<10112x128xf32, #tpu.memory_space<hbm>> -> memref<128x128xf32, #tpu.memory_space<hbm>>
      %dma_wait3A_242 = arith.constant 0 : i32
      %dma_wait3A_243 = arith.constant 0 : i32
      %dma_wait3A_244 = tpu.memref_slice %arg9[%dma_wait3A_234, %dma_wait3A_242, %dma_wait3A_243] : memref<2x128x128xf32, #tpu.memory_space<vmem>> -> memref<1x128x128xf32, #tpu.memory_space<vmem>>
      %dma_wait3A_245 = tpu.memref_squeeze %dma_wait3A_244 : memref<1x128x128xf32, #tpu.memory_space<vmem>> -> memref<128x128xf32, #tpu.memory_space<vmem>>
      %dma_wait3A_246 = arith.constant 0 : i32
      %dma_wait3A_247 = arith.constant 0 : i32
      %dma_wait3A_248 = tpu.memref_slice %arg2[%dma_wait3A_246, %dma_wait3A_247] : memref<10112x128xf32, #tpu.memory_space<hbm>> -> memref<128x128xf32, #tpu.memory_space<hbm>>
      tpu.wait_dma2 semaphore(%arg11 : memref<!tpu.dma_semaphore, #tpu.memory_space<semaphore_mem>>) src(%dma_wait3A_248 : memref<128x128xf32, #tpu.memory_space<hbm>>) dst(%dma_wait3A_245 : memref<128x128xf32, #tpu.memory_space<vmem>>)
      %run_scoped3A_249 = arith.constant 0 : i32
      %run_scoped3A_250 = arith.constant 6 : i32
      "tpu.region"() ({
        %run_scoped3A_252 = tpu.sem_alloc : memref<!tpu.dma_semaphore, #tpu.memory_space<semaphore_mem>>
        %dma_start3A_253 = arith.constant 0 : i32
        %dma_start3A_254 = arith.constant 0 : i32
        %dma_start3A_255 = tpu.memref_slice %arg9[%run_scoped3A_249, %dma_start3A_253, %dma_start3A_254] : memref<2x128x128xf32, #tpu.memory_space<vmem>> -> memref<1x128x128xf32, #tpu.memory_space<vmem>>
        %dma_start3A_256 = tpu.memref_squeeze %dma_start3A_255 : memref<1x128x128xf32, #tpu.memory_space<vmem>> -> memref<128x128xf32, #tpu.memory_space<vmem>>
        %dma_start3A_257 = arith.constant 0 : i32
        %dma_start3A_258 = tpu.memref_slice %arg8[%run_scoped3A_250, %dma_start3A_257] : memref<8x128xi32, #tpu.memory_space<vmem>> -> memref<1x128xi32, #tpu.memory_space<vmem>>
        %dma_start3A_259 = tpu.memref_squeeze %dma_start3A_258 : memref<1x128xi32, #tpu.memory_space<vmem>> -> memref<128xi32, #tpu.memory_space<vmem>>
        %dma_start3A_260 = arith.constant 0 : i32
        %dma_start3A_261 = arith.constant 0 : i32
        %dma_start3A_262 = tpu.memref_slice %arg10[%dma_start3A_260, %dma_start3A_261] : memref<10112x128xf32, #tpu.memory_space<vmem_shared>> -> memref<10112x128xf32, #tpu.memory_space<vmem_shared>>
        tpu.enqueue_indirect_dma source(%dma_start3A_256 : memref<128x128xf32, #tpu.memory_space<vmem>>) target(%dma_start3A_262 : memref<10112x128xf32, #tpu.memory_space<vmem_shared>>) offsets(%dma_start3A_259 : memref<128xi32, #tpu.memory_space<vmem>>) semaphore(%run_scoped3A_252 : memref<!tpu.dma_semaphore, #tpu.memory_space<semaphore_mem>>) {add = true}
        %dma_wait3A_263 = arith.constant 0 : i32
        %dma_wait3A_264 = arith.constant 0 : i32
        %dma_wait3A_265 = tpu.memref_slice %arg9[%run_scoped3A_249, %dma_wait3A_263, %dma_wait3A_264] : memref<2x128x128xf32, #tpu.memory_space<vmem>> -> memref<1x128x128xf32, #tpu.memory_space<vmem>>
        %dma_wait3A_266 = tpu.memref_squeeze %dma_wait3A_265 : memref<1x128x128xf32, #tpu.memory_space<vmem>> -> memref<128x128xf32, #tpu.memory_space<vmem>>
        %dma_wait3A_267 = arith.constant 0 : i32
        %dma_wait3A_268 = tpu.memref_slice %arg8[%run_scoped3A_250, %dma_wait3A_267] : memref<8x128xi32, #tpu.memory_space<vmem>> -> memref<1x128xi32, #tpu.memory_space<vmem>>
        %dma_wait3A_269 = tpu.memref_squeeze %dma_wait3A_268 : memref<1x128xi32, #tpu.memory_space<vmem>> -> memref<128xi32, #tpu.memory_space<vmem>>
        %dma_wait3A_270 = arith.constant 0 : i32
        %dma_wait3A_271 = arith.constant 0 : i32
        %dma_wait3A_272 = tpu.memref_slice %arg10[%dma_wait3A_270, %dma_wait3A_271] : memref<10112x128xf32, #tpu.memory_space<vmem_shared>> -> memref<10112x128xf32, #tpu.memory_space<vmem_shared>>
        tpu.wait_indirect_dma semaphore(%run_scoped3A_252 : memref<!tpu.dma_semaphore, #tpu.memory_space<semaphore_mem>>) src(%dma_wait3A_266 : memref<128x128xf32, #tpu.memory_space<vmem>>) dst(%dma_wait3A_272 : memref<10112x128xf32, #tpu.memory_space<vmem_shared>>)
        tpu.yield
      }) : () -> ()
      %while3A_251 = arith.constant 0 : i32
      scf.yield %while3A_251 : i32
    }
    %while3A_20 = arith.constant 1 : i32
    %while3A_21 = scf.for %while3A_29 = %while3A_17 to %while3A_13 step %while3A_20 iter_args(%while3A_30 = %while3A_19) -> (i32)  : i32 {
      %gt3A_31 = arith.constant 0 : i32
      %gt3A_32 = arith.cmpi sgt, %while3A_29, %gt3A_31 : i32
      %convert_element_type3A_33 = arith.extui %gt3A_32 : i1 to i32
      %cond3A_34 = arith.constant 0 : i32
      %cond3A_35 = arith.cmpi ne, %convert_element_type3A_33, %cond3A_34 : i32
      scf.if %cond3A_35 {
        %dma_wait3A_252 = arith.constant 1 : i32
        %dma_wait3A_253 = arith.constant 0 : i32
        %dma_wait3A_254 = arith.constant 0 : i32
        %dma_wait3A_255 = tpu.memref_slice %arg9[%dma_wait3A_252, %dma_wait3A_253, %dma_wait3A_254] : memref<2x128x128xf32, #tpu.memory_space<vmem>> -> memref<1x128x128xf32, #tpu.memory_space<vmem>>
        %dma_wait3A_256 = tpu.memref_squeeze %dma_wait3A_255 : memref<1x128x128xf32, #tpu.memory_space<vmem>> -> memref<128x128xf32, #tpu.memory_space<vmem>>
        %dma_wait3A_257 = arith.constant 0 : i32
        %dma_wait3A_258 = arith.constant 0 : i32
        %dma_wait3A_259 = tpu.memref_slice %arg2[%dma_wait3A_257, %dma_wait3A_258] : memref<10112x128xf32, #tpu.memory_space<hbm>> -> memref<128x128xf32, #tpu.memory_space<hbm>>
        %dma_wait3A_260 = arith.constant 0 : i32
        %dma_wait3A_261 = arith.constant 0 : i32
        %dma_wait3A_262 = tpu.memref_slice %arg9[%dma_wait3A_252, %dma_wait3A_260, %dma_wait3A_261] : memref<2x128x128xf32, #tpu.memory_space<vmem>> -> memref<1x128x128xf32, #tpu.memory_space<vmem>>
        %dma_wait3A_263 = tpu.memref_squeeze %dma_wait3A_262 : memref<1x128x128xf32, #tpu.memory_space<vmem>> -> memref<128x128xf32, #tpu.memory_space<vmem>>
        %dma_wait3A_264 = arith.constant 0 : i32
        %dma_wait3A_265 = arith.constant 0 : i32
        %dma_wait3A_266 = tpu.memref_slice %arg2[%dma_wait3A_264, %dma_wait3A_265] : memref<10112x128xf32, #tpu.memory_space<hbm>> -> memref<128x128xf32, #tpu.memory_space<hbm>>
        tpu.wait_dma2 semaphore(%arg11 : memref<!tpu.dma_semaphore, #tpu.memory_space<semaphore_mem>>) src(%dma_wait3A_266 : memref<128x128xf32, #tpu.memory_space<hbm>>) dst(%dma_wait3A_263 : memref<128x128xf32, #tpu.memory_space<vmem>>)
        %run_scoped3A_267 = arith.constant 1 : i32
        %run_scoped3A_268 = arith.constant 7 : i32
        "tpu.region"() ({
          %run_scoped3A_269 = tpu.sem_alloc : memref<!tpu.dma_semaphore, #tpu.memory_space<semaphore_mem>>
          %dma_start3A_270 = arith.constant 0 : i32
          %dma_start3A_271 = arith.constant 0 : i32
          %dma_start3A_272 = tpu.memref_slice %arg9[%run_scoped3A_267, %dma_start3A_270, %dma_start3A_271] : memref<2x128x128xf32, #tpu.memory_space<vmem>> -> memref<1x128x128xf32, #tpu.memory_space<vmem>>
          %dma_start3A_273 = tpu.memref_squeeze %dma_start3A_272 : memref<1x128x128xf32, #tpu.memory_space<vmem>> -> memref<128x128xf32, #tpu.memory_space<vmem>>
          %dma_start3A_274 = arith.constant 0 : i32
          %dma_start3A_275 = tpu.memref_slice %arg8[%run_scoped3A_268, %dma_start3A_274] : memref<8x128xi32, #tpu.memory_space<vmem>> -> memref<1x128xi32, #tpu.memory_space<vmem>>
          %dma_start3A_276 = tpu.memref_squeeze %dma_start3A_275 : memref<1x128xi32, #tpu.memory_space<vmem>> -> memref<128xi32, #tpu.memory_space<vmem>>
          %dma_start3A_277 = arith.constant 0 : i32
          %dma_start3A_278 = arith.constant 0 : i32
          %dma_start3A_279 = tpu.memref_slice %arg10[%dma_start3A_277, %dma_start3A_278] : memref<10112x128xf32, #tpu.memory_space<vmem_shared>> -> memref<10112x128xf32, #tpu.memory_space<vmem_shared>>
          tpu.enqueue_indirect_dma source(%dma_start3A_273 : memref<128x128xf32, #tpu.memory_space<vmem>>) target(%dma_start3A_279 : memref<10112x128xf32, #tpu.memory_space<vmem_shared>>) offsets(%dma_start3A_276 : memref<128xi32, #tpu.memory_space<vmem>>) semaphore(%run_scoped3A_269 : memref<!tpu.dma_semaphore, #tpu.memory_space<semaphore_mem>>) {add = true}
          %dma_wait3A_280 = arith.constant 0 : i32
          %dma_wait3A_281 = arith.constant 0 : i32
          %dma_wait3A_282 = tpu.memref_slice %arg9[%run_scoped3A_267, %dma_wait3A_280, %dma_wait3A_281] : memref<2x128x128xf32, #tpu.memory_space<vmem>> -> memref<1x128x128xf32, #tpu.memory_space<vmem>>
          %dma_wait3A_283 = tpu.memref_squeeze %dma_wait3A_282 : memref<1x128x128xf32, #tpu.memory_space<vmem>> -> memref<128x128xf32, #tpu.memory_space<vmem>>
          %dma_wait3A_284 = arith.constant 0 : i32
          %dma_wait3A_285 = tpu.memref_slice %arg8[%run_scoped3A_268, %dma_wait3A_284] : memref<8x128xi32, #tpu.memory_space<vmem>> -> memref<1x128xi32, #tpu.memory_space<vmem>>
          %dma_wait3A_286 = tpu.memref_squeeze %dma_wait3A_285 : memref<1x128xi32, #tpu.memory_space<vmem>> -> memref<128xi32, #tpu.memory_space<vmem>>
          %dma_wait3A_287 = arith.constant 0 : i32
          %dma_wait3A_288 = arith.constant 0 : i32
          %dma_wait3A_289 = tpu.memref_slice %arg10[%dma_wait3A_287, %dma_wait3A_288] : memref<10112x128xf32, #tpu.memory_space<vmem_shared>> -> memref<10112x128xf32, #tpu.memory_space<vmem_shared>>
          tpu.wait_indirect_dma semaphore(%run_scoped3A_269 : memref<!tpu.dma_semaphore, #tpu.memory_space<semaphore_mem>>) src(%dma_wait3A_283 : memref<128x128xf32, #tpu.memory_space<vmem>>) dst(%dma_wait3A_289 : memref<10112x128xf32, #tpu.memory_space<vmem_shared>>)
          tpu.yield
        }) : () -> ()
      } else {
      }
      %mul3A_36 = arith.constant 8 : i32
      %mul3A_37 = arith.muli %while3A_29, %mul3A_36 : i32
      %add3A_38 = arith.addi %select_n3A, %mul3A_37 : i32
      "tpu.region"() ({
        %run_scoped3A_252 = tpu.sem_alloc : memref<!tpu.dma_semaphore, #tpu.memory_space<semaphore_mem>>
        %dma_start3A_253 = arith.constant 0 : i32
        %dma_start3A_254 = tpu.memref_slice %arg3[%add3A_38, %dma_start3A_253] : memref<2560x128xi32, #tpu.memory_space<hbm>> -> memref<8x128xi32, #tpu.memory_space<hbm>>
        %dma_start3A_255 = arith.constant 0 : i32
        %dma_start3A_256 = tpu.memref_slice %arg3[%add3A_38, %dma_start3A_255] : memref<2560x128xi32, #tpu.memory_space<hbm>> -> memref<8x128xi32, #tpu.memory_space<hbm>>
        tpu.enqueue_dma source(%dma_start3A_256 : memref<8x128xi32, #tpu.memory_space<hbm>>) target(%arg7 : memref<8x128xi32, #tpu.memory_space<vmem>>) target_semaphore(%run_scoped3A_252 : memref<!tpu.dma_semaphore, #tpu.memory_space<semaphore_mem>>)
        %dma_wait3A_257 = arith.constant 0 : i32
        %dma_wait3A_258 = tpu.memref_slice %arg3[%add3A_38, %dma_wait3A_257] : memref<2560x128xi32, #tpu.memory_space<hbm>> -> memref<8x128xi32, #tpu.memory_space<hbm>>
        %dma_wait3A_259 = arith.constant 0 : i32
        %dma_wait3A_260 = tpu.memref_slice %arg3[%add3A_38, %dma_wait3A_259] : memref<2560x128xi32, #tpu.memory_space<hbm>> -> memref<8x128xi32, #tpu.memory_space<hbm>>
        tpu.wait_dma2 semaphore(%run_scoped3A_252 : memref<!tpu.dma_semaphore, #tpu.memory_space<semaphore_mem>>) src(%dma_wait3A_260 : memref<8x128xi32, #tpu.memory_space<hbm>>) dst(%arg7 : memref<8x128xi32, #tpu.memory_space<vmem>>)
        tpu.yield
      }) : () -> ()
      "tpu.region"() ({
        %run_scoped3A_252 = tpu.sem_alloc : memref<!tpu.dma_semaphore, #tpu.memory_space<semaphore_mem>>
        %dma_start3A_253 = arith.constant 0 : i32
        %dma_start3A_254 = tpu.memref_slice %arg4[%add3A_38, %dma_start3A_253] : memref<2560x128xi32, #tpu.memory_space<hbm>> -> memref<8x128xi32, #tpu.memory_space<hbm>>
        %dma_start3A_255 = arith.constant 0 : i32
        %dma_start3A_256 = tpu.memref_slice %arg4[%add3A_38, %dma_start3A_255] : memref<2560x128xi32, #tpu.memory_space<hbm>> -> memref<8x128xi32, #tpu.memory_space<hbm>>
        tpu.enqueue_dma source(%dma_start3A_256 : memref<8x128xi32, #tpu.memory_space<hbm>>) target(%arg8 : memref<8x128xi32, #tpu.memory_space<vmem>>) target_semaphore(%run_scoped3A_252 : memref<!tpu.dma_semaphore, #tpu.memory_space<semaphore_mem>>)
        %dma_wait3A_257 = arith.constant 0 : i32
        %dma_wait3A_258 = tpu.memref_slice %arg4[%add3A_38, %dma_wait3A_257] : memref<2560x128xi32, #tpu.memory_space<hbm>> -> memref<8x128xi32, #tpu.memory_space<hbm>>
        %dma_wait3A_259 = arith.constant 0 : i32
        %dma_wait3A_260 = tpu.memref_slice %arg4[%add3A_38, %dma_wait3A_259] : memref<2560x128xi32, #tpu.memory_space<hbm>> -> memref<8x128xi32, #tpu.memory_space<hbm>>
        tpu.wait_dma2 semaphore(%run_scoped3A_252 : memref<!tpu.dma_semaphore, #tpu.memory_space<semaphore_mem>>) src(%dma_wait3A_260 : memref<8x128xi32, #tpu.memory_space<hbm>>) dst(%arg8 : memref<8x128xi32, #tpu.memory_space<vmem>>)
        tpu.yield
      }) : () -> ()
      %dma_start3A = arith.constant 0 : i32
      %dma_start3A_39 = arith.constant 0 : i32
      %dma_start3A_40 = arith.constant 0 : i32
      %dma_start3A_41 = arith.constant 0 : i32
      %dma_start3A_42 = tpu.memref_slice %arg9[%dma_start3A_39, %dma_start3A_40, %dma_start3A_41] : memref<2x128x128xf32, #tpu.memory_space<vmem>> -> memref<1x128x128xf32, #tpu.memory_space<vmem>>
      %dma_start3A_43 = tpu.memref_squeeze %dma_start3A_42 : memref<1x128x128xf32, #tpu.memory_space<vmem>> -> memref<128x128xf32, #tpu.memory_space<vmem>>
      %dma_start3A_44 = arith.constant 0 : i32
      %dma_start3A_45 = tpu.memref_slice %arg7[%dma_start3A, %dma_start3A_44] : memref<8x128xi32, #tpu.memory_space<vmem>> -> memref<1x128xi32, #tpu.memory_space<vmem>>
      %dma_start3A_46 = tpu.memref_squeeze %dma_start3A_45 : memref<1x128xi32, #tpu.memory_space<vmem>> -> memref<128xi32, #tpu.memory_space<vmem>>
      %dma_start3A_47 = arith.constant 0 : i32
      %dma_start3A_48 = arith.constant 0 : i32
      %dma_start3A_49 = tpu.memref_slice %arg2[%dma_start3A_47, %dma_start3A_48] : memref<10112x128xf32, #tpu.memory_space<hbm>> -> memref<10112x128xf32, #tpu.memory_space<hbm>>
      tpu.enqueue_indirect_dma source(%dma_start3A_49 : memref<10112x128xf32, #tpu.memory_space<hbm>>) target(%dma_start3A_43 : memref<128x128xf32, #tpu.memory_space<vmem>>) offsets(%dma_start3A_46 : memref<128xi32, #tpu.memory_space<vmem>>) semaphore(%arg11 : memref<!tpu.dma_semaphore, #tpu.memory_space<semaphore_mem>>)
      %dma_start3A_50 = arith.constant 1 : i32
      %dma_start3A_51 = arith.constant 1 : i32
      %dma_start3A_52 = arith.constant 0 : i32
      %dma_start3A_53 = arith.constant 0 : i32
      %dma_start3A_54 = tpu.memref_slice %arg9[%dma_start3A_51, %dma_start3A_52, %dma_start3A_53] : memref<2x128x128xf32, #tpu.memory_space<vmem>> -> memref<1x128x128xf32, #tpu.memory_space<vmem>>
      %dma_start3A_55 = tpu.memref_squeeze %dma_start3A_54 : memref<1x128x128xf32, #tpu.memory_space<vmem>> -> memref<128x128xf32, #tpu.memory_space<vmem>>
      %dma_start3A_56 = arith.constant 0 : i32
      %dma_start3A_57 = tpu.memref_slice %arg7[%dma_start3A_50, %dma_start3A_56] : memref<8x128xi32, #tpu.memory_space<vmem>> -> memref<1x128xi32, #tpu.memory_space<vmem>>
      %dma_start3A_58 = tpu.memref_squeeze %dma_start3A_57 : memref<1x128xi32, #tpu.memory_space<vmem>> -> memref<128xi32, #tpu.memory_space<vmem>>
      %dma_start3A_59 = arith.constant 0 : i32
      %dma_start3A_60 = arith.constant 0 : i32
      %dma_start3A_61 = tpu.memref_slice %arg2[%dma_start3A_59, %dma_start3A_60] : memref<10112x128xf32, #tpu.memory_space<hbm>> -> memref<10112x128xf32, #tpu.memory_space<hbm>>
      tpu.enqueue_indirect_dma source(%dma_start3A_61 : memref<10112x128xf32, #tpu.memory_space<hbm>>) target(%dma_start3A_55 : memref<128x128xf32, #tpu.memory_space<vmem>>) offsets(%dma_start3A_58 : memref<128xi32, #tpu.memory_space<vmem>>) semaphore(%arg11 : memref<!tpu.dma_semaphore, #tpu.memory_space<semaphore_mem>>)
      %dma_wait3A = arith.constant 0 : i32
      %dma_wait3A_62 = arith.constant 0 : i32
      %dma_wait3A_63 = arith.constant 0 : i32
      %dma_wait3A_64 = tpu.memref_slice %arg9[%dma_wait3A, %dma_wait3A_62, %dma_wait3A_63] : memref<2x128x128xf32, #tpu.memory_space<vmem>> -> memref<1x128x128xf32, #tpu.memory_space<vmem>>
      %dma_wait3A_65 = tpu.memref_squeeze %dma_wait3A_64 : memref<1x128x128xf32, #tpu.memory_space<vmem>> -> memref<128x128xf32, #tpu.memory_space<vmem>>
      %dma_wait3A_66 = arith.constant 0 : i32
      %dma_wait3A_67 = arith.constant 0 : i32
      %dma_wait3A_68 = tpu.memref_slice %arg2[%dma_wait3A_66, %dma_wait3A_67] : memref<10112x128xf32, #tpu.memory_space<hbm>> -> memref<128x128xf32, #tpu.memory_space<hbm>>
      %dma_wait3A_69 = arith.constant 0 : i32
      %dma_wait3A_70 = arith.constant 0 : i32
      %dma_wait3A_71 = tpu.memref_slice %arg9[%dma_wait3A, %dma_wait3A_69, %dma_wait3A_70] : memref<2x128x128xf32, #tpu.memory_space<vmem>> -> memref<1x128x128xf32, #tpu.memory_space<vmem>>
      %dma_wait3A_72 = tpu.memref_squeeze %dma_wait3A_71 : memref<1x128x128xf32, #tpu.memory_space<vmem>> -> memref<128x128xf32, #tpu.memory_space<vmem>>
      %dma_wait3A_73 = arith.constant 0 : i32
      %dma_wait3A_74 = arith.constant 0 : i32
      %dma_wait3A_75 = tpu.memref_slice %arg2[%dma_wait3A_73, %dma_wait3A_74] : memref<10112x128xf32, #tpu.memory_space<hbm>> -> memref<128x128xf32, #tpu.memory_space<hbm>>
      tpu.wait_dma2 semaphore(%arg11 : memref<!tpu.dma_semaphore, #tpu.memory_space<semaphore_mem>>) src(%dma_wait3A_75 : memref<128x128xf32, #tpu.memory_space<hbm>>) dst(%dma_wait3A_72 : memref<128x128xf32, #tpu.memory_space<vmem>>)
      %run_scoped3A = arith.constant 0 : i32
      %run_scoped3A_76 = arith.constant 0 : i32
      "tpu.region"() ({
        %run_scoped3A_252 = tpu.sem_alloc : memref<!tpu.dma_semaphore, #tpu.memory_space<semaphore_mem>>
        %dma_start3A_253 = arith.constant 0 : i32
        %dma_start3A_254 = arith.constant 0 : i32
        %dma_start3A_255 = tpu.memref_slice %arg9[%run_scoped3A, %dma_start3A_253, %dma_start3A_254] : memref<2x128x128xf32, #tpu.memory_space<vmem>> -> memref<1x128x128xf32, #tpu.memory_space<vmem>>
        %dma_start3A_256 = tpu.memref_squeeze %dma_start3A_255 : memref<1x128x128xf32, #tpu.memory_space<vmem>> -> memref<128x128xf32, #tpu.memory_space<vmem>>
        %dma_start3A_257 = arith.constant 0 : i32
        %dma_start3A_258 = tpu.memref_slice %arg8[%run_scoped3A_76, %dma_start3A_257] : memref<8x128xi32, #tpu.memory_space<vmem>> -> memref<1x128xi32, #tpu.memory_space<vmem>>
        %dma_start3A_259 = tpu.memref_squeeze %dma_start3A_258 : memref<1x128xi32, #tpu.memory_space<vmem>> -> memref<128xi32, #tpu.memory_space<vmem>>
        %dma_start3A_260 = arith.constant 0 : i32
        %dma_start3A_261 = arith.constant 0 : i32
        %dma_start3A_262 = tpu.memref_slice %arg10[%dma_start3A_260, %dma_start3A_261] : memref<10112x128xf32, #tpu.memory_space<vmem_shared>> -> memref<10112x128xf32, #tpu.memory_space<vmem_shared>>
        tpu.enqueue_indirect_dma source(%dma_start3A_256 : memref<128x128xf32, #tpu.memory_space<vmem>>) target(%dma_start3A_262 : memref<10112x128xf32, #tpu.memory_space<vmem_shared>>) offsets(%dma_start3A_259 : memref<128xi32, #tpu.memory_space<vmem>>) semaphore(%run_scoped3A_252 : memref<!tpu.dma_semaphore, #tpu.memory_space<semaphore_mem>>) {add = true}
        %dma_wait3A_263 = arith.constant 0 : i32
        %dma_wait3A_264 = arith.constant 0 : i32
        %dma_wait3A_265 = tpu.memref_slice %arg9[%run_scoped3A, %dma_wait3A_263, %dma_wait3A_264] : memref<2x128x128xf32, #tpu.memory_space<vmem>> -> memref<1x128x128xf32, #tpu.memory_space<vmem>>
        %dma_wait3A_266 = tpu.memref_squeeze %dma_wait3A_265 : memref<1x128x128xf32, #tpu.memory_space<vmem>> -> memref<128x128xf32, #tpu.memory_space<vmem>>
        %dma_wait3A_267 = arith.constant 0 : i32
        %dma_wait3A_268 = tpu.memref_slice %arg8[%run_scoped3A_76, %dma_wait3A_267] : memref<8x128xi32, #tpu.memory_space<vmem>> -> memref<1x128xi32, #tpu.memory_space<vmem>>
        %dma_wait3A_269 = tpu.memref_squeeze %dma_wait3A_268 : memref<1x128xi32, #tpu.memory_space<vmem>> -> memref<128xi32, #tpu.memory_space<vmem>>
        %dma_wait3A_270 = arith.constant 0 : i32
        %dma_wait3A_271 = arith.constant 0 : i32
        %dma_wait3A_272 = tpu.memref_slice %arg10[%dma_wait3A_270, %dma_wait3A_271] : memref<10112x128xf32, #tpu.memory_space<vmem_shared>> -> memref<10112x128xf32, #tpu.memory_space<vmem_shared>>
        tpu.wait_indirect_dma semaphore(%run_scoped3A_252 : memref<!tpu.dma_semaphore, #tpu.memory_space<semaphore_mem>>) src(%dma_wait3A_266 : memref<128x128xf32, #tpu.memory_space<vmem>>) dst(%dma_wait3A_272 : memref<10112x128xf32, #tpu.memory_space<vmem_shared>>)
        tpu.yield
      }) : () -> ()
      %dma_start3A_77 = arith.constant 2 : i32
      %dma_start3A_78 = arith.constant 0 : i32
      %dma_start3A_79 = arith.constant 0 : i32
      %dma_start3A_80 = arith.constant 0 : i32
      %dma_start3A_81 = tpu.memref_slice %arg9[%dma_start3A_78, %dma_start3A_79, %dma_start3A_80] : memref<2x128x128xf32, #tpu.memory_space<vmem>> -> memref<1x128x128xf32, #tpu.memory_space<vmem>>
      %dma_start3A_82 = tpu.memref_squeeze %dma_start3A_81 : memref<1x128x128xf32, #tpu.memory_space<vmem>> -> memref<128x128xf32, #tpu.memory_space<vmem>>
      %dma_start3A_83 = arith.constant 0 : i32
      %dma_start3A_84 = tpu.memref_slice %arg7[%dma_start3A_77, %dma_start3A_83] : memref<8x128xi32, #tpu.memory_space<vmem>> -> memref<1x128xi32, #tpu.memory_space<vmem>>
      %dma_start3A_85 = tpu.memref_squeeze %dma_start3A_84 : memref<1x128xi32, #tpu.memory_space<vmem>> -> memref<128xi32, #tpu.memory_space<vmem>>
      %dma_start3A_86 = arith.constant 0 : i32
      %dma_start3A_87 = arith.constant 0 : i32
      %dma_start3A_88 = tpu.memref_slice %arg2[%dma_start3A_86, %dma_start3A_87] : memref<10112x128xf32, #tpu.memory_space<hbm>> -> memref<10112x128xf32, #tpu.memory_space<hbm>>
      tpu.enqueue_indirect_dma source(%dma_start3A_88 : memref<10112x128xf32, #tpu.memory_space<hbm>>) target(%dma_start3A_82 : memref<128x128xf32, #tpu.memory_space<vmem>>) offsets(%dma_start3A_85 : memref<128xi32, #tpu.memory_space<vmem>>) semaphore(%arg11 : memref<!tpu.dma_semaphore, #tpu.memory_space<semaphore_mem>>)
      %dma_wait3A_89 = arith.constant 1 : i32
      %dma_wait3A_90 = arith.constant 0 : i32
      %dma_wait3A_91 = arith.constant 0 : i32
      %dma_wait3A_92 = tpu.memref_slice %arg9[%dma_wait3A_89, %dma_wait3A_90, %dma_wait3A_91] : memref<2x128x128xf32, #tpu.memory_space<vmem>> -> memref<1x128x128xf32, #tpu.memory_space<vmem>>
      %dma_wait3A_93 = tpu.memref_squeeze %dma_wait3A_92 : memref<1x128x128xf32, #tpu.memory_space<vmem>> -> memref<128x128xf32, #tpu.memory_space<vmem>>
      %dma_wait3A_94 = arith.constant 0 : i32
      %dma_wait3A_95 = arith.constant 0 : i32
      %dma_wait3A_96 = tpu.memref_slice %arg2[%dma_wait3A_94, %dma_wait3A_95] : memref<10112x128xf32, #tpu.memory_space<hbm>> -> memref<128x128xf32, #tpu.memory_space<hbm>>
      %dma_wait3A_97 = arith.constant 0 : i32
      %dma_wait3A_98 = arith.constant 0 : i32
      %dma_wait3A_99 = tpu.memref_slice %arg9[%dma_wait3A_89, %dma_wait3A_97, %dma_wait3A_98] : memref<2x128x128xf32, #tpu.memory_space<vmem>> -> memref<1x128x128xf32, #tpu.memory_space<vmem>>
      %dma_wait3A_100 = tpu.memref_squeeze %dma_wait3A_99 : memref<1x128x128xf32, #tpu.memory_space<vmem>> -> memref<128x128xf32, #tpu.memory_space<vmem>>
      %dma_wait3A_101 = arith.constant 0 : i32
      %dma_wait3A_102 = arith.constant 0 : i32
      %dma_wait3A_103 = tpu.memref_slice %arg2[%dma_wait3A_101, %dma_wait3A_102] : memref<10112x128xf32, #tpu.memory_space<hbm>> -> memref<128x128xf32, #tpu.memory_space<hbm>>
      tpu.wait_dma2 semaphore(%arg11 : memref<!tpu.dma_semaphore, #tpu.memory_space<semaphore_mem>>) src(%dma_wait3A_103 : memref<128x128xf32, #tpu.memory_space<hbm>>) dst(%dma_wait3A_100 : memref<128x128xf32, #tpu.memory_space<vmem>>)
      %run_scoped3A_104 = arith.constant 1 : i32
      %run_scoped3A_105 = arith.constant 1 : i32
      "tpu.region"() ({
        %run_scoped3A_252 = tpu.sem_alloc : memref<!tpu.dma_semaphore, #tpu.memory_space<semaphore_mem>>
        %dma_start3A_253 = arith.constant 0 : i32
        %dma_start3A_254 = arith.constant 0 : i32
        %dma_start3A_255 = tpu.memref_slice %arg9[%run_scoped3A_104, %dma_start3A_253, %dma_start3A_254] : memref<2x128x128xf32, #tpu.memory_space<vmem>> -> memref<1x128x128xf32, #tpu.memory_space<vmem>>
        %dma_start3A_256 = tpu.memref_squeeze %dma_start3A_255 : memref<1x128x128xf32, #tpu.memory_space<vmem>> -> memref<128x128xf32, #tpu.memory_space<vmem>>
        %dma_start3A_257 = arith.constant 0 : i32
        %dma_start3A_258 = tpu.memref_slice %arg8[%run_scoped3A_105, %dma_start3A_257] : memref<8x128xi32, #tpu.memory_space<vmem>> -> memref<1x128xi32, #tpu.memory_space<vmem>>
        %dma_start3A_259 = tpu.memref_squeeze %dma_start3A_258 : memref<1x128xi32, #tpu.memory_space<vmem>> -> memref<128xi32, #tpu.memory_space<vmem>>
        %dma_start3A_260 = arith.constant 0 : i32
        %dma_start3A_261 = arith.constant 0 : i32
        %dma_start3A_262 = tpu.memref_slice %arg10[%dma_start3A_260, %dma_start3A_261] : memref<10112x128xf32, #tpu.memory_space<vmem_shared>> -> memref<10112x128xf32, #tpu.memory_space<vmem_shared>>
        tpu.enqueue_indirect_dma source(%dma_start3A_256 : memref<128x128xf32, #tpu.memory_space<vmem>>) target(%dma_start3A_262 : memref<10112x128xf32, #tpu.memory_space<vmem_shared>>) offsets(%dma_start3A_259 : memref<128xi32, #tpu.memory_space<vmem>>) semaphore(%run_scoped3A_252 : memref<!tpu.dma_semaphore, #tpu.memory_space<semaphore_mem>>) {add = true}
        %dma_wait3A_263 = arith.constant 0 : i32
        %dma_wait3A_264 = arith.constant 0 : i32
        %dma_wait3A_265 = tpu.memref_slice %arg9[%run_scoped3A_104, %dma_wait3A_263, %dma_wait3A_264] : memref<2x128x128xf32, #tpu.memory_space<vmem>> -> memref<1x128x128xf32, #tpu.memory_space<vmem>>
        %dma_wait3A_266 = tpu.memref_squeeze %dma_wait3A_265 : memref<1x128x128xf32, #tpu.memory_space<vmem>> -> memref<128x128xf32, #tpu.memory_space<vmem>>
        %dma_wait3A_267 = arith.constant 0 : i32
        %dma_wait3A_268 = tpu.memref_slice %arg8[%run_scoped3A_105, %dma_wait3A_267] : memref<8x128xi32, #tpu.memory_space<vmem>> -> memref<1x128xi32, #tpu.memory_space<vmem>>
        %dma_wait3A_269 = tpu.memref_squeeze %dma_wait3A_268 : memref<1x128xi32, #tpu.memory_space<vmem>> -> memref<128xi32, #tpu.memory_space<vmem>>
        %dma_wait3A_270 = arith.constant 0 : i32
        %dma_wait3A_271 = arith.constant 0 : i32
        %dma_wait3A_272 = tpu.memref_slice %arg10[%dma_wait3A_270, %dma_wait3A_271] : memref<10112x128xf32, #tpu.memory_space<vmem_shared>> -> memref<10112x128xf32, #tpu.memory_space<vmem_shared>>
        tpu.wait_indirect_dma semaphore(%run_scoped3A_252 : memref<!tpu.dma_semaphore, #tpu.memory_space<semaphore_mem>>) src(%dma_wait3A_266 : memref<128x128xf32, #tpu.memory_space<vmem>>) dst(%dma_wait3A_272 : memref<10112x128xf32, #tpu.memory_space<vmem_shared>>)
        tpu.yield
      }) : () -> ()
      %dma_start3A_106 = arith.constant 3 : i32
      %dma_start3A_107 = arith.constant 1 : i32
      %dma_start3A_108 = arith.constant 0 : i32
      %dma_start3A_109 = arith.constant 0 : i32
      %dma_start3A_110 = tpu.memref_slice %arg9[%dma_start3A_107, %dma_start3A_108, %dma_start3A_109] : memref<2x128x128xf32, #tpu.memory_space<vmem>> -> memref<1x128x128xf32, #tpu.memory_space<vmem>>
      %dma_start3A_111 = tpu.memref_squeeze %dma_start3A_110 : memref<1x128x128xf32, #tpu.memory_space<vmem>> -> memref<128x128xf32, #tpu.memory_space<vmem>>
      %dma_start3A_112 = arith.constant 0 : i32
      %dma_start3A_113 = tpu.memref_slice %arg7[%dma_start3A_106, %dma_start3A_112] : memref<8x128xi32, #tpu.memory_space<vmem>> -> memref<1x128xi32, #tpu.memory_space<vmem>>
      %dma_start3A_114 = tpu.memref_squeeze %dma_start3A_113 : memref<1x128xi32, #tpu.memory_space<vmem>> -> memref<128xi32, #tpu.memory_space<vmem>>
      %dma_start3A_115 = arith.constant 0 : i32
      %dma_start3A_116 = arith.constant 0 : i32
      %dma_start3A_117 = tpu.memref_slice %arg2[%dma_start3A_115, %dma_start3A_116] : memref<10112x128xf32, #tpu.memory_space<hbm>> -> memref<10112x128xf32, #tpu.memory_space<hbm>>
      tpu.enqueue_indirect_dma source(%dma_start3A_117 : memref<10112x128xf32, #tpu.memory_space<hbm>>) target(%dma_start3A_111 : memref<128x128xf32, #tpu.memory_space<vmem>>) offsets(%dma_start3A_114 : memref<128xi32, #tpu.memory_space<vmem>>) semaphore(%arg11 : memref<!tpu.dma_semaphore, #tpu.memory_space<semaphore_mem>>)
      %dma_wait3A_118 = arith.constant 0 : i32
      %dma_wait3A_119 = arith.constant 0 : i32
      %dma_wait3A_120 = arith.constant 0 : i32
      %dma_wait3A_121 = tpu.memref_slice %arg9[%dma_wait3A_118, %dma_wait3A_119, %dma_wait3A_120] : memref<2x128x128xf32, #tpu.memory_space<vmem>> -> memref<1x128x128xf32, #tpu.memory_space<vmem>>
      %dma_wait3A_122 = tpu.memref_squeeze %dma_wait3A_121 : memref<1x128x128xf32, #tpu.memory_space<vmem>> -> memref<128x128xf32, #tpu.memory_space<vmem>>
      %dma_wait3A_123 = arith.constant 0 : i32
      %dma_wait3A_124 = arith.constant 0 : i32
      %dma_wait3A_125 = tpu.memref_slice %arg2[%dma_wait3A_123, %dma_wait3A_124] : memref<10112x128xf32, #tpu.memory_space<hbm>> -> memref<128x128xf32, #tpu.memory_space<hbm>>
      %dma_wait3A_126 = arith.constant 0 : i32
      %dma_wait3A_127 = arith.constant 0 : i32
      %dma_wait3A_128 = tpu.memref_slice %arg9[%dma_wait3A_118, %dma_wait3A_126, %dma_wait3A_127] : memref<2x128x128xf32, #tpu.memory_space<vmem>> -> memref<1x128x128xf32, #tpu.memory_space<vmem>>
      %dma_wait3A_129 = tpu.memref_squeeze %dma_wait3A_128 : memref<1x128x128xf32, #tpu.memory_space<vmem>> -> memref<128x128xf32, #tpu.memory_space<vmem>>
      %dma_wait3A_130 = arith.constant 0 : i32
      %dma_wait3A_131 = arith.constant 0 : i32
      %dma_wait3A_132 = tpu.memref_slice %arg2[%dma_wait3A_130, %dma_wait3A_131] : memref<10112x128xf32, #tpu.memory_space<hbm>> -> memref<128x128xf32, #tpu.memory_space<hbm>>
      tpu.wait_dma2 semaphore(%arg11 : memref<!tpu.dma_semaphore, #tpu.memory_space<semaphore_mem>>) src(%dma_wait3A_132 : memref<128x128xf32, #tpu.memory_space<hbm>>) dst(%dma_wait3A_129 : memref<128x128xf32, #tpu.memory_space<vmem>>)
      %run_scoped3A_133 = arith.constant 0 : i32
      %run_scoped3A_134 = arith.constant 2 : i32
      "tpu.region"() ({
        %run_scoped3A_252 = tpu.sem_alloc : memref<!tpu.dma_semaphore, #tpu.memory_space<semaphore_mem>>
        %dma_start3A_253 = arith.constant 0 : i32
        %dma_start3A_254 = arith.constant 0 : i32
        %dma_start3A_255 = tpu.memref_slice %arg9[%run_scoped3A_133, %dma_start3A_253, %dma_start3A_254] : memref<2x128x128xf32, #tpu.memory_space<vmem>> -> memref<1x128x128xf32, #tpu.memory_space<vmem>>
        %dma_start3A_256 = tpu.memref_squeeze %dma_start3A_255 : memref<1x128x128xf32, #tpu.memory_space<vmem>> -> memref<128x128xf32, #tpu.memory_space<vmem>>
        %dma_start3A_257 = arith.constant 0 : i32
        %dma_start3A_258 = tpu.memref_slice %arg8[%run_scoped3A_134, %dma_start3A_257] : memref<8x128xi32, #tpu.memory_space<vmem>> -> memref<1x128xi32, #tpu.memory_space<vmem>>
        %dma_start3A_259 = tpu.memref_squeeze %dma_start3A_258 : memref<1x128xi32, #tpu.memory_space<vmem>> -> memref<128xi32, #tpu.memory_space<vmem>>
        %dma_start3A_260 = arith.constant 0 : i32
        %dma_start3A_261 = arith.constant 0 : i32
        %dma_start3A_262 = tpu.memref_slice %arg10[%dma_start3A_260, %dma_start3A_261] : memref<10112x128xf32, #tpu.memory_space<vmem_shared>> -> memref<10112x128xf32, #tpu.memory_space<vmem_shared>>
        tpu.enqueue_indirect_dma source(%dma_start3A_256 : memref<128x128xf32, #tpu.memory_space<vmem>>) target(%dma_start3A_262 : memref<10112x128xf32, #tpu.memory_space<vmem_shared>>) offsets(%dma_start3A_259 : memref<128xi32, #tpu.memory_space<vmem>>) semaphore(%run_scoped3A_252 : memref<!tpu.dma_semaphore, #tpu.memory_space<semaphore_mem>>) {add = true}
        %dma_wait3A_263 = arith.constant 0 : i32
        %dma_wait3A_264 = arith.constant 0 : i32
        %dma_wait3A_265 = tpu.memref_slice %arg9[%run_scoped3A_133, %dma_wait3A_263, %dma_wait3A_264] : memref<2x128x128xf32, #tpu.memory_space<vmem>> -> memref<1x128x128xf32, #tpu.memory_space<vmem>>
        %dma_wait3A_266 = tpu.memref_squeeze %dma_wait3A_265 : memref<1x128x128xf32, #tpu.memory_space<vmem>> -> memref<128x128xf32, #tpu.memory_space<vmem>>
        %dma_wait3A_267 = arith.constant 0 : i32
        %dma_wait3A_268 = tpu.memref_slice %arg8[%run_scoped3A_134, %dma_wait3A_267] : memref<8x128xi32, #tpu.memory_space<vmem>> -> memref<1x128xi32, #tpu.memory_space<vmem>>
        %dma_wait3A_269 = tpu.memref_squeeze %dma_wait3A_268 : memref<1x128xi32, #tpu.memory_space<vmem>> -> memref<128xi32, #tpu.memory_space<vmem>>
        %dma_wait3A_270 = arith.constant 0 : i32
        %dma_wait3A_271 = arith.constant 0 : i32
        %dma_wait3A_272 = tpu.memref_slice %arg10[%dma_wait3A_270, %dma_wait3A_271] : memref<10112x128xf32, #tpu.memory_space<vmem_shared>> -> memref<10112x128xf32, #tpu.memory_space<vmem_shared>>
        tpu.wait_indirect_dma semaphore(%run_scoped3A_252 : memref<!tpu.dma_semaphore, #tpu.memory_space<semaphore_mem>>) src(%dma_wait3A_266 : memref<128x128xf32, #tpu.memory_space<vmem>>) dst(%dma_wait3A_272 : memref<10112x128xf32, #tpu.memory_space<vmem_shared>>)
        tpu.yield
      }) : () -> ()
      %dma_start3A_135 = arith.constant 4 : i32
      %dma_start3A_136 = arith.constant 0 : i32
      %dma_start3A_137 = arith.constant 0 : i32
      %dma_start3A_138 = arith.constant 0 : i32
      %dma_start3A_139 = tpu.memref_slice %arg9[%dma_start3A_136, %dma_start3A_137, %dma_start3A_138] : memref<2x128x128xf32, #tpu.memory_space<vmem>> -> memref<1x128x128xf32, #tpu.memory_space<vmem>>
      %dma_start3A_140 = tpu.memref_squeeze %dma_start3A_139 : memref<1x128x128xf32, #tpu.memory_space<vmem>> -> memref<128x128xf32, #tpu.memory_space<vmem>>
      %dma_start3A_141 = arith.constant 0 : i32
      %dma_start3A_142 = tpu.memref_slice %arg7[%dma_start3A_135, %dma_start3A_141] : memref<8x128xi32, #tpu.memory_space<vmem>> -> memref<1x128xi32, #tpu.memory_space<vmem>>
      %dma_start3A_143 = tpu.memref_squeeze %dma_start3A_142 : memref<1x128xi32, #tpu.memory_space<vmem>> -> memref<128xi32, #tpu.memory_space<vmem>>
      %dma_start3A_144 = arith.constant 0 : i32
      %dma_start3A_145 = arith.constant 0 : i32
      %dma_start3A_146 = tpu.memref_slice %arg2[%dma_start3A_144, %dma_start3A_145] : memref<10112x128xf32, #tpu.memory_space<hbm>> -> memref<10112x128xf32, #tpu.memory_space<hbm>>
      tpu.enqueue_indirect_dma source(%dma_start3A_146 : memref<10112x128xf32, #tpu.memory_space<hbm>>) target(%dma_start3A_140 : memref<128x128xf32, #tpu.memory_space<vmem>>) offsets(%dma_start3A_143 : memref<128xi32, #tpu.memory_space<vmem>>) semaphore(%arg11 : memref<!tpu.dma_semaphore, #tpu.memory_space<semaphore_mem>>)
      %dma_wait3A_147 = arith.constant 1 : i32
      %dma_wait3A_148 = arith.constant 0 : i32
      %dma_wait3A_149 = arith.constant 0 : i32
      %dma_wait3A_150 = tpu.memref_slice %arg9[%dma_wait3A_147, %dma_wait3A_148, %dma_wait3A_149] : memref<2x128x128xf32, #tpu.memory_space<vmem>> -> memref<1x128x128xf32, #tpu.memory_space<vmem>>
      %dma_wait3A_151 = tpu.memref_squeeze %dma_wait3A_150 : memref<1x128x128xf32, #tpu.memory_space<vmem>> -> memref<128x128xf32, #tpu.memory_space<vmem>>
      %dma_wait3A_152 = arith.constant 0 : i32
      %dma_wait3A_153 = arith.constant 0 : i32
      %dma_wait3A_154 = tpu.memref_slice %arg2[%dma_wait3A_152, %dma_wait3A_153] : memref<10112x128xf32, #tpu.memory_space<hbm>> -> memref<128x128xf32, #tpu.memory_space<hbm>>
      %dma_wait3A_155 = arith.constant 0 : i32
      %dma_wait3A_156 = arith.constant 0 : i32
      %dma_wait3A_157 = tpu.memref_slice %arg9[%dma_wait3A_147, %dma_wait3A_155, %dma_wait3A_156] : memref<2x128x128xf32, #tpu.memory_space<vmem>> -> memref<1x128x128xf32, #tpu.memory_space<vmem>>
      %dma_wait3A_158 = tpu.memref_squeeze %dma_wait3A_157 : memref<1x128x128xf32, #tpu.memory_space<vmem>> -> memref<128x128xf32, #tpu.memory_space<vmem>>
      %dma_wait3A_159 = arith.constant 0 : i32
      %dma_wait3A_160 = arith.constant 0 : i32
      %dma_wait3A_161 = tpu.memref_slice %arg2[%dma_wait3A_159, %dma_wait3A_160] : memref<10112x128xf32, #tpu.memory_space<hbm>> -> memref<128x128xf32, #tpu.memory_space<hbm>>
      tpu.wait_dma2 semaphore(%arg11 : memref<!tpu.dma_semaphore, #tpu.memory_space<semaphore_mem>>) src(%dma_wait3A_161 : memref<128x128xf32, #tpu.memory_space<hbm>>) dst(%dma_wait3A_158 : memref<128x128xf32, #tpu.memory_space<vmem>>)
      %run_scoped3A_162 = arith.constant 1 : i32
      %run_scoped3A_163 = arith.constant 3 : i32
      "tpu.region"() ({
        %run_scoped3A_252 = tpu.sem_alloc : memref<!tpu.dma_semaphore, #tpu.memory_space<semaphore_mem>>
        %dma_start3A_253 = arith.constant 0 : i32
        %dma_start3A_254 = arith.constant 0 : i32
        %dma_start3A_255 = tpu.memref_slice %arg9[%run_scoped3A_162, %dma_start3A_253, %dma_start3A_254] : memref<2x128x128xf32, #tpu.memory_space<vmem>> -> memref<1x128x128xf32, #tpu.memory_space<vmem>>
        %dma_start3A_256 = tpu.memref_squeeze %dma_start3A_255 : memref<1x128x128xf32, #tpu.memory_space<vmem>> -> memref<128x128xf32, #tpu.memory_space<vmem>>
        %dma_start3A_257 = arith.constant 0 : i32
        %dma_start3A_258 = tpu.memref_slice %arg8[%run_scoped3A_163, %dma_start3A_257] : memref<8x128xi32, #tpu.memory_space<vmem>> -> memref<1x128xi32, #tpu.memory_space<vmem>>
        %dma_start3A_259 = tpu.memref_squeeze %dma_start3A_258 : memref<1x128xi32, #tpu.memory_space<vmem>> -> memref<128xi32, #tpu.memory_space<vmem>>
        %dma_start3A_260 = arith.constant 0 : i32
        %dma_start3A_261 = arith.constant 0 : i32
        %dma_start3A_262 = tpu.memref_slice %arg10[%dma_start3A_260, %dma_start3A_261] : memref<10112x128xf32, #tpu.memory_space<vmem_shared>> -> memref<10112x128xf32, #tpu.memory_space<vmem_shared>>
        tpu.enqueue_indirect_dma source(%dma_start3A_256 : memref<128x128xf32, #tpu.memory_space<vmem>>) target(%dma_start3A_262 : memref<10112x128xf32, #tpu.memory_space<vmem_shared>>) offsets(%dma_start3A_259 : memref<128xi32, #tpu.memory_space<vmem>>) semaphore(%run_scoped3A_252 : memref<!tpu.dma_semaphore, #tpu.memory_space<semaphore_mem>>) {add = true}
        %dma_wait3A_263 = arith.constant 0 : i32
        %dma_wait3A_264 = arith.constant 0 : i32
        %dma_wait3A_265 = tpu.memref_slice %arg9[%run_scoped3A_162, %dma_wait3A_263, %dma_wait3A_264] : memref<2x128x128xf32, #tpu.memory_space<vmem>> -> memref<1x128x128xf32, #tpu.memory_space<vmem>>
        %dma_wait3A_266 = tpu.memref_squeeze %dma_wait3A_265 : memref<1x128x128xf32, #tpu.memory_space<vmem>> -> memref<128x128xf32, #tpu.memory_space<vmem>>
        %dma_wait3A_267 = arith.constant 0 : i32
        %dma_wait3A_268 = tpu.memref_slice %arg8[%run_scoped3A_163, %dma_wait3A_267] : memref<8x128xi32, #tpu.memory_space<vmem>> -> memref<1x128xi32, #tpu.memory_space<vmem>>
        %dma_wait3A_269 = tpu.memref_squeeze %dma_wait3A_268 : memref<1x128xi32, #tpu.memory_space<vmem>> -> memref<128xi32, #tpu.memory_space<vmem>>
        %dma_wait3A_270 = arith.constant 0 : i32
        %dma_wait3A_271 = arith.constant 0 : i32
        %dma_wait3A_272 = tpu.memref_slice %arg10[%dma_wait3A_270, %dma_wait3A_271] : memref<10112x128xf32, #tpu.memory_space<vmem_shared>> -> memref<10112x128xf32, #tpu.memory_space<vmem_shared>>
        tpu.wait_indirect_dma semaphore(%run_scoped3A_252 : memref<!tpu.dma_semaphore, #tpu.memory_space<semaphore_mem>>) src(%dma_wait3A_266 : memref<128x128xf32, #tpu.memory_space<vmem>>) dst(%dma_wait3A_272 : memref<10112x128xf32, #tpu.memory_space<vmem_shared>>)
        tpu.yield
      }) : () -> ()
      %dma_start3A_164 = arith.constant 5 : i32
      %dma_start3A_165 = arith.constant 1 : i32
      %dma_start3A_166 = arith.constant 0 : i32
      %dma_start3A_167 = arith.constant 0 : i32
      %dma_start3A_168 = tpu.memref_slice %arg9[%dma_start3A_165, %dma_start3A_166, %dma_start3A_167] : memref<2x128x128xf32, #tpu.memory_space<vmem>> -> memref<1x128x128xf32, #tpu.memory_space<vmem>>
      %dma_start3A_169 = tpu.memref_squeeze %dma_start3A_168 : memref<1x128x128xf32, #tpu.memory_space<vmem>> -> memref<128x128xf32, #tpu.memory_space<vmem>>
      %dma_start3A_170 = arith.constant 0 : i32
      %dma_start3A_171 = tpu.memref_slice %arg7[%dma_start3A_164, %dma_start3A_170] : memref<8x128xi32, #tpu.memory_space<vmem>> -> memref<1x128xi32, #tpu.memory_space<vmem>>
      %dma_start3A_172 = tpu.memref_squeeze %dma_start3A_171 : memref<1x128xi32, #tpu.memory_space<vmem>> -> memref<128xi32, #tpu.memory_space<vmem>>
      %dma_start3A_173 = arith.constant 0 : i32
      %dma_start3A_174 = arith.constant 0 : i32
      %dma_start3A_175 = tpu.memref_slice %arg2[%dma_start3A_173, %dma_start3A_174] : memref<10112x128xf32, #tpu.memory_space<hbm>> -> memref<10112x128xf32, #tpu.memory_space<hbm>>
      tpu.enqueue_indirect_dma source(%dma_start3A_175 : memref<10112x128xf32, #tpu.memory_space<hbm>>) target(%dma_start3A_169 : memref<128x128xf32, #tpu.memory_space<vmem>>) offsets(%dma_start3A_172 : memref<128xi32, #tpu.memory_space<vmem>>) semaphore(%arg11 : memref<!tpu.dma_semaphore, #tpu.memory_space<semaphore_mem>>)
      %dma_wait3A_176 = arith.constant 0 : i32
      %dma_wait3A_177 = arith.constant 0 : i32
      %dma_wait3A_178 = arith.constant 0 : i32
      %dma_wait3A_179 = tpu.memref_slice %arg9[%dma_wait3A_176, %dma_wait3A_177, %dma_wait3A_178] : memref<2x128x128xf32, #tpu.memory_space<vmem>> -> memref<1x128x128xf32, #tpu.memory_space<vmem>>
      %dma_wait3A_180 = tpu.memref_squeeze %dma_wait3A_179 : memref<1x128x128xf32, #tpu.memory_space<vmem>> -> memref<128x128xf32, #tpu.memory_space<vmem>>
      %dma_wait3A_181 = arith.constant 0 : i32
      %dma_wait3A_182 = arith.constant 0 : i32
      %dma_wait3A_183 = tpu.memref_slice %arg2[%dma_wait3A_181, %dma_wait3A_182] : memref<10112x128xf32, #tpu.memory_space<hbm>> -> memref<128x128xf32, #tpu.memory_space<hbm>>
      %dma_wait3A_184 = arith.constant 0 : i32
      %dma_wait3A_185 = arith.constant 0 : i32
      %dma_wait3A_186 = tpu.memref_slice %arg9[%dma_wait3A_176, %dma_wait3A_184, %dma_wait3A_185] : memref<2x128x128xf32, #tpu.memory_space<vmem>> -> memref<1x128x128xf32, #tpu.memory_space<vmem>>
      %dma_wait3A_187 = tpu.memref_squeeze %dma_wait3A_186 : memref<1x128x128xf32, #tpu.memory_space<vmem>> -> memref<128x128xf32, #tpu.memory_space<vmem>>
      %dma_wait3A_188 = arith.constant 0 : i32
      %dma_wait3A_189 = arith.constant 0 : i32
      %dma_wait3A_190 = tpu.memref_slice %arg2[%dma_wait3A_188, %dma_wait3A_189] : memref<10112x128xf32, #tpu.memory_space<hbm>> -> memref<128x128xf32, #tpu.memory_space<hbm>>
      tpu.wait_dma2 semaphore(%arg11 : memref<!tpu.dma_semaphore, #tpu.memory_space<semaphore_mem>>) src(%dma_wait3A_190 : memref<128x128xf32, #tpu.memory_space<hbm>>) dst(%dma_wait3A_187 : memref<128x128xf32, #tpu.memory_space<vmem>>)
      %run_scoped3A_191 = arith.constant 0 : i32
      %run_scoped3A_192 = arith.constant 4 : i32
      "tpu.region"() ({
        %run_scoped3A_252 = tpu.sem_alloc : memref<!tpu.dma_semaphore, #tpu.memory_space<semaphore_mem>>
        %dma_start3A_253 = arith.constant 0 : i32
        %dma_start3A_254 = arith.constant 0 : i32
        %dma_start3A_255 = tpu.memref_slice %arg9[%run_scoped3A_191, %dma_start3A_253, %dma_start3A_254] : memref<2x128x128xf32, #tpu.memory_space<vmem>> -> memref<1x128x128xf32, #tpu.memory_space<vmem>>
        %dma_start3A_256 = tpu.memref_squeeze %dma_start3A_255 : memref<1x128x128xf32, #tpu.memory_space<vmem>> -> memref<128x128xf32, #tpu.memory_space<vmem>>
        %dma_start3A_257 = arith.constant 0 : i32
        %dma_start3A_258 = tpu.memref_slice %arg8[%run_scoped3A_192, %dma_start3A_257] : memref<8x128xi32, #tpu.memory_space<vmem>> -> memref<1x128xi32, #tpu.memory_space<vmem>>
        %dma_start3A_259 = tpu.memref_squeeze %dma_start3A_258 : memref<1x128xi32, #tpu.memory_space<vmem>> -> memref<128xi32, #tpu.memory_space<vmem>>
        %dma_start3A_260 = arith.constant 0 : i32
        %dma_start3A_261 = arith.constant 0 : i32
        %dma_start3A_262 = tpu.memref_slice %arg10[%dma_start3A_260, %dma_start3A_261] : memref<10112x128xf32, #tpu.memory_space<vmem_shared>> -> memref<10112x128xf32, #tpu.memory_space<vmem_shared>>
        tpu.enqueue_indirect_dma source(%dma_start3A_256 : memref<128x128xf32, #tpu.memory_space<vmem>>) target(%dma_start3A_262 : memref<10112x128xf32, #tpu.memory_space<vmem_shared>>) offsets(%dma_start3A_259 : memref<128xi32, #tpu.memory_space<vmem>>) semaphore(%run_scoped3A_252 : memref<!tpu.dma_semaphore, #tpu.memory_space<semaphore_mem>>) {add = true}
        %dma_wait3A_263 = arith.constant 0 : i32
        %dma_wait3A_264 = arith.constant 0 : i32
        %dma_wait3A_265 = tpu.memref_slice %arg9[%run_scoped3A_191, %dma_wait3A_263, %dma_wait3A_264] : memref<2x128x128xf32, #tpu.memory_space<vmem>> -> memref<1x128x128xf32, #tpu.memory_space<vmem>>
        %dma_wait3A_266 = tpu.memref_squeeze %dma_wait3A_265 : memref<1x128x128xf32, #tpu.memory_space<vmem>> -> memref<128x128xf32, #tpu.memory_space<vmem>>
        %dma_wait3A_267 = arith.constant 0 : i32
        %dma_wait3A_268 = tpu.memref_slice %arg8[%run_scoped3A_192, %dma_wait3A_267] : memref<8x128xi32, #tpu.memory_space<vmem>> -> memref<1x128xi32, #tpu.memory_space<vmem>>
        %dma_wait3A_269 = tpu.memref_squeeze %dma_wait3A_268 : memref<1x128xi32, #tpu.memory_space<vmem>> -> memref<128xi32, #tpu.memory_space<vmem>>
        %dma_wait3A_270 = arith.constant 0 : i32
        %dma_wait3A_271 = arith.constant 0 : i32
        %dma_wait3A_272 = tpu.memref_slice %arg10[%dma_wait3A_270, %dma_wait3A_271] : memref<10112x128xf32, #tpu.memory_space<vmem_shared>> -> memref<10112x128xf32, #tpu.memory_space<vmem_shared>>
        tpu.wait_indirect_dma semaphore(%run_scoped3A_252 : memref<!tpu.dma_semaphore, #tpu.memory_space<semaphore_mem>>) src(%dma_wait3A_266 : memref<128x128xf32, #tpu.memory_space<vmem>>) dst(%dma_wait3A_272 : memref<10112x128xf32, #tpu.memory_space<vmem_shared>>)
        tpu.yield
      }) : () -> ()
      %dma_start3A_193 = arith.constant 6 : i32
      %dma_start3A_194 = arith.constant 0 : i32
      %dma_start3A_195 = arith.constant 0 : i32
      %dma_start3A_196 = arith.constant 0 : i32
      %dma_start3A_197 = tpu.memref_slice %arg9[%dma_start3A_194, %dma_start3A_195, %dma_start3A_196] : memref<2x128x128xf32, #tpu.memory_space<vmem>> -> memref<1x128x128xf32, #tpu.memory_space<vmem>>
      %dma_start3A_198 = tpu.memref_squeeze %dma_start3A_197 : memref<1x128x128xf32, #tpu.memory_space<vmem>> -> memref<128x128xf32, #tpu.memory_space<vmem>>
      %dma_start3A_199 = arith.constant 0 : i32
      %dma_start3A_200 = tpu.memref_slice %arg7[%dma_start3A_193, %dma_start3A_199] : memref<8x128xi32, #tpu.memory_space<vmem>> -> memref<1x128xi32, #tpu.memory_space<vmem>>
      %dma_start3A_201 = tpu.memref_squeeze %dma_start3A_200 : memref<1x128xi32, #tpu.memory_space<vmem>> -> memref<128xi32, #tpu.memory_space<vmem>>
      %dma_start3A_202 = arith.constant 0 : i32
      %dma_start3A_203 = arith.constant 0 : i32
      %dma_start3A_204 = tpu.memref_slice %arg2[%dma_start3A_202, %dma_start3A_203] : memref<10112x128xf32, #tpu.memory_space<hbm>> -> memref<10112x128xf32, #tpu.memory_space<hbm>>
      tpu.enqueue_indirect_dma source(%dma_start3A_204 : memref<10112x128xf32, #tpu.memory_space<hbm>>) target(%dma_start3A_198 : memref<128x128xf32, #tpu.memory_space<vmem>>) offsets(%dma_start3A_201 : memref<128xi32, #tpu.memory_space<vmem>>) semaphore(%arg11 : memref<!tpu.dma_semaphore, #tpu.memory_space<semaphore_mem>>)
      %dma_wait3A_205 = arith.constant 1 : i32
      %dma_wait3A_206 = arith.constant 0 : i32
      %dma_wait3A_207 = arith.constant 0 : i32
      %dma_wait3A_208 = tpu.memref_slice %arg9[%dma_wait3A_205, %dma_wait3A_206, %dma_wait3A_207] : memref<2x128x128xf32, #tpu.memory_space<vmem>> -> memref<1x128x128xf32, #tpu.memory_space<vmem>>
      %dma_wait3A_209 = tpu.memref_squeeze %dma_wait3A_208 : memref<1x128x128xf32, #tpu.memory_space<vmem>> -> memref<128x128xf32, #tpu.memory_space<vmem>>
      %dma_wait3A_210 = arith.constant 0 : i32
      %dma_wait3A_211 = arith.constant 0 : i32
      %dma_wait3A_212 = tpu.memref_slice %arg2[%dma_wait3A_210, %dma_wait3A_211] : memref<10112x128xf32, #tpu.memory_space<hbm>> -> memref<128x128xf32, #tpu.memory_space<hbm>>
      %dma_wait3A_213 = arith.constant 0 : i32
      %dma_wait3A_214 = arith.constant 0 : i32
      %dma_wait3A_215 = tpu.memref_slice %arg9[%dma_wait3A_205, %dma_wait3A_213, %dma_wait3A_214] : memref<2x128x128xf32, #tpu.memory_space<vmem>> -> memref<1x128x128xf32, #tpu.memory_space<vmem>>
      %dma_wait3A_216 = tpu.memref_squeeze %dma_wait3A_215 : memref<1x128x128xf32, #tpu.memory_space<vmem>> -> memref<128x128xf32, #tpu.memory_space<vmem>>
      %dma_wait3A_217 = arith.constant 0 : i32
      %dma_wait3A_218 = arith.constant 0 : i32
      %dma_wait3A_219 = tpu.memref_slice %arg2[%dma_wait3A_217, %dma_wait3A_218] : memref<10112x128xf32, #tpu.memory_space<hbm>> -> memref<128x128xf32, #tpu.memory_space<hbm>>
      tpu.wait_dma2 semaphore(%arg11 : memref<!tpu.dma_semaphore, #tpu.memory_space<semaphore_mem>>) src(%dma_wait3A_219 : memref<128x128xf32, #tpu.memory_space<hbm>>) dst(%dma_wait3A_216 : memref<128x128xf32, #tpu.memory_space<vmem>>)
      %run_scoped3A_220 = arith.constant 1 : i32
      %run_scoped3A_221 = arith.constant 5 : i32
      "tpu.region"() ({
        %run_scoped3A_252 = tpu.sem_alloc : memref<!tpu.dma_semaphore, #tpu.memory_space<semaphore_mem>>
        %dma_start3A_253 = arith.constant 0 : i32
        %dma_start3A_254 = arith.constant 0 : i32
        %dma_start3A_255 = tpu.memref_slice %arg9[%run_scoped3A_220, %dma_start3A_253, %dma_start3A_254] : memref<2x128x128xf32, #tpu.memory_space<vmem>> -> memref<1x128x128xf32, #tpu.memory_space<vmem>>
        %dma_start3A_256 = tpu.memref_squeeze %dma_start3A_255 : memref<1x128x128xf32, #tpu.memory_space<vmem>> -> memref<128x128xf32, #tpu.memory_space<vmem>>
        %dma_start3A_257 = arith.constant 0 : i32
        %dma_start3A_258 = tpu.memref_slice %arg8[%run_scoped3A_221, %dma_start3A_257] : memref<8x128xi32, #tpu.memory_space<vmem>> -> memref<1x128xi32, #tpu.memory_space<vmem>>
        %dma_start3A_259 = tpu.memref_squeeze %dma_start3A_258 : memref<1x128xi32, #tpu.memory_space<vmem>> -> memref<128xi32, #tpu.memory_space<vmem>>
        %dma_start3A_260 = arith.constant 0 : i32
        %dma_start3A_261 = arith.constant 0 : i32
        %dma_start3A_262 = tpu.memref_slice %arg10[%dma_start3A_260, %dma_start3A_261] : memref<10112x128xf32, #tpu.memory_space<vmem_shared>> -> memref<10112x128xf32, #tpu.memory_space<vmem_shared>>
        tpu.enqueue_indirect_dma source(%dma_start3A_256 : memref<128x128xf32, #tpu.memory_space<vmem>>) target(%dma_start3A_262 : memref<10112x128xf32, #tpu.memory_space<vmem_shared>>) offsets(%dma_start3A_259 : memref<128xi32, #tpu.memory_space<vmem>>) semaphore(%run_scoped3A_252 : memref<!tpu.dma_semaphore, #tpu.memory_space<semaphore_mem>>) {add = true}
        %dma_wait3A_263 = arith.constant 0 : i32
        %dma_wait3A_264 = arith.constant 0 : i32
        %dma_wait3A_265 = tpu.memref_slice %arg9[%run_scoped3A_220, %dma_wait3A_263, %dma_wait3A_264] : memref<2x128x128xf32, #tpu.memory_space<vmem>> -> memref<1x128x128xf32, #tpu.memory_space<vmem>>
        %dma_wait3A_266 = tpu.memref_squeeze %dma_wait3A_265 : memref<1x128x128xf32, #tpu.memory_space<vmem>> -> memref<128x128xf32, #tpu.memory_space<vmem>>
        %dma_wait3A_267 = arith.constant 0 : i32
        %dma_wait3A_268 = tpu.memref_slice %arg8[%run_scoped3A_221, %dma_wait3A_267] : memref<8x128xi32, #tpu.memory_space<vmem>> -> memref<1x128xi32, #tpu.memory_space<vmem>>
        %dma_wait3A_269 = tpu.memref_squeeze %dma_wait3A_268 : memref<1x128xi32, #tpu.memory_space<vmem>> -> memref<128xi32, #tpu.memory_space<vmem>>
        %dma_wait3A_270 = arith.constant 0 : i32
        %dma_wait3A_271 = arith.constant 0 : i32
        %dma_wait3A_272 = tpu.memref_slice %arg10[%dma_wait3A_270, %dma_wait3A_271] : memref<10112x128xf32, #tpu.memory_space<vmem_shared>> -> memref<10112x128xf32, #tpu.memory_space<vmem_shared>>
        tpu.wait_indirect_dma semaphore(%run_scoped3A_252 : memref<!tpu.dma_semaphore, #tpu.memory_space<semaphore_mem>>) src(%dma_wait3A_266 : memref<128x128xf32, #tpu.memory_space<vmem>>) dst(%dma_wait3A_272 : memref<10112x128xf32, #tpu.memory_space<vmem_shared>>)
        tpu.yield
      }) : () -> ()
      %dma_start3A_222 = arith.constant 7 : i32
      %dma_start3A_223 = arith.constant 1 : i32
      %dma_start3A_224 = arith.constant 0 : i32
      %dma_start3A_225 = arith.constant 0 : i32
      %dma_start3A_226 = tpu.memref_slice %arg9[%dma_start3A_223, %dma_start3A_224, %dma_start3A_225] : memref<2x128x128xf32, #tpu.memory_space<vmem>> -> memref<1x128x128xf32, #tpu.memory_space<vmem>>
      %dma_start3A_227 = tpu.memref_squeeze %dma_start3A_226 : memref<1x128x128xf32, #tpu.memory_space<vmem>> -> memref<128x128xf32, #tpu.memory_space<vmem>>
      %dma_start3A_228 = arith.constant 0 : i32
      %dma_start3A_229 = tpu.memref_slice %arg7[%dma_start3A_222, %dma_start3A_228] : memref<8x128xi32, #tpu.memory_space<vmem>> -> memref<1x128xi32, #tpu.memory_space<vmem>>
      %dma_start3A_230 = tpu.memref_squeeze %dma_start3A_229 : memref<1x128xi32, #tpu.memory_space<vmem>> -> memref<128xi32, #tpu.memory_space<vmem>>
      %dma_start3A_231 = arith.constant 0 : i32
      %dma_start3A_232 = arith.constant 0 : i32
      %dma_start3A_233 = tpu.memref_slice %arg2[%dma_start3A_231, %dma_start3A_232] : memref<10112x128xf32, #tpu.memory_space<hbm>> -> memref<10112x128xf32, #tpu.memory_space<hbm>>
      tpu.enqueue_indirect_dma source(%dma_start3A_233 : memref<10112x128xf32, #tpu.memory_space<hbm>>) target(%dma_start3A_227 : memref<128x128xf32, #tpu.memory_space<vmem>>) offsets(%dma_start3A_230 : memref<128xi32, #tpu.memory_space<vmem>>) semaphore(%arg11 : memref<!tpu.dma_semaphore, #tpu.memory_space<semaphore_mem>>)
      %dma_wait3A_234 = arith.constant 0 : i32
      %dma_wait3A_235 = arith.constant 0 : i32
      %dma_wait3A_236 = arith.constant 0 : i32
      %dma_wait3A_237 = tpu.memref_slice %arg9[%dma_wait3A_234, %dma_wait3A_235, %dma_wait3A_236] : memref<2x128x128xf32, #tpu.memory_space<vmem>> -> memref<1x128x128xf32, #tpu.memory_space<vmem>>
      %dma_wait3A_238 = tpu.memref_squeeze %dma_wait3A_237 : memref<1x128x128xf32, #tpu.memory_space<vmem>> -> memref<128x128xf32, #tpu.memory_space<vmem>>
      %dma_wait3A_239 = arith.constant 0 : i32
      %dma_wait3A_240 = arith.constant 0 : i32
      %dma_wait3A_241 = tpu.memref_slice %arg2[%dma_wait3A_239, %dma_wait3A_240] : memref<10112x128xf32, #tpu.memory_space<hbm>> -> memref<128x128xf32, #tpu.memory_space<hbm>>
      %dma_wait3A_242 = arith.constant 0 : i32
      %dma_wait3A_243 = arith.constant 0 : i32
      %dma_wait3A_244 = tpu.memref_slice %arg9[%dma_wait3A_234, %dma_wait3A_242, %dma_wait3A_243] : memref<2x128x128xf32, #tpu.memory_space<vmem>> -> memref<1x128x128xf32, #tpu.memory_space<vmem>>
      %dma_wait3A_245 = tpu.memref_squeeze %dma_wait3A_244 : memref<1x128x128xf32, #tpu.memory_space<vmem>> -> memref<128x128xf32, #tpu.memory_space<vmem>>
      %dma_wait3A_246 = arith.constant 0 : i32
      %dma_wait3A_247 = arith.constant 0 : i32
      %dma_wait3A_248 = tpu.memref_slice %arg2[%dma_wait3A_246, %dma_wait3A_247] : memref<10112x128xf32, #tpu.memory_space<hbm>> -> memref<128x128xf32, #tpu.memory_space<hbm>>
      tpu.wait_dma2 semaphore(%arg11 : memref<!tpu.dma_semaphore, #tpu.memory_space<semaphore_mem>>) src(%dma_wait3A_248 : memref<128x128xf32, #tpu.memory_space<hbm>>) dst(%dma_wait3A_245 : memref<128x128xf32, #tpu.memory_space<vmem>>)
      %run_scoped3A_249 = arith.constant 0 : i32
      %run_scoped3A_250 = arith.constant 6 : i32
      "tpu.region"() ({
        %run_scoped3A_252 = tpu.sem_alloc : memref<!tpu.dma_semaphore, #tpu.memory_space<semaphore_mem>>
        %dma_start3A_253 = arith.constant 0 : i32
        %dma_start3A_254 = arith.constant 0 : i32
        %dma_start3A_255 = tpu.memref_slice %arg9[%run_scoped3A_249, %dma_start3A_253, %dma_start3A_254] : memref<2x128x128xf32, #tpu.memory_space<vmem>> -> memref<1x128x128xf32, #tpu.memory_space<vmem>>
        %dma_start3A_256 = tpu.memref_squeeze %dma_start3A_255 : memref<1x128x128xf32, #tpu.memory_space<vmem>> -> memref<128x128xf32, #tpu.memory_space<vmem>>
        %dma_start3A_257 = arith.constant 0 : i32
        %dma_start3A_258 = tpu.memref_slice %arg8[%run_scoped3A_250, %dma_start3A_257] : memref<8x128xi32, #tpu.memory_space<vmem>> -> memref<1x128xi32, #tpu.memory_space<vmem>>
        %dma_start3A_259 = tpu.memref_squeeze %dma_start3A_258 : memref<1x128xi32, #tpu.memory_space<vmem>> -> memref<128xi32, #tpu.memory_space<vmem>>
        %dma_start3A_260 = arith.constant 0 : i32
        %dma_start3A_261 = arith.constant 0 : i32
        %dma_start3A_262 = tpu.memref_slice %arg10[%dma_start3A_260, %dma_start3A_261] : memref<10112x128xf32, #tpu.memory_space<vmem_shared>> -> memref<10112x128xf32, #tpu.memory_space<vmem_shared>>
        tpu.enqueue_indirect_dma source(%dma_start3A_256 : memref<128x128xf32, #tpu.memory_space<vmem>>) target(%dma_start3A_262 : memref<10112x128xf32, #tpu.memory_space<vmem_shared>>) offsets(%dma_start3A_259 : memref<128xi32, #tpu.memory_space<vmem>>) semaphore(%run_scoped3A_252 : memref<!tpu.dma_semaphore, #tpu.memory_space<semaphore_mem>>) {add = true}
        %dma_wait3A_263 = arith.constant 0 : i32
        %dma_wait3A_264 = arith.constant 0 : i32
        %dma_wait3A_265 = tpu.memref_slice %arg9[%run_scoped3A_249, %dma_wait3A_263, %dma_wait3A_264] : memref<2x128x128xf32, #tpu.memory_space<vmem>> -> memref<1x128x128xf32, #tpu.memory_space<vmem>>
        %dma_wait3A_266 = tpu.memref_squeeze %dma_wait3A_265 : memref<1x128x128xf32, #tpu.memory_space<vmem>> -> memref<128x128xf32, #tpu.memory_space<vmem>>
        %dma_wait3A_267 = arith.constant 0 : i32
        %dma_wait3A_268 = tpu.memref_slice %arg8[%run_scoped3A_250, %dma_wait3A_267] : memref<8x128xi32, #tpu.memory_space<vmem>> -> memref<1x128xi32, #tpu.memory_space<vmem>>
        %dma_wait3A_269 = tpu.memref_squeeze %dma_wait3A_268 : memref<1x128xi32, #tpu.memory_space<vmem>> -> memref<128xi32, #tpu.memory_space<vmem>>
        %dma_wait3A_270 = arith.constant 0 : i32
        %dma_wait3A_271 = arith.constant 0 : i32
        %dma_wait3A_272 = tpu.memref_slice %arg10[%dma_wait3A_270, %dma_wait3A_271] : memref<10112x128xf32, #tpu.memory_space<vmem_shared>> -> memref<10112x128xf32, #tpu.memory_space<vmem_shared>>
        tpu.wait_indirect_dma semaphore(%run_scoped3A_252 : memref<!tpu.dma_semaphore, #tpu.memory_space<semaphore_mem>>) src(%dma_wait3A_266 : memref<128x128xf32, #tpu.memory_space<vmem>>) dst(%dma_wait3A_272 : memref<10112x128xf32, #tpu.memory_space<vmem_shared>>)
        tpu.yield
      }) : () -> ()
      %while3A_251 = arith.constant 0 : i32
      scf.yield %while3A_251 : i32
    }
    %gt3A = arith.constant 0 : i32
    %gt3A_22 = arith.cmpi sgt, %select_n3A_10, %gt3A : i32
    %convert_element_type3A = arith.extui %gt3A_22 : i1 to i32
    %cond3A = arith.constant 0 : i32
    %cond3A_23 = arith.cmpi ne, %convert_element_type3A, %cond3A : i32
    scf.if %cond3A_23 {
      %dma_wait3A = arith.constant 1 : i32
      %dma_wait3A_29 = arith.constant 0 : i32
      %dma_wait3A_30 = arith.constant 0 : i32
      %dma_wait3A_31 = tpu.memref_slice %arg9[%dma_wait3A, %dma_wait3A_29, %dma_wait3A_30] : memref<2x128x128xf32, #tpu.memory_space<vmem>> -> memref<1x128x128xf32, #tpu.memory_space<vmem>>
      %dma_wait3A_32 = tpu.memref_squeeze %dma_wait3A_31 : memref<1x128x128xf32, #tpu.memory_space<vmem>> -> memref<128x128xf32, #tpu.memory_space<vmem>>
      %dma_wait3A_33 = arith.constant 0 : i32
      %dma_wait3A_34 = arith.constant 0 : i32
      %dma_wait3A_35 = tpu.memref_slice %arg2[%dma_wait3A_33, %dma_wait3A_34] : memref<10112x128xf32, #tpu.memory_space<hbm>> -> memref<128x128xf32, #tpu.memory_space<hbm>>
      %dma_wait3A_36 = arith.constant 0 : i32
      %dma_wait3A_37 = arith.constant 0 : i32
      %dma_wait3A_38 = tpu.memref_slice %arg9[%dma_wait3A, %dma_wait3A_36, %dma_wait3A_37] : memref<2x128x128xf32, #tpu.memory_space<vmem>> -> memref<1x128x128xf32, #tpu.memory_space<vmem>>
      %dma_wait3A_39 = tpu.memref_squeeze %dma_wait3A_38 : memref<1x128x128xf32, #tpu.memory_space<vmem>> -> memref<128x128xf32, #tpu.memory_space<vmem>>
      %dma_wait3A_40 = arith.constant 0 : i32
      %dma_wait3A_41 = arith.constant 0 : i32
      %dma_wait3A_42 = tpu.memref_slice %arg2[%dma_wait3A_40, %dma_wait3A_41] : memref<10112x128xf32, #tpu.memory_space<hbm>> -> memref<128x128xf32, #tpu.memory_space<hbm>>
      tpu.wait_dma2 semaphore(%arg11 : memref<!tpu.dma_semaphore, #tpu.memory_space<semaphore_mem>>) src(%dma_wait3A_42 : memref<128x128xf32, #tpu.memory_space<hbm>>) dst(%dma_wait3A_39 : memref<128x128xf32, #tpu.memory_space<vmem>>)
      %run_scoped3A = arith.constant 1 : i32
      %run_scoped3A_43 = arith.constant 7 : i32
      "tpu.region"() ({
        %run_scoped3A_44 = tpu.sem_alloc : memref<!tpu.dma_semaphore, #tpu.memory_space<semaphore_mem>>
        %dma_start3A = arith.constant 0 : i32
        %dma_start3A_45 = arith.constant 0 : i32
        %dma_start3A_46 = tpu.memref_slice %arg9[%run_scoped3A, %dma_start3A, %dma_start3A_45] : memref<2x128x128xf32, #tpu.memory_space<vmem>> -> memref<1x128x128xf32, #tpu.memory_space<vmem>>
        %dma_start3A_47 = tpu.memref_squeeze %dma_start3A_46 : memref<1x128x128xf32, #tpu.memory_space<vmem>> -> memref<128x128xf32, #tpu.memory_space<vmem>>
        %dma_start3A_48 = arith.constant 0 : i32
        %dma_start3A_49 = tpu.memref_slice %arg8[%run_scoped3A_43, %dma_start3A_48] : memref<8x128xi32, #tpu.memory_space<vmem>> -> memref<1x128xi32, #tpu.memory_space<vmem>>
        %dma_start3A_50 = tpu.memref_squeeze %dma_start3A_49 : memref<1x128xi32, #tpu.memory_space<vmem>> -> memref<128xi32, #tpu.memory_space<vmem>>
        %dma_start3A_51 = arith.constant 0 : i32
        %dma_start3A_52 = arith.constant 0 : i32
        %dma_start3A_53 = tpu.memref_slice %arg10[%dma_start3A_51, %dma_start3A_52] : memref<10112x128xf32, #tpu.memory_space<vmem_shared>> -> memref<10112x128xf32, #tpu.memory_space<vmem_shared>>
        tpu.enqueue_indirect_dma source(%dma_start3A_47 : memref<128x128xf32, #tpu.memory_space<vmem>>) target(%dma_start3A_53 : memref<10112x128xf32, #tpu.memory_space<vmem_shared>>) offsets(%dma_start3A_50 : memref<128xi32, #tpu.memory_space<vmem>>) semaphore(%run_scoped3A_44 : memref<!tpu.dma_semaphore, #tpu.memory_space<semaphore_mem>>) {add = true}
        %dma_wait3A_54 = arith.constant 0 : i32
        %dma_wait3A_55 = arith.constant 0 : i32
        %dma_wait3A_56 = tpu.memref_slice %arg9[%run_scoped3A, %dma_wait3A_54, %dma_wait3A_55] : memref<2x128x128xf32, #tpu.memory_space<vmem>> -> memref<1x128x128xf32, #tpu.memory_space<vmem>>
        %dma_wait3A_57 = tpu.memref_squeeze %dma_wait3A_56 : memref<1x128x128xf32, #tpu.memory_space<vmem>> -> memref<128x128xf32, #tpu.memory_space<vmem>>
        %dma_wait3A_58 = arith.constant 0 : i32
        %dma_wait3A_59 = tpu.memref_slice %arg8[%run_scoped3A_43, %dma_wait3A_58] : memref<8x128xi32, #tpu.memory_space<vmem>> -> memref<1x128xi32, #tpu.memory_space<vmem>>
        %dma_wait3A_60 = tpu.memref_squeeze %dma_wait3A_59 : memref<1x128xi32, #tpu.memory_space<vmem>> -> memref<128xi32, #tpu.memory_space<vmem>>
        %dma_wait3A_61 = arith.constant 0 : i32
        %dma_wait3A_62 = arith.constant 0 : i32
        %dma_wait3A_63 = tpu.memref_slice %arg10[%dma_wait3A_61, %dma_wait3A_62] : memref<10112x128xf32, #tpu.memory_space<vmem_shared>> -> memref<10112x128xf32, #tpu.memory_space<vmem_shared>>
        tpu.wait_indirect_dma semaphore(%run_scoped3A_44 : memref<!tpu.dma_semaphore, #tpu.memory_space<semaphore_mem>>) src(%dma_wait3A_57 : memref<128x128xf32, #tpu.memory_space<vmem>>) dst(%dma_wait3A_63 : memref<10112x128xf32, #tpu.memory_space<vmem_shared>>)
        tpu.yield
      }) : () -> ()
    } else {
    }
    %barrier3A_24 = arith.constant 0 : index
    tpu.barrier barrier_id(%barrier3A_24)
    "tpu.trace_stop"() : () -> ()
    "tpu.trace_start"() <{level = 10 : i32, message = "copy_out"}> : () -> ()
    %mul3A_25 = arith.constant 632 : i32
    %mul3A_26 = arith.muli %arg1, %mul3A_25 : i32
    %mul3A_27 = arith.constant 632 : i32
    %mul3A_28 = arith.muli %arg1, %mul3A_27 : i32
    "tpu.region"() ({
      %run_scoped3A = tpu.sem_alloc : memref<!tpu.dma_semaphore, #tpu.memory_space<semaphore_mem>>
      %dma_start3A = arith.constant 0 : i32
      %dma_start3A_29 = tpu.memref_slice %arg6[%arg0, %mul3A_28, %dma_start3A] : memref<2x10112x128xf32, #tpu.memory_space<hbm>> -> memref<1x632x128xf32, #tpu.memory_space<hbm>>
      %dma_start3A_30 = tpu.memref_squeeze %dma_start3A_29 : memref<1x632x128xf32, #tpu.memory_space<hbm>> -> memref<632x128xf32, #tpu.memory_space<hbm>>
      %dma_start3A_31 = arith.constant 0 : i32
      %dma_start3A_32 = tpu.memref_slice %arg10[%mul3A_26, %dma_start3A_31] : memref<10112x128xf32, #tpu.memory_space<vmem_shared>> -> memref<632x128xf32, #tpu.memory_space<vmem_shared>>
      tpu.enqueue_dma source(%dma_start3A_32 : memref<632x128xf32, #tpu.memory_space<vmem_shared>>) target(%dma_start3A_30 : memref<632x128xf32, #tpu.memory_space<hbm>>) target_semaphore(%run_scoped3A : memref<!tpu.dma_semaphore, #tpu.memory_space<semaphore_mem>>)
      %dma_wait3A = arith.constant 0 : i32
      %dma_wait3A_33 = tpu.memref_slice %arg6[%arg0, %mul3A_28, %dma_wait3A] : memref<2x10112x128xf32, #tpu.memory_space<hbm>> -> memref<1x632x128xf32, #tpu.memory_space<hbm>>
      %dma_wait3A_34 = tpu.memref_squeeze %dma_wait3A_33 : memref<1x632x128xf32, #tpu.memory_space<hbm>> -> memref<632x128xf32, #tpu.memory_space<hbm>>
      %dma_wait3A_35 = arith.constant 0 : i32
      %dma_wait3A_36 = tpu.memref_slice %arg10[%mul3A_26, %dma_wait3A_35] : memref<10112x128xf32, #tpu.memory_space<vmem_shared>> -> memref<632x128xf32, #tpu.memory_space<vmem_shared>>
      tpu.wait_dma2 semaphore(%run_scoped3A : memref<!tpu.dma_semaphore, #tpu.memory_space<semaphore_mem>>) src(%dma_wait3A_36 : memref<632x128xf32, #tpu.memory_space<vmem_shared>>) dst(%dma_wait3A_34 : memref<632x128xf32, #tpu.memory_space<hbm>>)
      tpu.yield
    }) : () -> ()
    "tpu.trace_stop"() : () -> ()
    return
  }
}

#map = affine_map<(d0, d1) -> (0, 0)>
#map1 = affine_map<(d0, d1) -> (0, 0, 0)>
module attributes {stable_mosaic.version = 14 : i64} {
  func.func @_sc_scatter_body(%arg0: i32, %arg1: i32, %arg2: memref<10112x128xf32, #tpu.memory_space<hbm>>, %arg3: memref<2560x128xi32, #tpu.memory_space<hbm>>, %arg4: memref<2560x128xi32, #tpu.memory_space<hbm>>, %arg5: memref<632x128xf32, #tpu.memory_space<hbm>>, %arg6: memref<2x10112x128xf32, #tpu.memory_space<hbm>>, %arg7: memref<8x128xi32, #tpu.memory_space<vmem>>, %arg8: memref<8x128xi32, #tpu.memory_space<vmem>>, %arg9: memref<2x128x128xf32, #tpu.memory_space<vmem>>, %arg10: memref<10112x128xf32, #tpu.memory_space<vmem_shared>>, %arg11: memref<!tpu.dma_semaphore, #tpu.memory_space<semaphore_mem>>) attributes {dimension_semantics = [#tpu.dimension_semantics<core_parallel>, #tpu.dimension_semantics<subcore_parallel>], iteration_bounds = array<i64: 2, 16>, scalar_prefetch = 0 : i64, scratch_operands = 5 : i64, tpu.core_type = #tpu.core_type<sc_vector_subcore>, window_params = [{transform_indices = #map}, {transform_indices = #map}, {transform_indices = #map}, {transform_indices = #map}, {transform_indices = #map1}]} {
    "tpu.trace_start"() <{level = 10 : i32, message = "agg_init"}> : () -> ()
    %mul3A = arith.constant 632 : i32
    %mul3A_0 = arith.muli %arg1, %mul3A : i32
    "tpu.region"() ({
      %run_scoped3A = tpu.sem_alloc : memref<!tpu.dma_semaphore, #tpu.memory_space<semaphore_mem>>
      %dma_start3A = arith.constant 0 : i32
      %dma_start3A_29 = tpu.memref_slice %arg10[%mul3A_0, %dma_start3A] : memref<10112x128xf32, #tpu.memory_space<vmem_shared>> -> memref<632x128xf32, #tpu.memory_space<vmem_shared>>
      tpu.enqueue_dma source(%arg5 : memref<632x128xf32, #tpu.memory_space<hbm>>) target(%dma_start3A_29 : memref<632x128xf32, #tpu.memory_space<vmem_shared>>) target_semaphore(%run_scoped3A : memref<!tpu.dma_semaphore, #tpu.memory_space<semaphore_mem>>)
      %dma_wait3A = arith.constant 0 : i32
      %dma_wait3A_30 = tpu.memref_slice %arg10[%mul3A_0, %dma_wait3A] : memref<10112x128xf32, #tpu.memory_space<vmem_shared>> -> memref<632x128xf32, #tpu.memory_space<vmem_shared>>
      tpu.wait_dma2 semaphore(%run_scoped3A : memref<!tpu.dma_semaphore, #tpu.memory_space<semaphore_mem>>) src(%arg5 : memref<632x128xf32, #tpu.memory_space<hbm>>) dst(%dma_wait3A_30 : memref<632x128xf32, #tpu.memory_space<vmem_shared>>)
      tpu.yield
    }) : () -> ()
    %barrier3A = arith.constant 0 : index
    tpu.barrier barrier_id(%barrier3A)
    %eq3A = arith.constant 0 : i32
    "tpu.trace_stop"() : () -> ()
    %eq3A_1 = arith.cmpi eq, %arg0, %eq3A : i32
    %mul3A_2 = arith.constant 104 : i32
    %mul3A_3 = arith.muli %arg1, %mul3A_2 : i32
    %mul3A_4 = arith.constant 56 : i32
    %mul3A_5 = arith.muli %arg1, %mul3A_4 : i32
    %add3A = arith.constant 1664 : i32
    %add3A_6 = arith.addi %add3A, %mul3A_5 : i32
    %select_n3A = arith.select %eq3A_1, %mul3A_3, %add3A_6 : i32
    %eq3A_7 = arith.constant 0 : i32
    %eq3A_8 = arith.cmpi eq, %arg0, %eq3A_7 : i32
    %jit3A = arith.constant 13 : i32
    %jit3A_9 = arith.constant 7 : i32
    %select_n3A_10 = arith.select %eq3A_8, %jit3A, %jit3A_9 : i32
    %while3A = arith.constant 0 : i32
    %while3A_11 = arith.constant 0 : i32
    "tpu.trace_start"() <{level = 10 : i32, message = "edge_phase"}> : () -> ()
    %while3A_12 = arith.subi %select_n3A_10, %while3A : i32
    %while3A_13 = arith.addi %while3A, %while3A_12 : i32
    %while3A_14 = arith.constant 1 : i32
    %while3A_15 = arith.divsi %while3A_12, %while3A_14 : i32
    %while3A_16 = arith.muli %while3A_15, %while3A_14 : i32
    %while3A_17 = arith.addi %while3A, %while3A_16 : i32
    %while3A_18 = arith.constant 1 : i32
    %while3A_19 = scf.for %while3A_29 = %while3A to %while3A_17 step %while3A_18 iter_args(%while3A_30 = %while3A_11) -> (i32)  : i32 {
      %gt3A_31 = arith.constant 0 : i32
      %gt3A_32 = arith.cmpi sgt, %while3A_29, %gt3A_31 : i32
      %convert_element_type3A_33 = arith.extui %gt3A_32 : i1 to i32
      %cond3A_34 = arith.constant 0 : i32
      %cond3A_35 = arith.cmpi ne, %convert_element_type3A_33, %cond3A_34 : i32
      scf.if %cond3A_35 {
        %dma_wait3A_252 = arith.constant 1 : i32
        %dma_wait3A_253 = arith.constant 0 : i32
        %dma_wait3A_254 = arith.constant 0 : i32
        %dma_wait3A_255 = tpu.memref_slice %arg9[%dma_wait3A_252, %dma_wait3A_253, %dma_wait3A_254] : memref<2x128x128xf32, #tpu.memory_space<vmem>> -> memref<1x128x128xf32, #tpu.memory_space<vmem>>
        %dma_wait3A_256 = tpu.memref_squeeze %dma_wait3A_255 : memref<1x128x128xf32, #tpu.memory_space<vmem>> -> memref<128x128xf32, #tpu.memory_space<vmem>>
        %dma_wait3A_257 = arith.constant 0 : i32
        %dma_wait3A_258 = arith.constant 0 : i32
        %dma_wait3A_259 = tpu.memref_slice %arg2[%dma_wait3A_257, %dma_wait3A_258] : memref<10112x128xf32, #tpu.memory_space<hbm>> -> memref<128x128xf32, #tpu.memory_space<hbm>>
        %dma_wait3A_260 = arith.constant 0 : i32
        %dma_wait3A_261 = arith.constant 0 : i32
        %dma_wait3A_262 = tpu.memref_slice %arg9[%dma_wait3A_252, %dma_wait3A_260, %dma_wait3A_261] : memref<2x128x128xf32, #tpu.memory_space<vmem>> -> memref<1x128x128xf32, #tpu.memory_space<vmem>>
        %dma_wait3A_263 = tpu.memref_squeeze %dma_wait3A_262 : memref<1x128x128xf32, #tpu.memory_space<vmem>> -> memref<128x128xf32, #tpu.memory_space<vmem>>
        %dma_wait3A_264 = arith.constant 0 : i32
        %dma_wait3A_265 = arith.constant 0 : i32
        %dma_wait3A_266 = tpu.memref_slice %arg2[%dma_wait3A_264, %dma_wait3A_265] : memref<10112x128xf32, #tpu.memory_space<hbm>> -> memref<128x128xf32, #tpu.memory_space<hbm>>
        tpu.wait_dma2 semaphore(%arg11 : memref<!tpu.dma_semaphore, #tpu.memory_space<semaphore_mem>>) src(%dma_wait3A_266 : memref<128x128xf32, #tpu.memory_space<hbm>>) dst(%dma_wait3A_263 : memref<128x128xf32, #tpu.memory_space<vmem>>)
        %run_scoped3A_267 = arith.constant 1 : i32
        %run_scoped3A_268 = arith.constant 7 : i32
        "tpu.region"() ({
          %run_scoped3A_269 = tpu.sem_alloc : memref<!tpu.dma_semaphore, #tpu.memory_space<semaphore_mem>>
          %dma_start3A_270 = arith.constant 0 : i32
          %dma_start3A_271 = arith.constant 0 : i32
          %dma_start3A_272 = tpu.memref_slice %arg9[%run_scoped3A_267, %dma_start3A_270, %dma_start3A_271] : memref<2x128x128xf32, #tpu.memory_space<vmem>> -> memref<1x128x128xf32, #tpu.memory_space<vmem>>
          %dma_start3A_273 = tpu.memref_squeeze %dma_start3A_272 : memref<1x128x128xf32, #tpu.memory_space<vmem>> -> memref<128x128xf32, #tpu.memory_space<vmem>>
          %dma_start3A_274 = arith.constant 0 : i32
          %dma_start3A_275 = tpu.memref_slice %arg8[%run_scoped3A_268, %dma_start3A_274] : memref<8x128xi32, #tpu.memory_space<vmem>> -> memref<1x128xi32, #tpu.memory_space<vmem>>
          %dma_start3A_276 = tpu.memref_squeeze %dma_start3A_275 : memref<1x128xi32, #tpu.memory_space<vmem>> -> memref<128xi32, #tpu.memory_space<vmem>>
          %dma_start3A_277 = arith.constant 0 : i32
          %dma_start3A_278 = arith.constant 0 : i32
          %dma_start3A_279 = tpu.memref_slice %arg10[%dma_start3A_277, %dma_start3A_278] : memref<10112x128xf32, #tpu.memory_space<vmem_shared>> -> memref<10112x128xf32, #tpu.memory_space<vmem_shared>>
          tpu.enqueue_indirect_dma source(%dma_start3A_273 : memref<128x128xf32, #tpu.memory_space<vmem>>) target(%dma_start3A_279 : memref<10112x128xf32, #tpu.memory_space<vmem_shared>>) offsets(%dma_start3A_276 : memref<128xi32, #tpu.memory_space<vmem>>) semaphore(%run_scoped3A_269 : memref<!tpu.dma_semaphore, #tpu.memory_space<semaphore_mem>>) {add = true}
          %dma_wait3A_280 = arith.constant 0 : i32
          %dma_wait3A_281 = arith.constant 0 : i32
          %dma_wait3A_282 = tpu.memref_slice %arg9[%run_scoped3A_267, %dma_wait3A_280, %dma_wait3A_281] : memref<2x128x128xf32, #tpu.memory_space<vmem>> -> memref<1x128x128xf32, #tpu.memory_space<vmem>>
          %dma_wait3A_283 = tpu.memref_squeeze %dma_wait3A_282 : memref<1x128x128xf32, #tpu.memory_space<vmem>> -> memref<128x128xf32, #tpu.memory_space<vmem>>
          %dma_wait3A_284 = arith.constant 0 : i32
          %dma_wait3A_285 = tpu.memref_slice %arg8[%run_scoped3A_268, %dma_wait3A_284] : memref<8x128xi32, #tpu.memory_space<vmem>> -> memref<1x128xi32, #tpu.memory_space<vmem>>
          %dma_wait3A_286 = tpu.memref_squeeze %dma_wait3A_285 : memref<1x128xi32, #tpu.memory_space<vmem>> -> memref<128xi32, #tpu.memory_space<vmem>>
          %dma_wait3A_287 = arith.constant 0 : i32
          %dma_wait3A_288 = arith.constant 0 : i32
          %dma_wait3A_289 = tpu.memref_slice %arg10[%dma_wait3A_287, %dma_wait3A_288] : memref<10112x128xf32, #tpu.memory_space<vmem_shared>> -> memref<10112x128xf32, #tpu.memory_space<vmem_shared>>
          tpu.wait_indirect_dma semaphore(%run_scoped3A_269 : memref<!tpu.dma_semaphore, #tpu.memory_space<semaphore_mem>>) src(%dma_wait3A_283 : memref<128x128xf32, #tpu.memory_space<vmem>>) dst(%dma_wait3A_289 : memref<10112x128xf32, #tpu.memory_space<vmem_shared>>)
          tpu.yield
        }) : () -> ()
      } else {
      }
      %mul3A_36 = arith.constant 8 : i32
      %mul3A_37 = arith.muli %while3A_29, %mul3A_36 : i32
      %add3A_38 = arith.addi %select_n3A, %mul3A_37 : i32
      "tpu.region"() ({
        %run_scoped3A_252 = tpu.sem_alloc : memref<!tpu.dma_semaphore, #tpu.memory_space<semaphore_mem>>
        %dma_start3A_253 = arith.constant 0 : i32
        %dma_start3A_254 = tpu.memref_slice %arg3[%add3A_38, %dma_start3A_253] : memref<2560x128xi32, #tpu.memory_space<hbm>> -> memref<8x128xi32, #tpu.memory_space<hbm>>
        %dma_start3A_255 = arith.constant 0 : i32
        %dma_start3A_256 = tpu.memref_slice %arg3[%add3A_38, %dma_start3A_255] : memref<2560x128xi32, #tpu.memory_space<hbm>> -> memref<8x128xi32, #tpu.memory_space<hbm>>
        tpu.enqueue_dma source(%dma_start3A_256 : memref<8x128xi32, #tpu.memory_space<hbm>>) target(%arg7 : memref<8x128xi32, #tpu.memory_space<vmem>>) target_semaphore(%run_scoped3A_252 : memref<!tpu.dma_semaphore, #tpu.memory_space<semaphore_mem>>)
        %dma_wait3A_257 = arith.constant 0 : i32
        %dma_wait3A_258 = tpu.memref_slice %arg3[%add3A_38, %dma_wait3A_257] : memref<2560x128xi32, #tpu.memory_space<hbm>> -> memref<8x128xi32, #tpu.memory_space<hbm>>
        %dma_wait3A_259 = arith.constant 0 : i32
        %dma_wait3A_260 = tpu.memref_slice %arg3[%add3A_38, %dma_wait3A_259] : memref<2560x128xi32, #tpu.memory_space<hbm>> -> memref<8x128xi32, #tpu.memory_space<hbm>>
        tpu.wait_dma2 semaphore(%run_scoped3A_252 : memref<!tpu.dma_semaphore, #tpu.memory_space<semaphore_mem>>) src(%dma_wait3A_260 : memref<8x128xi32, #tpu.memory_space<hbm>>) dst(%arg7 : memref<8x128xi32, #tpu.memory_space<vmem>>)
        tpu.yield
      }) : () -> ()
      "tpu.region"() ({
        %run_scoped3A_252 = tpu.sem_alloc : memref<!tpu.dma_semaphore, #tpu.memory_space<semaphore_mem>>
        %dma_start3A_253 = arith.constant 0 : i32
        %dma_start3A_254 = tpu.memref_slice %arg4[%add3A_38, %dma_start3A_253] : memref<2560x128xi32, #tpu.memory_space<hbm>> -> memref<8x128xi32, #tpu.memory_space<hbm>>
        %dma_start3A_255 = arith.constant 0 : i32
        %dma_start3A_256 = tpu.memref_slice %arg4[%add3A_38, %dma_start3A_255] : memref<2560x128xi32, #tpu.memory_space<hbm>> -> memref<8x128xi32, #tpu.memory_space<hbm>>
        tpu.enqueue_dma source(%dma_start3A_256 : memref<8x128xi32, #tpu.memory_space<hbm>>) target(%arg8 : memref<8x128xi32, #tpu.memory_space<vmem>>) target_semaphore(%run_scoped3A_252 : memref<!tpu.dma_semaphore, #tpu.memory_space<semaphore_mem>>)
        %dma_wait3A_257 = arith.constant 0 : i32
        %dma_wait3A_258 = tpu.memref_slice %arg4[%add3A_38, %dma_wait3A_257] : memref<2560x128xi32, #tpu.memory_space<hbm>> -> memref<8x128xi32, #tpu.memory_space<hbm>>
        %dma_wait3A_259 = arith.constant 0 : i32
        %dma_wait3A_260 = tpu.memref_slice %arg4[%add3A_38, %dma_wait3A_259] : memref<2560x128xi32, #tpu.memory_space<hbm>> -> memref<8x128xi32, #tpu.memory_space<hbm>>
        tpu.wait_dma2 semaphore(%run_scoped3A_252 : memref<!tpu.dma_semaphore, #tpu.memory_space<semaphore_mem>>) src(%dma_wait3A_260 : memref<8x128xi32, #tpu.memory_space<hbm>>) dst(%arg8 : memref<8x128xi32, #tpu.memory_space<vmem>>)
        tpu.yield
      }) : () -> ()
      %dma_start3A = arith.constant 0 : i32
      %dma_start3A_39 = arith.constant 0 : i32
      %dma_start3A_40 = arith.constant 0 : i32
      %dma_start3A_41 = arith.constant 0 : i32
      %dma_start3A_42 = tpu.memref_slice %arg9[%dma_start3A_39, %dma_start3A_40, %dma_start3A_41] : memref<2x128x128xf32, #tpu.memory_space<vmem>> -> memref<1x128x128xf32, #tpu.memory_space<vmem>>
      %dma_start3A_43 = tpu.memref_squeeze %dma_start3A_42 : memref<1x128x128xf32, #tpu.memory_space<vmem>> -> memref<128x128xf32, #tpu.memory_space<vmem>>
      %dma_start3A_44 = arith.constant 0 : i32
      %dma_start3A_45 = tpu.memref_slice %arg7[%dma_start3A, %dma_start3A_44] : memref<8x128xi32, #tpu.memory_space<vmem>> -> memref<1x128xi32, #tpu.memory_space<vmem>>
      %dma_start3A_46 = tpu.memref_squeeze %dma_start3A_45 : memref<1x128xi32, #tpu.memory_space<vmem>> -> memref<128xi32, #tpu.memory_space<vmem>>
      %dma_start3A_47 = arith.constant 0 : i32
      %dma_start3A_48 = arith.constant 0 : i32
      %dma_start3A_49 = tpu.memref_slice %arg2[%dma_start3A_47, %dma_start3A_48] : memref<10112x128xf32, #tpu.memory_space<hbm>> -> memref<10112x128xf32, #tpu.memory_space<hbm>>
      tpu.enqueue_indirect_dma source(%dma_start3A_49 : memref<10112x128xf32, #tpu.memory_space<hbm>>) target(%dma_start3A_43 : memref<128x128xf32, #tpu.memory_space<vmem>>) offsets(%dma_start3A_46 : memref<128xi32, #tpu.memory_space<vmem>>) semaphore(%arg11 : memref<!tpu.dma_semaphore, #tpu.memory_space<semaphore_mem>>)
      %dma_start3A_50 = arith.constant 1 : i32
      %dma_start3A_51 = arith.constant 1 : i32
      %dma_start3A_52 = arith.constant 0 : i32
      %dma_start3A_53 = arith.constant 0 : i32
      %dma_start3A_54 = tpu.memref_slice %arg9[%dma_start3A_51, %dma_start3A_52, %dma_start3A_53] : memref<2x128x128xf32, #tpu.memory_space<vmem>> -> memref<1x128x128xf32, #tpu.memory_space<vmem>>
      %dma_start3A_55 = tpu.memref_squeeze %dma_start3A_54 : memref<1x128x128xf32, #tpu.memory_space<vmem>> -> memref<128x128xf32, #tpu.memory_space<vmem>>
      %dma_start3A_56 = arith.constant 0 : i32
      %dma_start3A_57 = tpu.memref_slice %arg7[%dma_start3A_50, %dma_start3A_56] : memref<8x128xi32, #tpu.memory_space<vmem>> -> memref<1x128xi32, #tpu.memory_space<vmem>>
      %dma_start3A_58 = tpu.memref_squeeze %dma_start3A_57 : memref<1x128xi32, #tpu.memory_space<vmem>> -> memref<128xi32, #tpu.memory_space<vmem>>
      %dma_start3A_59 = arith.constant 0 : i32
      %dma_start3A_60 = arith.constant 0 : i32
      %dma_start3A_61 = tpu.memref_slice %arg2[%dma_start3A_59, %dma_start3A_60] : memref<10112x128xf32, #tpu.memory_space<hbm>> -> memref<10112x128xf32, #tpu.memory_space<hbm>>
      tpu.enqueue_indirect_dma source(%dma_start3A_61 : memref<10112x128xf32, #tpu.memory_space<hbm>>) target(%dma_start3A_55 : memref<128x128xf32, #tpu.memory_space<vmem>>) offsets(%dma_start3A_58 : memref<128xi32, #tpu.memory_space<vmem>>) semaphore(%arg11 : memref<!tpu.dma_semaphore, #tpu.memory_space<semaphore_mem>>)
      %dma_wait3A = arith.constant 0 : i32
      %dma_wait3A_62 = arith.constant 0 : i32
      %dma_wait3A_63 = arith.constant 0 : i32
      %dma_wait3A_64 = tpu.memref_slice %arg9[%dma_wait3A, %dma_wait3A_62, %dma_wait3A_63] : memref<2x128x128xf32, #tpu.memory_space<vmem>> -> memref<1x128x128xf32, #tpu.memory_space<vmem>>
      %dma_wait3A_65 = tpu.memref_squeeze %dma_wait3A_64 : memref<1x128x128xf32, #tpu.memory_space<vmem>> -> memref<128x128xf32, #tpu.memory_space<vmem>>
      %dma_wait3A_66 = arith.constant 0 : i32
      %dma_wait3A_67 = arith.constant 0 : i32
      %dma_wait3A_68 = tpu.memref_slice %arg2[%dma_wait3A_66, %dma_wait3A_67] : memref<10112x128xf32, #tpu.memory_space<hbm>> -> memref<128x128xf32, #tpu.memory_space<hbm>>
      %dma_wait3A_69 = arith.constant 0 : i32
      %dma_wait3A_70 = arith.constant 0 : i32
      %dma_wait3A_71 = tpu.memref_slice %arg9[%dma_wait3A, %dma_wait3A_69, %dma_wait3A_70] : memref<2x128x128xf32, #tpu.memory_space<vmem>> -> memref<1x128x128xf32, #tpu.memory_space<vmem>>
      %dma_wait3A_72 = tpu.memref_squeeze %dma_wait3A_71 : memref<1x128x128xf32, #tpu.memory_space<vmem>> -> memref<128x128xf32, #tpu.memory_space<vmem>>
      %dma_wait3A_73 = arith.constant 0 : i32
      %dma_wait3A_74 = arith.constant 0 : i32
      %dma_wait3A_75 = tpu.memref_slice %arg2[%dma_wait3A_73, %dma_wait3A_74] : memref<10112x128xf32, #tpu.memory_space<hbm>> -> memref<128x128xf32, #tpu.memory_space<hbm>>
      tpu.wait_dma2 semaphore(%arg11 : memref<!tpu.dma_semaphore, #tpu.memory_space<semaphore_mem>>) src(%dma_wait3A_75 : memref<128x128xf32, #tpu.memory_space<hbm>>) dst(%dma_wait3A_72 : memref<128x128xf32, #tpu.memory_space<vmem>>)
      %run_scoped3A = arith.constant 0 : i32
      %run_scoped3A_76 = arith.constant 0 : i32
      "tpu.region"() ({
        %run_scoped3A_252 = tpu.sem_alloc : memref<!tpu.dma_semaphore, #tpu.memory_space<semaphore_mem>>
        %dma_start3A_253 = arith.constant 0 : i32
        %dma_start3A_254 = arith.constant 0 : i32
        %dma_start3A_255 = tpu.memref_slice %arg9[%run_scoped3A, %dma_start3A_253, %dma_start3A_254] : memref<2x128x128xf32, #tpu.memory_space<vmem>> -> memref<1x128x128xf32, #tpu.memory_space<vmem>>
        %dma_start3A_256 = tpu.memref_squeeze %dma_start3A_255 : memref<1x128x128xf32, #tpu.memory_space<vmem>> -> memref<128x128xf32, #tpu.memory_space<vmem>>
        %dma_start3A_257 = arith.constant 0 : i32
        %dma_start3A_258 = tpu.memref_slice %arg8[%run_scoped3A_76, %dma_start3A_257] : memref<8x128xi32, #tpu.memory_space<vmem>> -> memref<1x128xi32, #tpu.memory_space<vmem>>
        %dma_start3A_259 = tpu.memref_squeeze %dma_start3A_258 : memref<1x128xi32, #tpu.memory_space<vmem>> -> memref<128xi32, #tpu.memory_space<vmem>>
        %dma_start3A_260 = arith.constant 0 : i32
        %dma_start3A_261 = arith.constant 0 : i32
        %dma_start3A_262 = tpu.memref_slice %arg10[%dma_start3A_260, %dma_start3A_261] : memref<10112x128xf32, #tpu.memory_space<vmem_shared>> -> memref<10112x128xf32, #tpu.memory_space<vmem_shared>>
        tpu.enqueue_indirect_dma source(%dma_start3A_256 : memref<128x128xf32, #tpu.memory_space<vmem>>) target(%dma_start3A_262 : memref<10112x128xf32, #tpu.memory_space<vmem_shared>>) offsets(%dma_start3A_259 : memref<128xi32, #tpu.memory_space<vmem>>) semaphore(%run_scoped3A_252 : memref<!tpu.dma_semaphore, #tpu.memory_space<semaphore_mem>>) {add = true}
        %dma_wait3A_263 = arith.constant 0 : i32
        %dma_wait3A_264 = arith.constant 0 : i32
        %dma_wait3A_265 = tpu.memref_slice %arg9[%run_scoped3A, %dma_wait3A_263, %dma_wait3A_264] : memref<2x128x128xf32, #tpu.memory_space<vmem>> -> memref<1x128x128xf32, #tpu.memory_space<vmem>>
        %dma_wait3A_266 = tpu.memref_squeeze %dma_wait3A_265 : memref<1x128x128xf32, #tpu.memory_space<vmem>> -> memref<128x128xf32, #tpu.memory_space<vmem>>
        %dma_wait3A_267 = arith.constant 0 : i32
        %dma_wait3A_268 = tpu.memref_slice %arg8[%run_scoped3A_76, %dma_wait3A_267] : memref<8x128xi32, #tpu.memory_space<vmem>> -> memref<1x128xi32, #tpu.memory_space<vmem>>
        %dma_wait3A_269 = tpu.memref_squeeze %dma_wait3A_268 : memref<1x128xi32, #tpu.memory_space<vmem>> -> memref<128xi32, #tpu.memory_space<vmem>>
        %dma_wait3A_270 = arith.constant 0 : i32
        %dma_wait3A_271 = arith.constant 0 : i32
        %dma_wait3A_272 = tpu.memref_slice %arg10[%dma_wait3A_270, %dma_wait3A_271] : memref<10112x128xf32, #tpu.memory_space<vmem_shared>> -> memref<10112x128xf32, #tpu.memory_space<vmem_shared>>
        tpu.wait_indirect_dma semaphore(%run_scoped3A_252 : memref<!tpu.dma_semaphore, #tpu.memory_space<semaphore_mem>>) src(%dma_wait3A_266 : memref<128x128xf32, #tpu.memory_space<vmem>>) dst(%dma_wait3A_272 : memref<10112x128xf32, #tpu.memory_space<vmem_shared>>)
        tpu.yield
      }) : () -> ()
      %dma_start3A_77 = arith.constant 2 : i32
      %dma_start3A_78 = arith.constant 0 : i32
      %dma_start3A_79 = arith.constant 0 : i32
      %dma_start3A_80 = arith.constant 0 : i32
      %dma_start3A_81 = tpu.memref_slice %arg9[%dma_start3A_78, %dma_start3A_79, %dma_start3A_80] : memref<2x128x128xf32, #tpu.memory_space<vmem>> -> memref<1x128x128xf32, #tpu.memory_space<vmem>>
      %dma_start3A_82 = tpu.memref_squeeze %dma_start3A_81 : memref<1x128x128xf32, #tpu.memory_space<vmem>> -> memref<128x128xf32, #tpu.memory_space<vmem>>
      %dma_start3A_83 = arith.constant 0 : i32
      %dma_start3A_84 = tpu.memref_slice %arg7[%dma_start3A_77, %dma_start3A_83] : memref<8x128xi32, #tpu.memory_space<vmem>> -> memref<1x128xi32, #tpu.memory_space<vmem>>
      %dma_start3A_85 = tpu.memref_squeeze %dma_start3A_84 : memref<1x128xi32, #tpu.memory_space<vmem>> -> memref<128xi32, #tpu.memory_space<vmem>>
      %dma_start3A_86 = arith.constant 0 : i32
      %dma_start3A_87 = arith.constant 0 : i32
      %dma_start3A_88 = tpu.memref_slice %arg2[%dma_start3A_86, %dma_start3A_87] : memref<10112x128xf32, #tpu.memory_space<hbm>> -> memref<10112x128xf32, #tpu.memory_space<hbm>>
      tpu.enqueue_indirect_dma source(%dma_start3A_88 : memref<10112x128xf32, #tpu.memory_space<hbm>>) target(%dma_start3A_82 : memref<128x128xf32, #tpu.memory_space<vmem>>) offsets(%dma_start3A_85 : memref<128xi32, #tpu.memory_space<vmem>>) semaphore(%arg11 : memref<!tpu.dma_semaphore, #tpu.memory_space<semaphore_mem>>)
      %dma_wait3A_89 = arith.constant 1 : i32
      %dma_wait3A_90 = arith.constant 0 : i32
      %dma_wait3A_91 = arith.constant 0 : i32
      %dma_wait3A_92 = tpu.memref_slice %arg9[%dma_wait3A_89, %dma_wait3A_90, %dma_wait3A_91] : memref<2x128x128xf32, #tpu.memory_space<vmem>> -> memref<1x128x128xf32, #tpu.memory_space<vmem>>
      %dma_wait3A_93 = tpu.memref_squeeze %dma_wait3A_92 : memref<1x128x128xf32, #tpu.memory_space<vmem>> -> memref<128x128xf32, #tpu.memory_space<vmem>>
      %dma_wait3A_94 = arith.constant 0 : i32
      %dma_wait3A_95 = arith.constant 0 : i32
      %dma_wait3A_96 = tpu.memref_slice %arg2[%dma_wait3A_94, %dma_wait3A_95] : memref<10112x128xf32, #tpu.memory_space<hbm>> -> memref<128x128xf32, #tpu.memory_space<hbm>>
      %dma_wait3A_97 = arith.constant 0 : i32
      %dma_wait3A_98 = arith.constant 0 : i32
      %dma_wait3A_99 = tpu.memref_slice %arg9[%dma_wait3A_89, %dma_wait3A_97, %dma_wait3A_98] : memref<2x128x128xf32, #tpu.memory_space<vmem>> -> memref<1x128x128xf32, #tpu.memory_space<vmem>>
      %dma_wait3A_100 = tpu.memref_squeeze %dma_wait3A_99 : memref<1x128x128xf32, #tpu.memory_space<vmem>> -> memref<128x128xf32, #tpu.memory_space<vmem>>
      %dma_wait3A_101 = arith.constant 0 : i32
      %dma_wait3A_102 = arith.constant 0 : i32
      %dma_wait3A_103 = tpu.memref_slice %arg2[%dma_wait3A_101, %dma_wait3A_102] : memref<10112x128xf32, #tpu.memory_space<hbm>> -> memref<128x128xf32, #tpu.memory_space<hbm>>
      tpu.wait_dma2 semaphore(%arg11 : memref<!tpu.dma_semaphore, #tpu.memory_space<semaphore_mem>>) src(%dma_wait3A_103 : memref<128x128xf32, #tpu.memory_space<hbm>>) dst(%dma_wait3A_100 : memref<128x128xf32, #tpu.memory_space<vmem>>)
      %run_scoped3A_104 = arith.constant 1 : i32
      %run_scoped3A_105 = arith.constant 1 : i32
      "tpu.region"() ({
        %run_scoped3A_252 = tpu.sem_alloc : memref<!tpu.dma_semaphore, #tpu.memory_space<semaphore_mem>>
        %dma_start3A_253 = arith.constant 0 : i32
        %dma_start3A_254 = arith.constant 0 : i32
        %dma_start3A_255 = tpu.memref_slice %arg9[%run_scoped3A_104, %dma_start3A_253, %dma_start3A_254] : memref<2x128x128xf32, #tpu.memory_space<vmem>> -> memref<1x128x128xf32, #tpu.memory_space<vmem>>
        %dma_start3A_256 = tpu.memref_squeeze %dma_start3A_255 : memref<1x128x128xf32, #tpu.memory_space<vmem>> -> memref<128x128xf32, #tpu.memory_space<vmem>>
        %dma_start3A_257 = arith.constant 0 : i32
        %dma_start3A_258 = tpu.memref_slice %arg8[%run_scoped3A_105, %dma_start3A_257] : memref<8x128xi32, #tpu.memory_space<vmem>> -> memref<1x128xi32, #tpu.memory_space<vmem>>
        %dma_start3A_259 = tpu.memref_squeeze %dma_start3A_258 : memref<1x128xi32, #tpu.memory_space<vmem>> -> memref<128xi32, #tpu.memory_space<vmem>>
        %dma_start3A_260 = arith.constant 0 : i32
        %dma_start3A_261 = arith.constant 0 : i32
        %dma_start3A_262 = tpu.memref_slice %arg10[%dma_start3A_260, %dma_start3A_261] : memref<10112x128xf32, #tpu.memory_space<vmem_shared>> -> memref<10112x128xf32, #tpu.memory_space<vmem_shared>>
        tpu.enqueue_indirect_dma source(%dma_start3A_256 : memref<128x128xf32, #tpu.memory_space<vmem>>) target(%dma_start3A_262 : memref<10112x128xf32, #tpu.memory_space<vmem_shared>>) offsets(%dma_start3A_259 : memref<128xi32, #tpu.memory_space<vmem>>) semaphore(%run_scoped3A_252 : memref<!tpu.dma_semaphore, #tpu.memory_space<semaphore_mem>>) {add = true}
        %dma_wait3A_263 = arith.constant 0 : i32
        %dma_wait3A_264 = arith.constant 0 : i32
        %dma_wait3A_265 = tpu.memref_slice %arg9[%run_scoped3A_104, %dma_wait3A_263, %dma_wait3A_264] : memref<2x128x128xf32, #tpu.memory_space<vmem>> -> memref<1x128x128xf32, #tpu.memory_space<vmem>>
        %dma_wait3A_266 = tpu.memref_squeeze %dma_wait3A_265 : memref<1x128x128xf32, #tpu.memory_space<vmem>> -> memref<128x128xf32, #tpu.memory_space<vmem>>
        %dma_wait3A_267 = arith.constant 0 : i32
        %dma_wait3A_268 = tpu.memref_slice %arg8[%run_scoped3A_105, %dma_wait3A_267] : memref<8x128xi32, #tpu.memory_space<vmem>> -> memref<1x128xi32, #tpu.memory_space<vmem>>
        %dma_wait3A_269 = tpu.memref_squeeze %dma_wait3A_268 : memref<1x128xi32, #tpu.memory_space<vmem>> -> memref<128xi32, #tpu.memory_space<vmem>>
        %dma_wait3A_270 = arith.constant 0 : i32
        %dma_wait3A_271 = arith.constant 0 : i32
        %dma_wait3A_272 = tpu.memref_slice %arg10[%dma_wait3A_270, %dma_wait3A_271] : memref<10112x128xf32, #tpu.memory_space<vmem_shared>> -> memref<10112x128xf32, #tpu.memory_space<vmem_shared>>
        tpu.wait_indirect_dma semaphore(%run_scoped3A_252 : memref<!tpu.dma_semaphore, #tpu.memory_space<semaphore_mem>>) src(%dma_wait3A_266 : memref<128x128xf32, #tpu.memory_space<vmem>>) dst(%dma_wait3A_272 : memref<10112x128xf32, #tpu.memory_space<vmem_shared>>)
        tpu.yield
      }) : () -> ()
      %dma_start3A_106 = arith.constant 3 : i32
      %dma_start3A_107 = arith.constant 1 : i32
      %dma_start3A_108 = arith.constant 0 : i32
      %dma_start3A_109 = arith.constant 0 : i32
      %dma_start3A_110 = tpu.memref_slice %arg9[%dma_start3A_107, %dma_start3A_108, %dma_start3A_109] : memref<2x128x128xf32, #tpu.memory_space<vmem>> -> memref<1x128x128xf32, #tpu.memory_space<vmem>>
      %dma_start3A_111 = tpu.memref_squeeze %dma_start3A_110 : memref<1x128x128xf32, #tpu.memory_space<vmem>> -> memref<128x128xf32, #tpu.memory_space<vmem>>
      %dma_start3A_112 = arith.constant 0 : i32
      %dma_start3A_113 = tpu.memref_slice %arg7[%dma_start3A_106, %dma_start3A_112] : memref<8x128xi32, #tpu.memory_space<vmem>> -> memref<1x128xi32, #tpu.memory_space<vmem>>
      %dma_start3A_114 = tpu.memref_squeeze %dma_start3A_113 : memref<1x128xi32, #tpu.memory_space<vmem>> -> memref<128xi32, #tpu.memory_space<vmem>>
      %dma_start3A_115 = arith.constant 0 : i32
      %dma_start3A_116 = arith.constant 0 : i32
      %dma_start3A_117 = tpu.memref_slice %arg2[%dma_start3A_115, %dma_start3A_116] : memref<10112x128xf32, #tpu.memory_space<hbm>> -> memref<10112x128xf32, #tpu.memory_space<hbm>>
      tpu.enqueue_indirect_dma source(%dma_start3A_117 : memref<10112x128xf32, #tpu.memory_space<hbm>>) target(%dma_start3A_111 : memref<128x128xf32, #tpu.memory_space<vmem>>) offsets(%dma_start3A_114 : memref<128xi32, #tpu.memory_space<vmem>>) semaphore(%arg11 : memref<!tpu.dma_semaphore, #tpu.memory_space<semaphore_mem>>)
      %dma_wait3A_118 = arith.constant 0 : i32
      %dma_wait3A_119 = arith.constant 0 : i32
      %dma_wait3A_120 = arith.constant 0 : i32
      %dma_wait3A_121 = tpu.memref_slice %arg9[%dma_wait3A_118, %dma_wait3A_119, %dma_wait3A_120] : memref<2x128x128xf32, #tpu.memory_space<vmem>> -> memref<1x128x128xf32, #tpu.memory_space<vmem>>
      %dma_wait3A_122 = tpu.memref_squeeze %dma_wait3A_121 : memref<1x128x128xf32, #tpu.memory_space<vmem>> -> memref<128x128xf32, #tpu.memory_space<vmem>>
      %dma_wait3A_123 = arith.constant 0 : i32
      %dma_wait3A_124 = arith.constant 0 : i32
      %dma_wait3A_125 = tpu.memref_slice %arg2[%dma_wait3A_123, %dma_wait3A_124] : memref<10112x128xf32, #tpu.memory_space<hbm>> -> memref<128x128xf32, #tpu.memory_space<hbm>>
      %dma_wait3A_126 = arith.constant 0 : i32
      %dma_wait3A_127 = arith.constant 0 : i32
      %dma_wait3A_128 = tpu.memref_slice %arg9[%dma_wait3A_118, %dma_wait3A_126, %dma_wait3A_127] : memref<2x128x128xf32, #tpu.memory_space<vmem>> -> memref<1x128x128xf32, #tpu.memory_space<vmem>>
      %dma_wait3A_129 = tpu.memref_squeeze %dma_wait3A_128 : memref<1x128x128xf32, #tpu.memory_space<vmem>> -> memref<128x128xf32, #tpu.memory_space<vmem>>
      %dma_wait3A_130 = arith.constant 0 : i32
      %dma_wait3A_131 = arith.constant 0 : i32
      %dma_wait3A_132 = tpu.memref_slice %arg2[%dma_wait3A_130, %dma_wait3A_131] : memref<10112x128xf32, #tpu.memory_space<hbm>> -> memref<128x128xf32, #tpu.memory_space<hbm>>
      tpu.wait_dma2 semaphore(%arg11 : memref<!tpu.dma_semaphore, #tpu.memory_space<semaphore_mem>>) src(%dma_wait3A_132 : memref<128x128xf32, #tpu.memory_space<hbm>>) dst(%dma_wait3A_129 : memref<128x128xf32, #tpu.memory_space<vmem>>)
      %run_scoped3A_133 = arith.constant 0 : i32
      %run_scoped3A_134 = arith.constant 2 : i32
      "tpu.region"() ({
        %run_scoped3A_252 = tpu.sem_alloc : memref<!tpu.dma_semaphore, #tpu.memory_space<semaphore_mem>>
        %dma_start3A_253 = arith.constant 0 : i32
        %dma_start3A_254 = arith.constant 0 : i32
        %dma_start3A_255 = tpu.memref_slice %arg9[%run_scoped3A_133, %dma_start3A_253, %dma_start3A_254] : memref<2x128x128xf32, #tpu.memory_space<vmem>> -> memref<1x128x128xf32, #tpu.memory_space<vmem>>
        %dma_start3A_256 = tpu.memref_squeeze %dma_start3A_255 : memref<1x128x128xf32, #tpu.memory_space<vmem>> -> memref<128x128xf32, #tpu.memory_space<vmem>>
        %dma_start3A_257 = arith.constant 0 : i32
        %dma_start3A_258 = tpu.memref_slice %arg8[%run_scoped3A_134, %dma_start3A_257] : memref<8x128xi32, #tpu.memory_space<vmem>> -> memref<1x128xi32, #tpu.memory_space<vmem>>
        %dma_start3A_259 = tpu.memref_squeeze %dma_start3A_258 : memref<1x128xi32, #tpu.memory_space<vmem>> -> memref<128xi32, #tpu.memory_space<vmem>>
        %dma_start3A_260 = arith.constant 0 : i32
        %dma_start3A_261 = arith.constant 0 : i32
        %dma_start3A_262 = tpu.memref_slice %arg10[%dma_start3A_260, %dma_start3A_261] : memref<10112x128xf32, #tpu.memory_space<vmem_shared>> -> memref<10112x128xf32, #tpu.memory_space<vmem_shared>>
        tpu.enqueue_indirect_dma source(%dma_start3A_256 : memref<128x128xf32, #tpu.memory_space<vmem>>) target(%dma_start3A_262 : memref<10112x128xf32, #tpu.memory_space<vmem_shared>>) offsets(%dma_start3A_259 : memref<128xi32, #tpu.memory_space<vmem>>) semaphore(%run_scoped3A_252 : memref<!tpu.dma_semaphore, #tpu.memory_space<semaphore_mem>>) {add = true}
        %dma_wait3A_263 = arith.constant 0 : i32
        %dma_wait3A_264 = arith.constant 0 : i32
        %dma_wait3A_265 = tpu.memref_slice %arg9[%run_scoped3A_133, %dma_wait3A_263, %dma_wait3A_264] : memref<2x128x128xf32, #tpu.memory_space<vmem>> -> memref<1x128x128xf32, #tpu.memory_space<vmem>>
        %dma_wait3A_266 = tpu.memref_squeeze %dma_wait3A_265 : memref<1x128x128xf32, #tpu.memory_space<vmem>> -> memref<128x128xf32, #tpu.memory_space<vmem>>
        %dma_wait3A_267 = arith.constant 0 : i32
        %dma_wait3A_268 = tpu.memref_slice %arg8[%run_scoped3A_134, %dma_wait3A_267] : memref<8x128xi32, #tpu.memory_space<vmem>> -> memref<1x128xi32, #tpu.memory_space<vmem>>
        %dma_wait3A_269 = tpu.memref_squeeze %dma_wait3A_268 : memref<1x128xi32, #tpu.memory_space<vmem>> -> memref<128xi32, #tpu.memory_space<vmem>>
        %dma_wait3A_270 = arith.constant 0 : i32
        %dma_wait3A_271 = arith.constant 0 : i32
        %dma_wait3A_272 = tpu.memref_slice %arg10[%dma_wait3A_270, %dma_wait3A_271] : memref<10112x128xf32, #tpu.memory_space<vmem_shared>> -> memref<10112x128xf32, #tpu.memory_space<vmem_shared>>
        tpu.wait_indirect_dma semaphore(%run_scoped3A_252 : memref<!tpu.dma_semaphore, #tpu.memory_space<semaphore_mem>>) src(%dma_wait3A_266 : memref<128x128xf32, #tpu.memory_space<vmem>>) dst(%dma_wait3A_272 : memref<10112x128xf32, #tpu.memory_space<vmem_shared>>)
        tpu.yield
      }) : () -> ()
      %dma_start3A_135 = arith.constant 4 : i32
      %dma_start3A_136 = arith.constant 0 : i32
      %dma_start3A_137 = arith.constant 0 : i32
      %dma_start3A_138 = arith.constant 0 : i32
      %dma_start3A_139 = tpu.memref_slice %arg9[%dma_start3A_136, %dma_start3A_137, %dma_start3A_138] : memref<2x128x128xf32, #tpu.memory_space<vmem>> -> memref<1x128x128xf32, #tpu.memory_space<vmem>>
      %dma_start3A_140 = tpu.memref_squeeze %dma_start3A_139 : memref<1x128x128xf32, #tpu.memory_space<vmem>> -> memref<128x128xf32, #tpu.memory_space<vmem>>
      %dma_start3A_141 = arith.constant 0 : i32
      %dma_start3A_142 = tpu.memref_slice %arg7[%dma_start3A_135, %dma_start3A_141] : memref<8x128xi32, #tpu.memory_space<vmem>> -> memref<1x128xi32, #tpu.memory_space<vmem>>
      %dma_start3A_143 = tpu.memref_squeeze %dma_start3A_142 : memref<1x128xi32, #tpu.memory_space<vmem>> -> memref<128xi32, #tpu.memory_space<vmem>>
      %dma_start3A_144 = arith.constant 0 : i32
      %dma_start3A_145 = arith.constant 0 : i32
      %dma_start3A_146 = tpu.memref_slice %arg2[%dma_start3A_144, %dma_start3A_145] : memref<10112x128xf32, #tpu.memory_space<hbm>> -> memref<10112x128xf32, #tpu.memory_space<hbm>>
      tpu.enqueue_indirect_dma source(%dma_start3A_146 : memref<10112x128xf32, #tpu.memory_space<hbm>>) target(%dma_start3A_140 : memref<128x128xf32, #tpu.memory_space<vmem>>) offsets(%dma_start3A_143 : memref<128xi32, #tpu.memory_space<vmem>>) semaphore(%arg11 : memref<!tpu.dma_semaphore, #tpu.memory_space<semaphore_mem>>)
      %dma_wait3A_147 = arith.constant 1 : i32
      %dma_wait3A_148 = arith.constant 0 : i32
      %dma_wait3A_149 = arith.constant 0 : i32
      %dma_wait3A_150 = tpu.memref_slice %arg9[%dma_wait3A_147, %dma_wait3A_148, %dma_wait3A_149] : memref<2x128x128xf32, #tpu.memory_space<vmem>> -> memref<1x128x128xf32, #tpu.memory_space<vmem>>
      %dma_wait3A_151 = tpu.memref_squeeze %dma_wait3A_150 : memref<1x128x128xf32, #tpu.memory_space<vmem>> -> memref<128x128xf32, #tpu.memory_space<vmem>>
      %dma_wait3A_152 = arith.constant 0 : i32
      %dma_wait3A_153 = arith.constant 0 : i32
      %dma_wait3A_154 = tpu.memref_slice %arg2[%dma_wait3A_152, %dma_wait3A_153] : memref<10112x128xf32, #tpu.memory_space<hbm>> -> memref<128x128xf32, #tpu.memory_space<hbm>>
      %dma_wait3A_155 = arith.constant 0 : i32
      %dma_wait3A_156 = arith.constant 0 : i32
      %dma_wait3A_157 = tpu.memref_slice %arg9[%dma_wait3A_147, %dma_wait3A_155, %dma_wait3A_156] : memref<2x128x128xf32, #tpu.memory_space<vmem>> -> memref<1x128x128xf32, #tpu.memory_space<vmem>>
      %dma_wait3A_158 = tpu.memref_squeeze %dma_wait3A_157 : memref<1x128x128xf32, #tpu.memory_space<vmem>> -> memref<128x128xf32, #tpu.memory_space<vmem>>
      %dma_wait3A_159 = arith.constant 0 : i32
      %dma_wait3A_160 = arith.constant 0 : i32
      %dma_wait3A_161 = tpu.memref_slice %arg2[%dma_wait3A_159, %dma_wait3A_160] : memref<10112x128xf32, #tpu.memory_space<hbm>> -> memref<128x128xf32, #tpu.memory_space<hbm>>
      tpu.wait_dma2 semaphore(%arg11 : memref<!tpu.dma_semaphore, #tpu.memory_space<semaphore_mem>>) src(%dma_wait3A_161 : memref<128x128xf32, #tpu.memory_space<hbm>>) dst(%dma_wait3A_158 : memref<128x128xf32, #tpu.memory_space<vmem>>)
      %run_scoped3A_162 = arith.constant 1 : i32
      %run_scoped3A_163 = arith.constant 3 : i32
      "tpu.region"() ({
        %run_scoped3A_252 = tpu.sem_alloc : memref<!tpu.dma_semaphore, #tpu.memory_space<semaphore_mem>>
        %dma_start3A_253 = arith.constant 0 : i32
        %dma_start3A_254 = arith.constant 0 : i32
        %dma_start3A_255 = tpu.memref_slice %arg9[%run_scoped3A_162, %dma_start3A_253, %dma_start3A_254] : memref<2x128x128xf32, #tpu.memory_space<vmem>> -> memref<1x128x128xf32, #tpu.memory_space<vmem>>
        %dma_start3A_256 = tpu.memref_squeeze %dma_start3A_255 : memref<1x128x128xf32, #tpu.memory_space<vmem>> -> memref<128x128xf32, #tpu.memory_space<vmem>>
        %dma_start3A_257 = arith.constant 0 : i32
        %dma_start3A_258 = tpu.memref_slice %arg8[%run_scoped3A_163, %dma_start3A_257] : memref<8x128xi32, #tpu.memory_space<vmem>> -> memref<1x128xi32, #tpu.memory_space<vmem>>
        %dma_start3A_259 = tpu.memref_squeeze %dma_start3A_258 : memref<1x128xi32, #tpu.memory_space<vmem>> -> memref<128xi32, #tpu.memory_space<vmem>>
        %dma_start3A_260 = arith.constant 0 : i32
        %dma_start3A_261 = arith.constant 0 : i32
        %dma_start3A_262 = tpu.memref_slice %arg10[%dma_start3A_260, %dma_start3A_261] : memref<10112x128xf32, #tpu.memory_space<vmem_shared>> -> memref<10112x128xf32, #tpu.memory_space<vmem_shared>>
        tpu.enqueue_indirect_dma source(%dma_start3A_256 : memref<128x128xf32, #tpu.memory_space<vmem>>) target(%dma_start3A_262 : memref<10112x128xf32, #tpu.memory_space<vmem_shared>>) offsets(%dma_start3A_259 : memref<128xi32, #tpu.memory_space<vmem>>) semaphore(%run_scoped3A_252 : memref<!tpu.dma_semaphore, #tpu.memory_space<semaphore_mem>>) {add = true}
        %dma_wait3A_263 = arith.constant 0 : i32
        %dma_wait3A_264 = arith.constant 0 : i32
        %dma_wait3A_265 = tpu.memref_slice %arg9[%run_scoped3A_162, %dma_wait3A_263, %dma_wait3A_264] : memref<2x128x128xf32, #tpu.memory_space<vmem>> -> memref<1x128x128xf32, #tpu.memory_space<vmem>>
        %dma_wait3A_266 = tpu.memref_squeeze %dma_wait3A_265 : memref<1x128x128xf32, #tpu.memory_space<vmem>> -> memref<128x128xf32, #tpu.memory_space<vmem>>
        %dma_wait3A_267 = arith.constant 0 : i32
        %dma_wait3A_268 = tpu.memref_slice %arg8[%run_scoped3A_163, %dma_wait3A_267] : memref<8x128xi32, #tpu.memory_space<vmem>> -> memref<1x128xi32, #tpu.memory_space<vmem>>
        %dma_wait3A_269 = tpu.memref_squeeze %dma_wait3A_268 : memref<1x128xi32, #tpu.memory_space<vmem>> -> memref<128xi32, #tpu.memory_space<vmem>>
        %dma_wait3A_270 = arith.constant 0 : i32
        %dma_wait3A_271 = arith.constant 0 : i32
        %dma_wait3A_272 = tpu.memref_slice %arg10[%dma_wait3A_270, %dma_wait3A_271] : memref<10112x128xf32, #tpu.memory_space<vmem_shared>> -> memref<10112x128xf32, #tpu.memory_space<vmem_shared>>
        tpu.wait_indirect_dma semaphore(%run_scoped3A_252 : memref<!tpu.dma_semaphore, #tpu.memory_space<semaphore_mem>>) src(%dma_wait3A_266 : memref<128x128xf32, #tpu.memory_space<vmem>>) dst(%dma_wait3A_272 : memref<10112x128xf32, #tpu.memory_space<vmem_shared>>)
        tpu.yield
      }) : () -> ()
      %dma_start3A_164 = arith.constant 5 : i32
      %dma_start3A_165 = arith.constant 1 : i32
      %dma_start3A_166 = arith.constant 0 : i32
      %dma_start3A_167 = arith.constant 0 : i32
      %dma_start3A_168 = tpu.memref_slice %arg9[%dma_start3A_165, %dma_start3A_166, %dma_start3A_167] : memref<2x128x128xf32, #tpu.memory_space<vmem>> -> memref<1x128x128xf32, #tpu.memory_space<vmem>>
      %dma_start3A_169 = tpu.memref_squeeze %dma_start3A_168 : memref<1x128x128xf32, #tpu.memory_space<vmem>> -> memref<128x128xf32, #tpu.memory_space<vmem>>
      %dma_start3A_170 = arith.constant 0 : i32
      %dma_start3A_171 = tpu.memref_slice %arg7[%dma_start3A_164, %dma_start3A_170] : memref<8x128xi32, #tpu.memory_space<vmem>> -> memref<1x128xi32, #tpu.memory_space<vmem>>
      %dma_start3A_172 = tpu.memref_squeeze %dma_start3A_171 : memref<1x128xi32, #tpu.memory_space<vmem>> -> memref<128xi32, #tpu.memory_space<vmem>>
      %dma_start3A_173 = arith.constant 0 : i32
      %dma_start3A_174 = arith.constant 0 : i32
      %dma_start3A_175 = tpu.memref_slice %arg2[%dma_start3A_173, %dma_start3A_174] : memref<10112x128xf32, #tpu.memory_space<hbm>> -> memref<10112x128xf32, #tpu.memory_space<hbm>>
      tpu.enqueue_indirect_dma source(%dma_start3A_175 : memref<10112x128xf32, #tpu.memory_space<hbm>>) target(%dma_start3A_169 : memref<128x128xf32, #tpu.memory_space<vmem>>) offsets(%dma_start3A_172 : memref<128xi32, #tpu.memory_space<vmem>>) semaphore(%arg11 : memref<!tpu.dma_semaphore, #tpu.memory_space<semaphore_mem>>)
      %dma_wait3A_176 = arith.constant 0 : i32
      %dma_wait3A_177 = arith.constant 0 : i32
      %dma_wait3A_178 = arith.constant 0 : i32
      %dma_wait3A_179 = tpu.memref_slice %arg9[%dma_wait3A_176, %dma_wait3A_177, %dma_wait3A_178] : memref<2x128x128xf32, #tpu.memory_space<vmem>> -> memref<1x128x128xf32, #tpu.memory_space<vmem>>
      %dma_wait3A_180 = tpu.memref_squeeze %dma_wait3A_179 : memref<1x128x128xf32, #tpu.memory_space<vmem>> -> memref<128x128xf32, #tpu.memory_space<vmem>>
      %dma_wait3A_181 = arith.constant 0 : i32
      %dma_wait3A_182 = arith.constant 0 : i32
      %dma_wait3A_183 = tpu.memref_slice %arg2[%dma_wait3A_181, %dma_wait3A_182] : memref<10112x128xf32, #tpu.memory_space<hbm>> -> memref<128x128xf32, #tpu.memory_space<hbm>>
      %dma_wait3A_184 = arith.constant 0 : i32
      %dma_wait3A_185 = arith.constant 0 : i32
      %dma_wait3A_186 = tpu.memref_slice %arg9[%dma_wait3A_176, %dma_wait3A_184, %dma_wait3A_185] : memref<2x128x128xf32, #tpu.memory_space<vmem>> -> memref<1x128x128xf32, #tpu.memory_space<vmem>>
      %dma_wait3A_187 = tpu.memref_squeeze %dma_wait3A_186 : memref<1x128x128xf32, #tpu.memory_space<vmem>> -> memref<128x128xf32, #tpu.memory_space<vmem>>
      %dma_wait3A_188 = arith.constant 0 : i32
      %dma_wait3A_189 = arith.constant 0 : i32
      %dma_wait3A_190 = tpu.memref_slice %arg2[%dma_wait3A_188, %dma_wait3A_189] : memref<10112x128xf32, #tpu.memory_space<hbm>> -> memref<128x128xf32, #tpu.memory_space<hbm>>
      tpu.wait_dma2 semaphore(%arg11 : memref<!tpu.dma_semaphore, #tpu.memory_space<semaphore_mem>>) src(%dma_wait3A_190 : memref<128x128xf32, #tpu.memory_space<hbm>>) dst(%dma_wait3A_187 : memref<128x128xf32, #tpu.memory_space<vmem>>)
      %run_scoped3A_191 = arith.constant 0 : i32
      %run_scoped3A_192 = arith.constant 4 : i32
      "tpu.region"() ({
        %run_scoped3A_252 = tpu.sem_alloc : memref<!tpu.dma_semaphore, #tpu.memory_space<semaphore_mem>>
        %dma_start3A_253 = arith.constant 0 : i32
        %dma_start3A_254 = arith.constant 0 : i32
        %dma_start3A_255 = tpu.memref_slice %arg9[%run_scoped3A_191, %dma_start3A_253, %dma_start3A_254] : memref<2x128x128xf32, #tpu.memory_space<vmem>> -> memref<1x128x128xf32, #tpu.memory_space<vmem>>
        %dma_start3A_256 = tpu.memref_squeeze %dma_start3A_255 : memref<1x128x128xf32, #tpu.memory_space<vmem>> -> memref<128x128xf32, #tpu.memory_space<vmem>>
        %dma_start3A_257 = arith.constant 0 : i32
        %dma_start3A_258 = tpu.memref_slice %arg8[%run_scoped3A_192, %dma_start3A_257] : memref<8x128xi32, #tpu.memory_space<vmem>> -> memref<1x128xi32, #tpu.memory_space<vmem>>
        %dma_start3A_259 = tpu.memref_squeeze %dma_start3A_258 : memref<1x128xi32, #tpu.memory_space<vmem>> -> memref<128xi32, #tpu.memory_space<vmem>>
        %dma_start3A_260 = arith.constant 0 : i32
        %dma_start3A_261 = arith.constant 0 : i32
        %dma_start3A_262 = tpu.memref_slice %arg10[%dma_start3A_260, %dma_start3A_261] : memref<10112x128xf32, #tpu.memory_space<vmem_shared>> -> memref<10112x128xf32, #tpu.memory_space<vmem_shared>>
        tpu.enqueue_indirect_dma source(%dma_start3A_256 : memref<128x128xf32, #tpu.memory_space<vmem>>) target(%dma_start3A_262 : memref<10112x128xf32, #tpu.memory_space<vmem_shared>>) offsets(%dma_start3A_259 : memref<128xi32, #tpu.memory_space<vmem>>) semaphore(%run_scoped3A_252 : memref<!tpu.dma_semaphore, #tpu.memory_space<semaphore_mem>>) {add = true}
        %dma_wait3A_263 = arith.constant 0 : i32
        %dma_wait3A_264 = arith.constant 0 : i32
        %dma_wait3A_265 = tpu.memref_slice %arg9[%run_scoped3A_191, %dma_wait3A_263, %dma_wait3A_264] : memref<2x128x128xf32, #tpu.memory_space<vmem>> -> memref<1x128x128xf32, #tpu.memory_space<vmem>>
        %dma_wait3A_266 = tpu.memref_squeeze %dma_wait3A_265 : memref<1x128x128xf32, #tpu.memory_space<vmem>> -> memref<128x128xf32, #tpu.memory_space<vmem>>
        %dma_wait3A_267 = arith.constant 0 : i32
        %dma_wait3A_268 = tpu.memref_slice %arg8[%run_scoped3A_192, %dma_wait3A_267] : memref<8x128xi32, #tpu.memory_space<vmem>> -> memref<1x128xi32, #tpu.memory_space<vmem>>
        %dma_wait3A_269 = tpu.memref_squeeze %dma_wait3A_268 : memref<1x128xi32, #tpu.memory_space<vmem>> -> memref<128xi32, #tpu.memory_space<vmem>>
        %dma_wait3A_270 = arith.constant 0 : i32
        %dma_wait3A_271 = arith.constant 0 : i32
        %dma_wait3A_272 = tpu.memref_slice %arg10[%dma_wait3A_270, %dma_wait3A_271] : memref<10112x128xf32, #tpu.memory_space<vmem_shared>> -> memref<10112x128xf32, #tpu.memory_space<vmem_shared>>
        tpu.wait_indirect_dma semaphore(%run_scoped3A_252 : memref<!tpu.dma_semaphore, #tpu.memory_space<semaphore_mem>>) src(%dma_wait3A_266 : memref<128x128xf32, #tpu.memory_space<vmem>>) dst(%dma_wait3A_272 : memref<10112x128xf32, #tpu.memory_space<vmem_shared>>)
        tpu.yield
      }) : () -> ()
      %dma_start3A_193 = arith.constant 6 : i32
      %dma_start3A_194 = arith.constant 0 : i32
      %dma_start3A_195 = arith.constant 0 : i32
      %dma_start3A_196 = arith.constant 0 : i32
      %dma_start3A_197 = tpu.memref_slice %arg9[%dma_start3A_194, %dma_start3A_195, %dma_start3A_196] : memref<2x128x128xf32, #tpu.memory_space<vmem>> -> memref<1x128x128xf32, #tpu.memory_space<vmem>>
      %dma_start3A_198 = tpu.memref_squeeze %dma_start3A_197 : memref<1x128x128xf32, #tpu.memory_space<vmem>> -> memref<128x128xf32, #tpu.memory_space<vmem>>
      %dma_start3A_199 = arith.constant 0 : i32
      %dma_start3A_200 = tpu.memref_slice %arg7[%dma_start3A_193, %dma_start3A_199] : memref<8x128xi32, #tpu.memory_space<vmem>> -> memref<1x128xi32, #tpu.memory_space<vmem>>
      %dma_start3A_201 = tpu.memref_squeeze %dma_start3A_200 : memref<1x128xi32, #tpu.memory_space<vmem>> -> memref<128xi32, #tpu.memory_space<vmem>>
      %dma_start3A_202 = arith.constant 0 : i32
      %dma_start3A_203 = arith.constant 0 : i32
      %dma_start3A_204 = tpu.memref_slice %arg2[%dma_start3A_202, %dma_start3A_203] : memref<10112x128xf32, #tpu.memory_space<hbm>> -> memref<10112x128xf32, #tpu.memory_space<hbm>>
      tpu.enqueue_indirect_dma source(%dma_start3A_204 : memref<10112x128xf32, #tpu.memory_space<hbm>>) target(%dma_start3A_198 : memref<128x128xf32, #tpu.memory_space<vmem>>) offsets(%dma_start3A_201 : memref<128xi32, #tpu.memory_space<vmem>>) semaphore(%arg11 : memref<!tpu.dma_semaphore, #tpu.memory_space<semaphore_mem>>)
      %dma_wait3A_205 = arith.constant 1 : i32
      %dma_wait3A_206 = arith.constant 0 : i32
      %dma_wait3A_207 = arith.constant 0 : i32
      %dma_wait3A_208 = tpu.memref_slice %arg9[%dma_wait3A_205, %dma_wait3A_206, %dma_wait3A_207] : memref<2x128x128xf32, #tpu.memory_space<vmem>> -> memref<1x128x128xf32, #tpu.memory_space<vmem>>
      %dma_wait3A_209 = tpu.memref_squeeze %dma_wait3A_208 : memref<1x128x128xf32, #tpu.memory_space<vmem>> -> memref<128x128xf32, #tpu.memory_space<vmem>>
      %dma_wait3A_210 = arith.constant 0 : i32
      %dma_wait3A_211 = arith.constant 0 : i32
      %dma_wait3A_212 = tpu.memref_slice %arg2[%dma_wait3A_210, %dma_wait3A_211] : memref<10112x128xf32, #tpu.memory_space<hbm>> -> memref<128x128xf32, #tpu.memory_space<hbm>>
      %dma_wait3A_213 = arith.constant 0 : i32
      %dma_wait3A_214 = arith.constant 0 : i32
      %dma_wait3A_215 = tpu.memref_slice %arg9[%dma_wait3A_205, %dma_wait3A_213, %dma_wait3A_214] : memref<2x128x128xf32, #tpu.memory_space<vmem>> -> memref<1x128x128xf32, #tpu.memory_space<vmem>>
      %dma_wait3A_216 = tpu.memref_squeeze %dma_wait3A_215 : memref<1x128x128xf32, #tpu.memory_space<vmem>> -> memref<128x128xf32, #tpu.memory_space<vmem>>
      %dma_wait3A_217 = arith.constant 0 : i32
      %dma_wait3A_218 = arith.constant 0 : i32
      %dma_wait3A_219 = tpu.memref_slice %arg2[%dma_wait3A_217, %dma_wait3A_218] : memref<10112x128xf32, #tpu.memory_space<hbm>> -> memref<128x128xf32, #tpu.memory_space<hbm>>
      tpu.wait_dma2 semaphore(%arg11 : memref<!tpu.dma_semaphore, #tpu.memory_space<semaphore_mem>>) src(%dma_wait3A_219 : memref<128x128xf32, #tpu.memory_space<hbm>>) dst(%dma_wait3A_216 : memref<128x128xf32, #tpu.memory_space<vmem>>)
      %run_scoped3A_220 = arith.constant 1 : i32
      %run_scoped3A_221 = arith.constant 5 : i32
      "tpu.region"() ({
        %run_scoped3A_252 = tpu.sem_alloc : memref<!tpu.dma_semaphore, #tpu.memory_space<semaphore_mem>>
        %dma_start3A_253 = arith.constant 0 : i32
        %dma_start3A_254 = arith.constant 0 : i32
        %dma_start3A_255 = tpu.memref_slice %arg9[%run_scoped3A_220, %dma_start3A_253, %dma_start3A_254] : memref<2x128x128xf32, #tpu.memory_space<vmem>> -> memref<1x128x128xf32, #tpu.memory_space<vmem>>
        %dma_start3A_256 = tpu.memref_squeeze %dma_start3A_255 : memref<1x128x128xf32, #tpu.memory_space<vmem>> -> memref<128x128xf32, #tpu.memory_space<vmem>>
        %dma_start3A_257 = arith.constant 0 : i32
        %dma_start3A_258 = tpu.memref_slice %arg8[%run_scoped3A_221, %dma_start3A_257] : memref<8x128xi32, #tpu.memory_space<vmem>> -> memref<1x128xi32, #tpu.memory_space<vmem>>
        %dma_start3A_259 = tpu.memref_squeeze %dma_start3A_258 : memref<1x128xi32, #tpu.memory_space<vmem>> -> memref<128xi32, #tpu.memory_space<vmem>>
        %dma_start3A_260 = arith.constant 0 : i32
        %dma_start3A_261 = arith.constant 0 : i32
        %dma_start3A_262 = tpu.memref_slice %arg10[%dma_start3A_260, %dma_start3A_261] : memref<10112x128xf32, #tpu.memory_space<vmem_shared>> -> memref<10112x128xf32, #tpu.memory_space<vmem_shared>>
        tpu.enqueue_indirect_dma source(%dma_start3A_256 : memref<128x128xf32, #tpu.memory_space<vmem>>) target(%dma_start3A_262 : memref<10112x128xf32, #tpu.memory_space<vmem_shared>>) offsets(%dma_start3A_259 : memref<128xi32, #tpu.memory_space<vmem>>) semaphore(%run_scoped3A_252 : memref<!tpu.dma_semaphore, #tpu.memory_space<semaphore_mem>>) {add = true}
        %dma_wait3A_263 = arith.constant 0 : i32
        %dma_wait3A_264 = arith.constant 0 : i32
        %dma_wait3A_265 = tpu.memref_slice %arg9[%run_scoped3A_220, %dma_wait3A_263, %dma_wait3A_264] : memref<2x128x128xf32, #tpu.memory_space<vmem>> -> memref<1x128x128xf32, #tpu.memory_space<vmem>>
        %dma_wait3A_266 = tpu.memref_squeeze %dma_wait3A_265 : memref<1x128x128xf32, #tpu.memory_space<vmem>> -> memref<128x128xf32, #tpu.memory_space<vmem>>
        %dma_wait3A_267 = arith.constant 0 : i32
        %dma_wait3A_268 = tpu.memref_slice %arg8[%run_scoped3A_221, %dma_wait3A_267] : memref<8x128xi32, #tpu.memory_space<vmem>> -> memref<1x128xi32, #tpu.memory_space<vmem>>
        %dma_wait3A_269 = tpu.memref_squeeze %dma_wait3A_268 : memref<1x128xi32, #tpu.memory_space<vmem>> -> memref<128xi32, #tpu.memory_space<vmem>>
        %dma_wait3A_270 = arith.constant 0 : i32
        %dma_wait3A_271 = arith.constant 0 : i32
        %dma_wait3A_272 = tpu.memref_slice %arg10[%dma_wait3A_270, %dma_wait3A_271] : memref<10112x128xf32, #tpu.memory_space<vmem_shared>> -> memref<10112x128xf32, #tpu.memory_space<vmem_shared>>
        tpu.wait_indirect_dma semaphore(%run_scoped3A_252 : memref<!tpu.dma_semaphore, #tpu.memory_space<semaphore_mem>>) src(%dma_wait3A_266 : memref<128x128xf32, #tpu.memory_space<vmem>>) dst(%dma_wait3A_272 : memref<10112x128xf32, #tpu.memory_space<vmem_shared>>)
        tpu.yield
      }) : () -> ()
      %dma_start3A_222 = arith.constant 7 : i32
      %dma_start3A_223 = arith.constant 1 : i32
      %dma_start3A_224 = arith.constant 0 : i32
      %dma_start3A_225 = arith.constant 0 : i32
      %dma_start3A_226 = tpu.memref_slice %arg9[%dma_start3A_223, %dma_start3A_224, %dma_start3A_225] : memref<2x128x128xf32, #tpu.memory_space<vmem>> -> memref<1x128x128xf32, #tpu.memory_space<vmem>>
      %dma_start3A_227 = tpu.memref_squeeze %dma_start3A_226 : memref<1x128x128xf32, #tpu.memory_space<vmem>> -> memref<128x128xf32, #tpu.memory_space<vmem>>
      %dma_start3A_228 = arith.constant 0 : i32
      %dma_start3A_229 = tpu.memref_slice %arg7[%dma_start3A_222, %dma_start3A_228] : memref<8x128xi32, #tpu.memory_space<vmem>> -> memref<1x128xi32, #tpu.memory_space<vmem>>
      %dma_start3A_230 = tpu.memref_squeeze %dma_start3A_229 : memref<1x128xi32, #tpu.memory_space<vmem>> -> memref<128xi32, #tpu.memory_space<vmem>>
      %dma_start3A_231 = arith.constant 0 : i32
      %dma_start3A_232 = arith.constant 0 : i32
      %dma_start3A_233 = tpu.memref_slice %arg2[%dma_start3A_231, %dma_start3A_232] : memref<10112x128xf32, #tpu.memory_space<hbm>> -> memref<10112x128xf32, #tpu.memory_space<hbm>>
      tpu.enqueue_indirect_dma source(%dma_start3A_233 : memref<10112x128xf32, #tpu.memory_space<hbm>>) target(%dma_start3A_227 : memref<128x128xf32, #tpu.memory_space<vmem>>) offsets(%dma_start3A_230 : memref<128xi32, #tpu.memory_space<vmem>>) semaphore(%arg11 : memref<!tpu.dma_semaphore, #tpu.memory_space<semaphore_mem>>)
      %dma_wait3A_234 = arith.constant 0 : i32
      %dma_wait3A_235 = arith.constant 0 : i32
      %dma_wait3A_236 = arith.constant 0 : i32
      %dma_wait3A_237 = tpu.memref_slice %arg9[%dma_wait3A_234, %dma_wait3A_235, %dma_wait3A_236] : memref<2x128x128xf32, #tpu.memory_space<vmem>> -> memref<1x128x128xf32, #tpu.memory_space<vmem>>
      %dma_wait3A_238 = tpu.memref_squeeze %dma_wait3A_237 : memref<1x128x128xf32, #tpu.memory_space<vmem>> -> memref<128x128xf32, #tpu.memory_space<vmem>>
      %dma_wait3A_239 = arith.constant 0 : i32
      %dma_wait3A_240 = arith.constant 0 : i32
      %dma_wait3A_241 = tpu.memref_slice %arg2[%dma_wait3A_239, %dma_wait3A_240] : memref<10112x128xf32, #tpu.memory_space<hbm>> -> memref<128x128xf32, #tpu.memory_space<hbm>>
      %dma_wait3A_242 = arith.constant 0 : i32
      %dma_wait3A_243 = arith.constant 0 : i32
      %dma_wait3A_244 = tpu.memref_slice %arg9[%dma_wait3A_234, %dma_wait3A_242, %dma_wait3A_243] : memref<2x128x128xf32, #tpu.memory_space<vmem>> -> memref<1x128x128xf32, #tpu.memory_space<vmem>>
      %dma_wait3A_245 = tpu.memref_squeeze %dma_wait3A_244 : memref<1x128x128xf32, #tpu.memory_space<vmem>> -> memref<128x128xf32, #tpu.memory_space<vmem>>
      %dma_wait3A_246 = arith.constant 0 : i32
      %dma_wait3A_247 = arith.constant 0 : i32
      %dma_wait3A_248 = tpu.memref_slice %arg2[%dma_wait3A_246, %dma_wait3A_247] : memref<10112x128xf32, #tpu.memory_space<hbm>> -> memref<128x128xf32, #tpu.memory_space<hbm>>
      tpu.wait_dma2 semaphore(%arg11 : memref<!tpu.dma_semaphore, #tpu.memory_space<semaphore_mem>>) src(%dma_wait3A_248 : memref<128x128xf32, #tpu.memory_space<hbm>>) dst(%dma_wait3A_245 : memref<128x128xf32, #tpu.memory_space<vmem>>)
      %run_scoped3A_249 = arith.constant 0 : i32
      %run_scoped3A_250 = arith.constant 6 : i32
      "tpu.region"() ({
        %run_scoped3A_252 = tpu.sem_alloc : memref<!tpu.dma_semaphore, #tpu.memory_space<semaphore_mem>>
        %dma_start3A_253 = arith.constant 0 : i32
        %dma_start3A_254 = arith.constant 0 : i32
        %dma_start3A_255 = tpu.memref_slice %arg9[%run_scoped3A_249, %dma_start3A_253, %dma_start3A_254] : memref<2x128x128xf32, #tpu.memory_space<vmem>> -> memref<1x128x128xf32, #tpu.memory_space<vmem>>
        %dma_start3A_256 = tpu.memref_squeeze %dma_start3A_255 : memref<1x128x128xf32, #tpu.memory_space<vmem>> -> memref<128x128xf32, #tpu.memory_space<vmem>>
        %dma_start3A_257 = arith.constant 0 : i32
        %dma_start3A_258 = tpu.memref_slice %arg8[%run_scoped3A_250, %dma_start3A_257] : memref<8x128xi32, #tpu.memory_space<vmem>> -> memref<1x128xi32, #tpu.memory_space<vmem>>
        %dma_start3A_259 = tpu.memref_squeeze %dma_start3A_258 : memref<1x128xi32, #tpu.memory_space<vmem>> -> memref<128xi32, #tpu.memory_space<vmem>>
        %dma_start3A_260 = arith.constant 0 : i32
        %dma_start3A_261 = arith.constant 0 : i32
        %dma_start3A_262 = tpu.memref_slice %arg10[%dma_start3A_260, %dma_start3A_261] : memref<10112x128xf32, #tpu.memory_space<vmem_shared>> -> memref<10112x128xf32, #tpu.memory_space<vmem_shared>>
        tpu.enqueue_indirect_dma source(%dma_start3A_256 : memref<128x128xf32, #tpu.memory_space<vmem>>) target(%dma_start3A_262 : memref<10112x128xf32, #tpu.memory_space<vmem_shared>>) offsets(%dma_start3A_259 : memref<128xi32, #tpu.memory_space<vmem>>) semaphore(%run_scoped3A_252 : memref<!tpu.dma_semaphore, #tpu.memory_space<semaphore_mem>>) {add = true}
        %dma_wait3A_263 = arith.constant 0 : i32
        %dma_wait3A_264 = arith.constant 0 : i32
        %dma_wait3A_265 = tpu.memref_slice %arg9[%run_scoped3A_249, %dma_wait3A_263, %dma_wait3A_264] : memref<2x128x128xf32, #tpu.memory_space<vmem>> -> memref<1x128x128xf32, #tpu.memory_space<vmem>>
        %dma_wait3A_266 = tpu.memref_squeeze %dma_wait3A_265 : memref<1x128x128xf32, #tpu.memory_space<vmem>> -> memref<128x128xf32, #tpu.memory_space<vmem>>
        %dma_wait3A_267 = arith.constant 0 : i32
        %dma_wait3A_268 = tpu.memref_slice %arg8[%run_scoped3A_250, %dma_wait3A_267] : memref<8x128xi32, #tpu.memory_space<vmem>> -> memref<1x128xi32, #tpu.memory_space<vmem>>
        %dma_wait3A_269 = tpu.memref_squeeze %dma_wait3A_268 : memref<1x128xi32, #tpu.memory_space<vmem>> -> memref<128xi32, #tpu.memory_space<vmem>>
        %dma_wait3A_270 = arith.constant 0 : i32
        %dma_wait3A_271 = arith.constant 0 : i32
        %dma_wait3A_272 = tpu.memref_slice %arg10[%dma_wait3A_270, %dma_wait3A_271] : memref<10112x128xf32, #tpu.memory_space<vmem_shared>> -> memref<10112x128xf32, #tpu.memory_space<vmem_shared>>
        tpu.wait_indirect_dma semaphore(%run_scoped3A_252 : memref<!tpu.dma_semaphore, #tpu.memory_space<semaphore_mem>>) src(%dma_wait3A_266 : memref<128x128xf32, #tpu.memory_space<vmem>>) dst(%dma_wait3A_272 : memref<10112x128xf32, #tpu.memory_space<vmem_shared>>)
        tpu.yield
      }) : () -> ()
      %while3A_251 = arith.constant 0 : i32
      scf.yield %while3A_251 : i32
    }
    %while3A_20 = arith.constant 1 : i32
    %while3A_21 = scf.for %while3A_29 = %while3A_17 to %while3A_13 step %while3A_20 iter_args(%while3A_30 = %while3A_19) -> (i32)  : i32 {
      %gt3A_31 = arith.constant 0 : i32
      %gt3A_32 = arith.cmpi sgt, %while3A_29, %gt3A_31 : i32
      %convert_element_type3A_33 = arith.extui %gt3A_32 : i1 to i32
      %cond3A_34 = arith.constant 0 : i32
      %cond3A_35 = arith.cmpi ne, %convert_element_type3A_33, %cond3A_34 : i32
      scf.if %cond3A_35 {
        %dma_wait3A_252 = arith.constant 1 : i32
        %dma_wait3A_253 = arith.constant 0 : i32
        %dma_wait3A_254 = arith.constant 0 : i32
        %dma_wait3A_255 = tpu.memref_slice %arg9[%dma_wait3A_252, %dma_wait3A_253, %dma_wait3A_254] : memref<2x128x128xf32, #tpu.memory_space<vmem>> -> memref<1x128x128xf32, #tpu.memory_space<vmem>>
        %dma_wait3A_256 = tpu.memref_squeeze %dma_wait3A_255 : memref<1x128x128xf32, #tpu.memory_space<vmem>> -> memref<128x128xf32, #tpu.memory_space<vmem>>
        %dma_wait3A_257 = arith.constant 0 : i32
        %dma_wait3A_258 = arith.constant 0 : i32
        %dma_wait3A_259 = tpu.memref_slice %arg2[%dma_wait3A_257, %dma_wait3A_258] : memref<10112x128xf32, #tpu.memory_space<hbm>> -> memref<128x128xf32, #tpu.memory_space<hbm>>
        %dma_wait3A_260 = arith.constant 0 : i32
        %dma_wait3A_261 = arith.constant 0 : i32
        %dma_wait3A_262 = tpu.memref_slice %arg9[%dma_wait3A_252, %dma_wait3A_260, %dma_wait3A_261] : memref<2x128x128xf32, #tpu.memory_space<vmem>> -> memref<1x128x128xf32, #tpu.memory_space<vmem>>
        %dma_wait3A_263 = tpu.memref_squeeze %dma_wait3A_262 : memref<1x128x128xf32, #tpu.memory_space<vmem>> -> memref<128x128xf32, #tpu.memory_space<vmem>>
        %dma_wait3A_264 = arith.constant 0 : i32
        %dma_wait3A_265 = arith.constant 0 : i32
        %dma_wait3A_266 = tpu.memref_slice %arg2[%dma_wait3A_264, %dma_wait3A_265] : memref<10112x128xf32, #tpu.memory_space<hbm>> -> memref<128x128xf32, #tpu.memory_space<hbm>>
        tpu.wait_dma2 semaphore(%arg11 : memref<!tpu.dma_semaphore, #tpu.memory_space<semaphore_mem>>) src(%dma_wait3A_266 : memref<128x128xf32, #tpu.memory_space<hbm>>) dst(%dma_wait3A_263 : memref<128x128xf32, #tpu.memory_space<vmem>>)
        %run_scoped3A_267 = arith.constant 1 : i32
        %run_scoped3A_268 = arith.constant 7 : i32
        "tpu.region"() ({
          %run_scoped3A_269 = tpu.sem_alloc : memref<!tpu.dma_semaphore, #tpu.memory_space<semaphore_mem>>
          %dma_start3A_270 = arith.constant 0 : i32
          %dma_start3A_271 = arith.constant 0 : i32
          %dma_start3A_272 = tpu.memref_slice %arg9[%run_scoped3A_267, %dma_start3A_270, %dma_start3A_271] : memref<2x128x128xf32, #tpu.memory_space<vmem>> -> memref<1x128x128xf32, #tpu.memory_space<vmem>>
          %dma_start3A_273 = tpu.memref_squeeze %dma_start3A_272 : memref<1x128x128xf32, #tpu.memory_space<vmem>> -> memref<128x128xf32, #tpu.memory_space<vmem>>
          %dma_start3A_274 = arith.constant 0 : i32
          %dma_start3A_275 = tpu.memref_slice %arg8[%run_scoped3A_268, %dma_start3A_274] : memref<8x128xi32, #tpu.memory_space<vmem>> -> memref<1x128xi32, #tpu.memory_space<vmem>>
          %dma_start3A_276 = tpu.memref_squeeze %dma_start3A_275 : memref<1x128xi32, #tpu.memory_space<vmem>> -> memref<128xi32, #tpu.memory_space<vmem>>
          %dma_start3A_277 = arith.constant 0 : i32
          %dma_start3A_278 = arith.constant 0 : i32
          %dma_start3A_279 = tpu.memref_slice %arg10[%dma_start3A_277, %dma_start3A_278] : memref<10112x128xf32, #tpu.memory_space<vmem_shared>> -> memref<10112x128xf32, #tpu.memory_space<vmem_shared>>
          tpu.enqueue_indirect_dma source(%dma_start3A_273 : memref<128x128xf32, #tpu.memory_space<vmem>>) target(%dma_start3A_279 : memref<10112x128xf32, #tpu.memory_space<vmem_shared>>) offsets(%dma_start3A_276 : memref<128xi32, #tpu.memory_space<vmem>>) semaphore(%run_scoped3A_269 : memref<!tpu.dma_semaphore, #tpu.memory_space<semaphore_mem>>) {add = true}
          %dma_wait3A_280 = arith.constant 0 : i32
          %dma_wait3A_281 = arith.constant 0 : i32
          %dma_wait3A_282 = tpu.memref_slice %arg9[%run_scoped3A_267, %dma_wait3A_280, %dma_wait3A_281] : memref<2x128x128xf32, #tpu.memory_space<vmem>> -> memref<1x128x128xf32, #tpu.memory_space<vmem>>
          %dma_wait3A_283 = tpu.memref_squeeze %dma_wait3A_282 : memref<1x128x128xf32, #tpu.memory_space<vmem>> -> memref<128x128xf32, #tpu.memory_space<vmem>>
          %dma_wait3A_284 = arith.constant 0 : i32
          %dma_wait3A_285 = tpu.memref_slice %arg8[%run_scoped3A_268, %dma_wait3A_284] : memref<8x128xi32, #tpu.memory_space<vmem>> -> memref<1x128xi32, #tpu.memory_space<vmem>>
          %dma_wait3A_286 = tpu.memref_squeeze %dma_wait3A_285 : memref<1x128xi32, #tpu.memory_space<vmem>> -> memref<128xi32, #tpu.memory_space<vmem>>
          %dma_wait3A_287 = arith.constant 0 : i32
          %dma_wait3A_288 = arith.constant 0 : i32
          %dma_wait3A_289 = tpu.memref_slice %arg10[%dma_wait3A_287, %dma_wait3A_288] : memref<10112x128xf32, #tpu.memory_space<vmem_shared>> -> memref<10112x128xf32, #tpu.memory_space<vmem_shared>>
          tpu.wait_indirect_dma semaphore(%run_scoped3A_269 : memref<!tpu.dma_semaphore, #tpu.memory_space<semaphore_mem>>) src(%dma_wait3A_283 : memref<128x128xf32, #tpu.memory_space<vmem>>) dst(%dma_wait3A_289 : memref<10112x128xf32, #tpu.memory_space<vmem_shared>>)
          tpu.yield
        }) : () -> ()
      } else {
      }
      %mul3A_36 = arith.constant 8 : i32
      %mul3A_37 = arith.muli %while3A_29, %mul3A_36 : i32
      %add3A_38 = arith.addi %select_n3A, %mul3A_37 : i32
      "tpu.region"() ({
        %run_scoped3A_252 = tpu.sem_alloc : memref<!tpu.dma_semaphore, #tpu.memory_space<semaphore_mem>>
        %dma_start3A_253 = arith.constant 0 : i32
        %dma_start3A_254 = tpu.memref_slice %arg3[%add3A_38, %dma_start3A_253] : memref<2560x128xi32, #tpu.memory_space<hbm>> -> memref<8x128xi32, #tpu.memory_space<hbm>>
        %dma_start3A_255 = arith.constant 0 : i32
        %dma_start3A_256 = tpu.memref_slice %arg3[%add3A_38, %dma_start3A_255] : memref<2560x128xi32, #tpu.memory_space<hbm>> -> memref<8x128xi32, #tpu.memory_space<hbm>>
        tpu.enqueue_dma source(%dma_start3A_256 : memref<8x128xi32, #tpu.memory_space<hbm>>) target(%arg7 : memref<8x128xi32, #tpu.memory_space<vmem>>) target_semaphore(%run_scoped3A_252 : memref<!tpu.dma_semaphore, #tpu.memory_space<semaphore_mem>>)
        %dma_wait3A_257 = arith.constant 0 : i32
        %dma_wait3A_258 = tpu.memref_slice %arg3[%add3A_38, %dma_wait3A_257] : memref<2560x128xi32, #tpu.memory_space<hbm>> -> memref<8x128xi32, #tpu.memory_space<hbm>>
        %dma_wait3A_259 = arith.constant 0 : i32
        %dma_wait3A_260 = tpu.memref_slice %arg3[%add3A_38, %dma_wait3A_259] : memref<2560x128xi32, #tpu.memory_space<hbm>> -> memref<8x128xi32, #tpu.memory_space<hbm>>
        tpu.wait_dma2 semaphore(%run_scoped3A_252 : memref<!tpu.dma_semaphore, #tpu.memory_space<semaphore_mem>>) src(%dma_wait3A_260 : memref<8x128xi32, #tpu.memory_space<hbm>>) dst(%arg7 : memref<8x128xi32, #tpu.memory_space<vmem>>)
        tpu.yield
      }) : () -> ()
      "tpu.region"() ({
        %run_scoped3A_252 = tpu.sem_alloc : memref<!tpu.dma_semaphore, #tpu.memory_space<semaphore_mem>>
        %dma_start3A_253 = arith.constant 0 : i32
        %dma_start3A_254 = tpu.memref_slice %arg4[%add3A_38, %dma_start3A_253] : memref<2560x128xi32, #tpu.memory_space<hbm>> -> memref<8x128xi32, #tpu.memory_space<hbm>>
        %dma_start3A_255 = arith.constant 0 : i32
        %dma_start3A_256 = tpu.memref_slice %arg4[%add3A_38, %dma_start3A_255] : memref<2560x128xi32, #tpu.memory_space<hbm>> -> memref<8x128xi32, #tpu.memory_space<hbm>>
        tpu.enqueue_dma source(%dma_start3A_256 : memref<8x128xi32, #tpu.memory_space<hbm>>) target(%arg8 : memref<8x128xi32, #tpu.memory_space<vmem>>) target_semaphore(%run_scoped3A_252 : memref<!tpu.dma_semaphore, #tpu.memory_space<semaphore_mem>>)
        %dma_wait3A_257 = arith.constant 0 : i32
        %dma_wait3A_258 = tpu.memref_slice %arg4[%add3A_38, %dma_wait3A_257] : memref<2560x128xi32, #tpu.memory_space<hbm>> -> memref<8x128xi32, #tpu.memory_space<hbm>>
        %dma_wait3A_259 = arith.constant 0 : i32
        %dma_wait3A_260 = tpu.memref_slice %arg4[%add3A_38, %dma_wait3A_259] : memref<2560x128xi32, #tpu.memory_space<hbm>> -> memref<8x128xi32, #tpu.memory_space<hbm>>
        tpu.wait_dma2 semaphore(%run_scoped3A_252 : memref<!tpu.dma_semaphore, #tpu.memory_space<semaphore_mem>>) src(%dma_wait3A_260 : memref<8x128xi32, #tpu.memory_space<hbm>>) dst(%arg8 : memref<8x128xi32, #tpu.memory_space<vmem>>)
        tpu.yield
      }) : () -> ()
      %dma_start3A = arith.constant 0 : i32
      %dma_start3A_39 = arith.constant 0 : i32
      %dma_start3A_40 = arith.constant 0 : i32
      %dma_start3A_41 = arith.constant 0 : i32
      %dma_start3A_42 = tpu.memref_slice %arg9[%dma_start3A_39, %dma_start3A_40, %dma_start3A_41] : memref<2x128x128xf32, #tpu.memory_space<vmem>> -> memref<1x128x128xf32, #tpu.memory_space<vmem>>
      %dma_start3A_43 = tpu.memref_squeeze %dma_start3A_42 : memref<1x128x128xf32, #tpu.memory_space<vmem>> -> memref<128x128xf32, #tpu.memory_space<vmem>>
      %dma_start3A_44 = arith.constant 0 : i32
      %dma_start3A_45 = tpu.memref_slice %arg7[%dma_start3A, %dma_start3A_44] : memref<8x128xi32, #tpu.memory_space<vmem>> -> memref<1x128xi32, #tpu.memory_space<vmem>>
      %dma_start3A_46 = tpu.memref_squeeze %dma_start3A_45 : memref<1x128xi32, #tpu.memory_space<vmem>> -> memref<128xi32, #tpu.memory_space<vmem>>
      %dma_start3A_47 = arith.constant 0 : i32
      %dma_start3A_48 = arith.constant 0 : i32
      %dma_start3A_49 = tpu.memref_slice %arg2[%dma_start3A_47, %dma_start3A_48] : memref<10112x128xf32, #tpu.memory_space<hbm>> -> memref<10112x128xf32, #tpu.memory_space<hbm>>
      tpu.enqueue_indirect_dma source(%dma_start3A_49 : memref<10112x128xf32, #tpu.memory_space<hbm>>) target(%dma_start3A_43 : memref<128x128xf32, #tpu.memory_space<vmem>>) offsets(%dma_start3A_46 : memref<128xi32, #tpu.memory_space<vmem>>) semaphore(%arg11 : memref<!tpu.dma_semaphore, #tpu.memory_space<semaphore_mem>>)
      %dma_start3A_50 = arith.constant 1 : i32
      %dma_start3A_51 = arith.constant 1 : i32
      %dma_start3A_52 = arith.constant 0 : i32
      %dma_start3A_53 = arith.constant 0 : i32
      %dma_start3A_54 = tpu.memref_slice %arg9[%dma_start3A_51, %dma_start3A_52, %dma_start3A_53] : memref<2x128x128xf32, #tpu.memory_space<vmem>> -> memref<1x128x128xf32, #tpu.memory_space<vmem>>
      %dma_start3A_55 = tpu.memref_squeeze %dma_start3A_54 : memref<1x128x128xf32, #tpu.memory_space<vmem>> -> memref<128x128xf32, #tpu.memory_space<vmem>>
      %dma_start3A_56 = arith.constant 0 : i32
      %dma_start3A_57 = tpu.memref_slice %arg7[%dma_start3A_50, %dma_start3A_56] : memref<8x128xi32, #tpu.memory_space<vmem>> -> memref<1x128xi32, #tpu.memory_space<vmem>>
      %dma_start3A_58 = tpu.memref_squeeze %dma_start3A_57 : memref<1x128xi32, #tpu.memory_space<vmem>> -> memref<128xi32, #tpu.memory_space<vmem>>
      %dma_start3A_59 = arith.constant 0 : i32
      %dma_start3A_60 = arith.constant 0 : i32
      %dma_start3A_61 = tpu.memref_slice %arg2[%dma_start3A_59, %dma_start3A_60] : memref<10112x128xf32, #tpu.memory_space<hbm>> -> memref<10112x128xf32, #tpu.memory_space<hbm>>
      tpu.enqueue_indirect_dma source(%dma_start3A_61 : memref<10112x128xf32, #tpu.memory_space<hbm>>) target(%dma_start3A_55 : memref<128x128xf32, #tpu.memory_space<vmem>>) offsets(%dma_start3A_58 : memref<128xi32, #tpu.memory_space<vmem>>) semaphore(%arg11 : memref<!tpu.dma_semaphore, #tpu.memory_space<semaphore_mem>>)
      %dma_wait3A = arith.constant 0 : i32
      %dma_wait3A_62 = arith.constant 0 : i32
      %dma_wait3A_63 = arith.constant 0 : i32
      %dma_wait3A_64 = tpu.memref_slice %arg9[%dma_wait3A, %dma_wait3A_62, %dma_wait3A_63] : memref<2x128x128xf32, #tpu.memory_space<vmem>> -> memref<1x128x128xf32, #tpu.memory_space<vmem>>
      %dma_wait3A_65 = tpu.memref_squeeze %dma_wait3A_64 : memref<1x128x128xf32, #tpu.memory_space<vmem>> -> memref<128x128xf32, #tpu.memory_space<vmem>>
      %dma_wait3A_66 = arith.constant 0 : i32
      %dma_wait3A_67 = arith.constant 0 : i32
      %dma_wait3A_68 = tpu.memref_slice %arg2[%dma_wait3A_66, %dma_wait3A_67] : memref<10112x128xf32, #tpu.memory_space<hbm>> -> memref<128x128xf32, #tpu.memory_space<hbm>>
      %dma_wait3A_69 = arith.constant 0 : i32
      %dma_wait3A_70 = arith.constant 0 : i32
      %dma_wait3A_71 = tpu.memref_slice %arg9[%dma_wait3A, %dma_wait3A_69, %dma_wait3A_70] : memref<2x128x128xf32, #tpu.memory_space<vmem>> -> memref<1x128x128xf32, #tpu.memory_space<vmem>>
      %dma_wait3A_72 = tpu.memref_squeeze %dma_wait3A_71 : memref<1x128x128xf32, #tpu.memory_space<vmem>> -> memref<128x128xf32, #tpu.memory_space<vmem>>
      %dma_wait3A_73 = arith.constant 0 : i32
      %dma_wait3A_74 = arith.constant 0 : i32
      %dma_wait3A_75 = tpu.memref_slice %arg2[%dma_wait3A_73, %dma_wait3A_74] : memref<10112x128xf32, #tpu.memory_space<hbm>> -> memref<128x128xf32, #tpu.memory_space<hbm>>
      tpu.wait_dma2 semaphore(%arg11 : memref<!tpu.dma_semaphore, #tpu.memory_space<semaphore_mem>>) src(%dma_wait3A_75 : memref<128x128xf32, #tpu.memory_space<hbm>>) dst(%dma_wait3A_72 : memref<128x128xf32, #tpu.memory_space<vmem>>)
      %run_scoped3A = arith.constant 0 : i32
      %run_scoped3A_76 = arith.constant 0 : i32
      "tpu.region"() ({
        %run_scoped3A_252 = tpu.sem_alloc : memref<!tpu.dma_semaphore, #tpu.memory_space<semaphore_mem>>
        %dma_start3A_253 = arith.constant 0 : i32
        %dma_start3A_254 = arith.constant 0 : i32
        %dma_start3A_255 = tpu.memref_slice %arg9[%run_scoped3A, %dma_start3A_253, %dma_start3A_254] : memref<2x128x128xf32, #tpu.memory_space<vmem>> -> memref<1x128x128xf32, #tpu.memory_space<vmem>>
        %dma_start3A_256 = tpu.memref_squeeze %dma_start3A_255 : memref<1x128x128xf32, #tpu.memory_space<vmem>> -> memref<128x128xf32, #tpu.memory_space<vmem>>
        %dma_start3A_257 = arith.constant 0 : i32
        %dma_start3A_258 = tpu.memref_slice %arg8[%run_scoped3A_76, %dma_start3A_257] : memref<8x128xi32, #tpu.memory_space<vmem>> -> memref<1x128xi32, #tpu.memory_space<vmem>>
        %dma_start3A_259 = tpu.memref_squeeze %dma_start3A_258 : memref<1x128xi32, #tpu.memory_space<vmem>> -> memref<128xi32, #tpu.memory_space<vmem>>
        %dma_start3A_260 = arith.constant 0 : i32
        %dma_start3A_261 = arith.constant 0 : i32
        %dma_start3A_262 = tpu.memref_slice %arg10[%dma_start3A_260, %dma_start3A_261] : memref<10112x128xf32, #tpu.memory_space<vmem_shared>> -> memref<10112x128xf32, #tpu.memory_space<vmem_shared>>
        tpu.enqueue_indirect_dma source(%dma_start3A_256 : memref<128x128xf32, #tpu.memory_space<vmem>>) target(%dma_start3A_262 : memref<10112x128xf32, #tpu.memory_space<vmem_shared>>) offsets(%dma_start3A_259 : memref<128xi32, #tpu.memory_space<vmem>>) semaphore(%run_scoped3A_252 : memref<!tpu.dma_semaphore, #tpu.memory_space<semaphore_mem>>) {add = true}
        %dma_wait3A_263 = arith.constant 0 : i32
        %dma_wait3A_264 = arith.constant 0 : i32
        %dma_wait3A_265 = tpu.memref_slice %arg9[%run_scoped3A, %dma_wait3A_263, %dma_wait3A_264] : memref<2x128x128xf32, #tpu.memory_space<vmem>> -> memref<1x128x128xf32, #tpu.memory_space<vmem>>
        %dma_wait3A_266 = tpu.memref_squeeze %dma_wait3A_265 : memref<1x128x128xf32, #tpu.memory_space<vmem>> -> memref<128x128xf32, #tpu.memory_space<vmem>>
        %dma_wait3A_267 = arith.constant 0 : i32
        %dma_wait3A_268 = tpu.memref_slice %arg8[%run_scoped3A_76, %dma_wait3A_267] : memref<8x128xi32, #tpu.memory_space<vmem>> -> memref<1x128xi32, #tpu.memory_space<vmem>>
        %dma_wait3A_269 = tpu.memref_squeeze %dma_wait3A_268 : memref<1x128xi32, #tpu.memory_space<vmem>> -> memref<128xi32, #tpu.memory_space<vmem>>
        %dma_wait3A_270 = arith.constant 0 : i32
        %dma_wait3A_271 = arith.constant 0 : i32
        %dma_wait3A_272 = tpu.memref_slice %arg10[%dma_wait3A_270, %dma_wait3A_271] : memref<10112x128xf32, #tpu.memory_space<vmem_shared>> -> memref<10112x128xf32, #tpu.memory_space<vmem_shared>>
        tpu.wait_indirect_dma semaphore(%run_scoped3A_252 : memref<!tpu.dma_semaphore, #tpu.memory_space<semaphore_mem>>) src(%dma_wait3A_266 : memref<128x128xf32, #tpu.memory_space<vmem>>) dst(%dma_wait3A_272 : memref<10112x128xf32, #tpu.memory_space<vmem_shared>>)
        tpu.yield
      }) : () -> ()
      %dma_start3A_77 = arith.constant 2 : i32
      %dma_start3A_78 = arith.constant 0 : i32
      %dma_start3A_79 = arith.constant 0 : i32
      %dma_start3A_80 = arith.constant 0 : i32
      %dma_start3A_81 = tpu.memref_slice %arg9[%dma_start3A_78, %dma_start3A_79, %dma_start3A_80] : memref<2x128x128xf32, #tpu.memory_space<vmem>> -> memref<1x128x128xf32, #tpu.memory_space<vmem>>
      %dma_start3A_82 = tpu.memref_squeeze %dma_start3A_81 : memref<1x128x128xf32, #tpu.memory_space<vmem>> -> memref<128x128xf32, #tpu.memory_space<vmem>>
      %dma_start3A_83 = arith.constant 0 : i32
      %dma_start3A_84 = tpu.memref_slice %arg7[%dma_start3A_77, %dma_start3A_83] : memref<8x128xi32, #tpu.memory_space<vmem>> -> memref<1x128xi32, #tpu.memory_space<vmem>>
      %dma_start3A_85 = tpu.memref_squeeze %dma_start3A_84 : memref<1x128xi32, #tpu.memory_space<vmem>> -> memref<128xi32, #tpu.memory_space<vmem>>
      %dma_start3A_86 = arith.constant 0 : i32
      %dma_start3A_87 = arith.constant 0 : i32
      %dma_start3A_88 = tpu.memref_slice %arg2[%dma_start3A_86, %dma_start3A_87] : memref<10112x128xf32, #tpu.memory_space<hbm>> -> memref<10112x128xf32, #tpu.memory_space<hbm>>
      tpu.enqueue_indirect_dma source(%dma_start3A_88 : memref<10112x128xf32, #tpu.memory_space<hbm>>) target(%dma_start3A_82 : memref<128x128xf32, #tpu.memory_space<vmem>>) offsets(%dma_start3A_85 : memref<128xi32, #tpu.memory_space<vmem>>) semaphore(%arg11 : memref<!tpu.dma_semaphore, #tpu.memory_space<semaphore_mem>>)
      %dma_wait3A_89 = arith.constant 1 : i32
      %dma_wait3A_90 = arith.constant 0 : i32
      %dma_wait3A_91 = arith.constant 0 : i32
      %dma_wait3A_92 = tpu.memref_slice %arg9[%dma_wait3A_89, %dma_wait3A_90, %dma_wait3A_91] : memref<2x128x128xf32, #tpu.memory_space<vmem>> -> memref<1x128x128xf32, #tpu.memory_space<vmem>>
      %dma_wait3A_93 = tpu.memref_squeeze %dma_wait3A_92 : memref<1x128x128xf32, #tpu.memory_space<vmem>> -> memref<128x128xf32, #tpu.memory_space<vmem>>
      %dma_wait3A_94 = arith.constant 0 : i32
      %dma_wait3A_95 = arith.constant 0 : i32
      %dma_wait3A_96 = tpu.memref_slice %arg2[%dma_wait3A_94, %dma_wait3A_95] : memref<10112x128xf32, #tpu.memory_space<hbm>> -> memref<128x128xf32, #tpu.memory_space<hbm>>
      %dma_wait3A_97 = arith.constant 0 : i32
      %dma_wait3A_98 = arith.constant 0 : i32
      %dma_wait3A_99 = tpu.memref_slice %arg9[%dma_wait3A_89, %dma_wait3A_97, %dma_wait3A_98] : memref<2x128x128xf32, #tpu.memory_space<vmem>> -> memref<1x128x128xf32, #tpu.memory_space<vmem>>
      %dma_wait3A_100 = tpu.memref_squeeze %dma_wait3A_99 : memref<1x128x128xf32, #tpu.memory_space<vmem>> -> memref<128x128xf32, #tpu.memory_space<vmem>>
      %dma_wait3A_101 = arith.constant 0 : i32
      %dma_wait3A_102 = arith.constant 0 : i32
      %dma_wait3A_103 = tpu.memref_slice %arg2[%dma_wait3A_101, %dma_wait3A_102] : memref<10112x128xf32, #tpu.memory_space<hbm>> -> memref<128x128xf32, #tpu.memory_space<hbm>>
      tpu.wait_dma2 semaphore(%arg11 : memref<!tpu.dma_semaphore, #tpu.memory_space<semaphore_mem>>) src(%dma_wait3A_103 : memref<128x128xf32, #tpu.memory_space<hbm>>) dst(%dma_wait3A_100 : memref<128x128xf32, #tpu.memory_space<vmem>>)
      %run_scoped3A_104 = arith.constant 1 : i32
      %run_scoped3A_105 = arith.constant 1 : i32
      "tpu.region"() ({
        %run_scoped3A_252 = tpu.sem_alloc : memref<!tpu.dma_semaphore, #tpu.memory_space<semaphore_mem>>
        %dma_start3A_253 = arith.constant 0 : i32
        %dma_start3A_254 = arith.constant 0 : i32
        %dma_start3A_255 = tpu.memref_slice %arg9[%run_scoped3A_104, %dma_start3A_253, %dma_start3A_254] : memref<2x128x128xf32, #tpu.memory_space<vmem>> -> memref<1x128x128xf32, #tpu.memory_space<vmem>>
        %dma_start3A_256 = tpu.memref_squeeze %dma_start3A_255 : memref<1x128x128xf32, #tpu.memory_space<vmem>> -> memref<128x128xf32, #tpu.memory_space<vmem>>
        %dma_start3A_257 = arith.constant 0 : i32
        %dma_start3A_258 = tpu.memref_slice %arg8[%run_scoped3A_105, %dma_start3A_257] : memref<8x128xi32, #tpu.memory_space<vmem>> -> memref<1x128xi32, #tpu.memory_space<vmem>>
        %dma_start3A_259 = tpu.memref_squeeze %dma_start3A_258 : memref<1x128xi32, #tpu.memory_space<vmem>> -> memref<128xi32, #tpu.memory_space<vmem>>
        %dma_start3A_260 = arith.constant 0 : i32
        %dma_start3A_261 = arith.constant 0 : i32
        %dma_start3A_262 = tpu.memref_slice %arg10[%dma_start3A_260, %dma_start3A_261] : memref<10112x128xf32, #tpu.memory_space<vmem_shared>> -> memref<10112x128xf32, #tpu.memory_space<vmem_shared>>
        tpu.enqueue_indirect_dma source(%dma_start3A_256 : memref<128x128xf32, #tpu.memory_space<vmem>>) target(%dma_start3A_262 : memref<10112x128xf32, #tpu.memory_space<vmem_shared>>) offsets(%dma_start3A_259 : memref<128xi32, #tpu.memory_space<vmem>>) semaphore(%run_scoped3A_252 : memref<!tpu.dma_semaphore, #tpu.memory_space<semaphore_mem>>) {add = true}
        %dma_wait3A_263 = arith.constant 0 : i32
        %dma_wait3A_264 = arith.constant 0 : i32
        %dma_wait3A_265 = tpu.memref_slice %arg9[%run_scoped3A_104, %dma_wait3A_263, %dma_wait3A_264] : memref<2x128x128xf32, #tpu.memory_space<vmem>> -> memref<1x128x128xf32, #tpu.memory_space<vmem>>
        %dma_wait3A_266 = tpu.memref_squeeze %dma_wait3A_265 : memref<1x128x128xf32, #tpu.memory_space<vmem>> -> memref<128x128xf32, #tpu.memory_space<vmem>>
        %dma_wait3A_267 = arith.constant 0 : i32
        %dma_wait3A_268 = tpu.memref_slice %arg8[%run_scoped3A_105, %dma_wait3A_267] : memref<8x128xi32, #tpu.memory_space<vmem>> -> memref<1x128xi32, #tpu.memory_space<vmem>>
        %dma_wait3A_269 = tpu.memref_squeeze %dma_wait3A_268 : memref<1x128xi32, #tpu.memory_space<vmem>> -> memref<128xi32, #tpu.memory_space<vmem>>
        %dma_wait3A_270 = arith.constant 0 : i32
        %dma_wait3A_271 = arith.constant 0 : i32
        %dma_wait3A_272 = tpu.memref_slice %arg10[%dma_wait3A_270, %dma_wait3A_271] : memref<10112x128xf32, #tpu.memory_space<vmem_shared>> -> memref<10112x128xf32, #tpu.memory_space<vmem_shared>>
        tpu.wait_indirect_dma semaphore(%run_scoped3A_252 : memref<!tpu.dma_semaphore, #tpu.memory_space<semaphore_mem>>) src(%dma_wait3A_266 : memref<128x128xf32, #tpu.memory_space<vmem>>) dst(%dma_wait3A_272 : memref<10112x128xf32, #tpu.memory_space<vmem_shared>>)
        tpu.yield
      }) : () -> ()
      %dma_start3A_106 = arith.constant 3 : i32
      %dma_start3A_107 = arith.constant 1 : i32
      %dma_start3A_108 = arith.constant 0 : i32
      %dma_start3A_109 = arith.constant 0 : i32
      %dma_start3A_110 = tpu.memref_slice %arg9[%dma_start3A_107, %dma_start3A_108, %dma_start3A_109] : memref<2x128x128xf32, #tpu.memory_space<vmem>> -> memref<1x128x128xf32, #tpu.memory_space<vmem>>
      %dma_start3A_111 = tpu.memref_squeeze %dma_start3A_110 : memref<1x128x128xf32, #tpu.memory_space<vmem>> -> memref<128x128xf32, #tpu.memory_space<vmem>>
      %dma_start3A_112 = arith.constant 0 : i32
      %dma_start3A_113 = tpu.memref_slice %arg7[%dma_start3A_106, %dma_start3A_112] : memref<8x128xi32, #tpu.memory_space<vmem>> -> memref<1x128xi32, #tpu.memory_space<vmem>>
      %dma_start3A_114 = tpu.memref_squeeze %dma_start3A_113 : memref<1x128xi32, #tpu.memory_space<vmem>> -> memref<128xi32, #tpu.memory_space<vmem>>
      %dma_start3A_115 = arith.constant 0 : i32
      %dma_start3A_116 = arith.constant 0 : i32
      %dma_start3A_117 = tpu.memref_slice %arg2[%dma_start3A_115, %dma_start3A_116] : memref<10112x128xf32, #tpu.memory_space<hbm>> -> memref<10112x128xf32, #tpu.memory_space<hbm>>
      tpu.enqueue_indirect_dma source(%dma_start3A_117 : memref<10112x128xf32, #tpu.memory_space<hbm>>) target(%dma_start3A_111 : memref<128x128xf32, #tpu.memory_space<vmem>>) offsets(%dma_start3A_114 : memref<128xi32, #tpu.memory_space<vmem>>) semaphore(%arg11 : memref<!tpu.dma_semaphore, #tpu.memory_space<semaphore_mem>>)
      %dma_wait3A_118 = arith.constant 0 : i32
      %dma_wait3A_119 = arith.constant 0 : i32
      %dma_wait3A_120 = arith.constant 0 : i32
      %dma_wait3A_121 = tpu.memref_slice %arg9[%dma_wait3A_118, %dma_wait3A_119, %dma_wait3A_120] : memref<2x128x128xf32, #tpu.memory_space<vmem>> -> memref<1x128x128xf32, #tpu.memory_space<vmem>>
      %dma_wait3A_122 = tpu.memref_squeeze %dma_wait3A_121 : memref<1x128x128xf32, #tpu.memory_space<vmem>> -> memref<128x128xf32, #tpu.memory_space<vmem>>
      %dma_wait3A_123 = arith.constant 0 : i32
      %dma_wait3A_124 = arith.constant 0 : i32
      %dma_wait3A_125 = tpu.memref_slice %arg2[%dma_wait3A_123, %dma_wait3A_124] : memref<10112x128xf32, #tpu.memory_space<hbm>> -> memref<128x128xf32, #tpu.memory_space<hbm>>
      %dma_wait3A_126 = arith.constant 0 : i32
      %dma_wait3A_127 = arith.constant 0 : i32
      %dma_wait3A_128 = tpu.memref_slice %arg9[%dma_wait3A_118, %dma_wait3A_126, %dma_wait3A_127] : memref<2x128x128xf32, #tpu.memory_space<vmem>> -> memref<1x128x128xf32, #tpu.memory_space<vmem>>
      %dma_wait3A_129 = tpu.memref_squeeze %dma_wait3A_128 : memref<1x128x128xf32, #tpu.memory_space<vmem>> -> memref<128x128xf32, #tpu.memory_space<vmem>>
      %dma_wait3A_130 = arith.constant 0 : i32
      %dma_wait3A_131 = arith.constant 0 : i32
      %dma_wait3A_132 = tpu.memref_slice %arg2[%dma_wait3A_130, %dma_wait3A_131] : memref<10112x128xf32, #tpu.memory_space<hbm>> -> memref<128x128xf32, #tpu.memory_space<hbm>>
      tpu.wait_dma2 semaphore(%arg11 : memref<!tpu.dma_semaphore, #tpu.memory_space<semaphore_mem>>) src(%dma_wait3A_132 : memref<128x128xf32, #tpu.memory_space<hbm>>) dst(%dma_wait3A_129 : memref<128x128xf32, #tpu.memory_space<vmem>>)
      %run_scoped3A_133 = arith.constant 0 : i32
      %run_scoped3A_134 = arith.constant 2 : i32
      "tpu.region"() ({
        %run_scoped3A_252 = tpu.sem_alloc : memref<!tpu.dma_semaphore, #tpu.memory_space<semaphore_mem>>
        %dma_start3A_253 = arith.constant 0 : i32
        %dma_start3A_254 = arith.constant 0 : i32
        %dma_start3A_255 = tpu.memref_slice %arg9[%run_scoped3A_133, %dma_start3A_253, %dma_start3A_254] : memref<2x128x128xf32, #tpu.memory_space<vmem>> -> memref<1x128x128xf32, #tpu.memory_space<vmem>>
        %dma_start3A_256 = tpu.memref_squeeze %dma_start3A_255 : memref<1x128x128xf32, #tpu.memory_space<vmem>> -> memref<128x128xf32, #tpu.memory_space<vmem>>
        %dma_start3A_257 = arith.constant 0 : i32
        %dma_start3A_258 = tpu.memref_slice %arg8[%run_scoped3A_134, %dma_start3A_257] : memref<8x128xi32, #tpu.memory_space<vmem>> -> memref<1x128xi32, #tpu.memory_space<vmem>>
        %dma_start3A_259 = tpu.memref_squeeze %dma_start3A_258 : memref<1x128xi32, #tpu.memory_space<vmem>> -> memref<128xi32, #tpu.memory_space<vmem>>
        %dma_start3A_260 = arith.constant 0 : i32
        %dma_start3A_261 = arith.constant 0 : i32
        %dma_start3A_262 = tpu.memref_slice %arg10[%dma_start3A_260, %dma_start3A_261] : memref<10112x128xf32, #tpu.memory_space<vmem_shared>> -> memref<10112x128xf32, #tpu.memory_space<vmem_shared>>
        tpu.enqueue_indirect_dma source(%dma_start3A_256 : memref<128x128xf32, #tpu.memory_space<vmem>>) target(%dma_start3A_262 : memref<10112x128xf32, #tpu.memory_space<vmem_shared>>) offsets(%dma_start3A_259 : memref<128xi32, #tpu.memory_space<vmem>>) semaphore(%run_scoped3A_252 : memref<!tpu.dma_semaphore, #tpu.memory_space<semaphore_mem>>) {add = true}
        %dma_wait3A_263 = arith.constant 0 : i32
        %dma_wait3A_264 = arith.constant 0 : i32
        %dma_wait3A_265 = tpu.memref_slice %arg9[%run_scoped3A_133, %dma_wait3A_263, %dma_wait3A_264] : memref<2x128x128xf32, #tpu.memory_space<vmem>> -> memref<1x128x128xf32, #tpu.memory_space<vmem>>
        %dma_wait3A_266 = tpu.memref_squeeze %dma_wait3A_265 : memref<1x128x128xf32, #tpu.memory_space<vmem>> -> memref<128x128xf32, #tpu.memory_space<vmem>>
        %dma_wait3A_267 = arith.constant 0 : i32
        %dma_wait3A_268 = tpu.memref_slice %arg8[%run_scoped3A_134, %dma_wait3A_267] : memref<8x128xi32, #tpu.memory_space<vmem>> -> memref<1x128xi32, #tpu.memory_space<vmem>>
        %dma_wait3A_269 = tpu.memref_squeeze %dma_wait3A_268 : memref<1x128xi32, #tpu.memory_space<vmem>> -> memref<128xi32, #tpu.memory_space<vmem>>
        %dma_wait3A_270 = arith.constant 0 : i32
        %dma_wait3A_271 = arith.constant 0 : i32
        %dma_wait3A_272 = tpu.memref_slice %arg10[%dma_wait3A_270, %dma_wait3A_271] : memref<10112x128xf32, #tpu.memory_space<vmem_shared>> -> memref<10112x128xf32, #tpu.memory_space<vmem_shared>>
        tpu.wait_indirect_dma semaphore(%run_scoped3A_252 : memref<!tpu.dma_semaphore, #tpu.memory_space<semaphore_mem>>) src(%dma_wait3A_266 : memref<128x128xf32, #tpu.memory_space<vmem>>) dst(%dma_wait3A_272 : memref<10112x128xf32, #tpu.memory_space<vmem_shared>>)
        tpu.yield
      }) : () -> ()
      %dma_start3A_135 = arith.constant 4 : i32
      %dma_start3A_136 = arith.constant 0 : i32
      %dma_start3A_137 = arith.constant 0 : i32
      %dma_start3A_138 = arith.constant 0 : i32
      %dma_start3A_139 = tpu.memref_slice %arg9[%dma_start3A_136, %dma_start3A_137, %dma_start3A_138] : memref<2x128x128xf32, #tpu.memory_space<vmem>> -> memref<1x128x128xf32, #tpu.memory_space<vmem>>
      %dma_start3A_140 = tpu.memref_squeeze %dma_start3A_139 : memref<1x128x128xf32, #tpu.memory_space<vmem>> -> memref<128x128xf32, #tpu.memory_space<vmem>>
      %dma_start3A_141 = arith.constant 0 : i32
      %dma_start3A_142 = tpu.memref_slice %arg7[%dma_start3A_135, %dma_start3A_141] : memref<8x128xi32, #tpu.memory_space<vmem>> -> memref<1x128xi32, #tpu.memory_space<vmem>>
      %dma_start3A_143 = tpu.memref_squeeze %dma_start3A_142 : memref<1x128xi32, #tpu.memory_space<vmem>> -> memref<128xi32, #tpu.memory_space<vmem>>
      %dma_start3A_144 = arith.constant 0 : i32
      %dma_start3A_145 = arith.constant 0 : i32
      %dma_start3A_146 = tpu.memref_slice %arg2[%dma_start3A_144, %dma_start3A_145] : memref<10112x128xf32, #tpu.memory_space<hbm>> -> memref<10112x128xf32, #tpu.memory_space<hbm>>
      tpu.enqueue_indirect_dma source(%dma_start3A_146 : memref<10112x128xf32, #tpu.memory_space<hbm>>) target(%dma_start3A_140 : memref<128x128xf32, #tpu.memory_space<vmem>>) offsets(%dma_start3A_143 : memref<128xi32, #tpu.memory_space<vmem>>) semaphore(%arg11 : memref<!tpu.dma_semaphore, #tpu.memory_space<semaphore_mem>>)
      %dma_wait3A_147 = arith.constant 1 : i32
      %dma_wait3A_148 = arith.constant 0 : i32
      %dma_wait3A_149 = arith.constant 0 : i32
      %dma_wait3A_150 = tpu.memref_slice %arg9[%dma_wait3A_147, %dma_wait3A_148, %dma_wait3A_149] : memref<2x128x128xf32, #tpu.memory_space<vmem>> -> memref<1x128x128xf32, #tpu.memory_space<vmem>>
      %dma_wait3A_151 = tpu.memref_squeeze %dma_wait3A_150 : memref<1x128x128xf32, #tpu.memory_space<vmem>> -> memref<128x128xf32, #tpu.memory_space<vmem>>
      %dma_wait3A_152 = arith.constant 0 : i32
      %dma_wait3A_153 = arith.constant 0 : i32
      %dma_wait3A_154 = tpu.memref_slice %arg2[%dma_wait3A_152, %dma_wait3A_153] : memref<10112x128xf32, #tpu.memory_space<hbm>> -> memref<128x128xf32, #tpu.memory_space<hbm>>
      %dma_wait3A_155 = arith.constant 0 : i32
      %dma_wait3A_156 = arith.constant 0 : i32
      %dma_wait3A_157 = tpu.memref_slice %arg9[%dma_wait3A_147, %dma_wait3A_155, %dma_wait3A_156] : memref<2x128x128xf32, #tpu.memory_space<vmem>> -> memref<1x128x128xf32, #tpu.memory_space<vmem>>
      %dma_wait3A_158 = tpu.memref_squeeze %dma_wait3A_157 : memref<1x128x128xf32, #tpu.memory_space<vmem>> -> memref<128x128xf32, #tpu.memory_space<vmem>>
      %dma_wait3A_159 = arith.constant 0 : i32
      %dma_wait3A_160 = arith.constant 0 : i32
      %dma_wait3A_161 = tpu.memref_slice %arg2[%dma_wait3A_159, %dma_wait3A_160] : memref<10112x128xf32, #tpu.memory_space<hbm>> -> memref<128x128xf32, #tpu.memory_space<hbm>>
      tpu.wait_dma2 semaphore(%arg11 : memref<!tpu.dma_semaphore, #tpu.memory_space<semaphore_mem>>) src(%dma_wait3A_161 : memref<128x128xf32, #tpu.memory_space<hbm>>) dst(%dma_wait3A_158 : memref<128x128xf32, #tpu.memory_space<vmem>>)
      %run_scoped3A_162 = arith.constant 1 : i32
      %run_scoped3A_163 = arith.constant 3 : i32
      "tpu.region"() ({
        %run_scoped3A_252 = tpu.sem_alloc : memref<!tpu.dma_semaphore, #tpu.memory_space<semaphore_mem>>
        %dma_start3A_253 = arith.constant 0 : i32
        %dma_start3A_254 = arith.constant 0 : i32
        %dma_start3A_255 = tpu.memref_slice %arg9[%run_scoped3A_162, %dma_start3A_253, %dma_start3A_254] : memref<2x128x128xf32, #tpu.memory_space<vmem>> -> memref<1x128x128xf32, #tpu.memory_space<vmem>>
        %dma_start3A_256 = tpu.memref_squeeze %dma_start3A_255 : memref<1x128x128xf32, #tpu.memory_space<vmem>> -> memref<128x128xf32, #tpu.memory_space<vmem>>
        %dma_start3A_257 = arith.constant 0 : i32
        %dma_start3A_258 = tpu.memref_slice %arg8[%run_scoped3A_163, %dma_start3A_257] : memref<8x128xi32, #tpu.memory_space<vmem>> -> memref<1x128xi32, #tpu.memory_space<vmem>>
        %dma_start3A_259 = tpu.memref_squeeze %dma_start3A_258 : memref<1x128xi32, #tpu.memory_space<vmem>> -> memref<128xi32, #tpu.memory_space<vmem>>
        %dma_start3A_260 = arith.constant 0 : i32
        %dma_start3A_261 = arith.constant 0 : i32
        %dma_start3A_262 = tpu.memref_slice %arg10[%dma_start3A_260, %dma_start3A_261] : memref<10112x128xf32, #tpu.memory_space<vmem_shared>> -> memref<10112x128xf32, #tpu.memory_space<vmem_shared>>
        tpu.enqueue_indirect_dma source(%dma_start3A_256 : memref<128x128xf32, #tpu.memory_space<vmem>>) target(%dma_start3A_262 : memref<10112x128xf32, #tpu.memory_space<vmem_shared>>) offsets(%dma_start3A_259 : memref<128xi32, #tpu.memory_space<vmem>>) semaphore(%run_scoped3A_252 : memref<!tpu.dma_semaphore, #tpu.memory_space<semaphore_mem>>) {add = true}
        %dma_wait3A_263 = arith.constant 0 : i32
        %dma_wait3A_264 = arith.constant 0 : i32
        %dma_wait3A_265 = tpu.memref_slice %arg9[%run_scoped3A_162, %dma_wait3A_263, %dma_wait3A_264] : memref<2x128x128xf32, #tpu.memory_space<vmem>> -> memref<1x128x128xf32, #tpu.memory_space<vmem>>
        %dma_wait3A_266 = tpu.memref_squeeze %dma_wait3A_265 : memref<1x128x128xf32, #tpu.memory_space<vmem>> -> memref<128x128xf32, #tpu.memory_space<vmem>>
        %dma_wait3A_267 = arith.constant 0 : i32
        %dma_wait3A_268 = tpu.memref_slice %arg8[%run_scoped3A_163, %dma_wait3A_267] : memref<8x128xi32, #tpu.memory_space<vmem>> -> memref<1x128xi32, #tpu.memory_space<vmem>>
        %dma_wait3A_269 = tpu.memref_squeeze %dma_wait3A_268 : memref<1x128xi32, #tpu.memory_space<vmem>> -> memref<128xi32, #tpu.memory_space<vmem>>
        %dma_wait3A_270 = arith.constant 0 : i32
        %dma_wait3A_271 = arith.constant 0 : i32
        %dma_wait3A_272 = tpu.memref_slice %arg10[%dma_wait3A_270, %dma_wait3A_271] : memref<10112x128xf32, #tpu.memory_space<vmem_shared>> -> memref<10112x128xf32, #tpu.memory_space<vmem_shared>>
        tpu.wait_indirect_dma semaphore(%run_scoped3A_252 : memref<!tpu.dma_semaphore, #tpu.memory_space<semaphore_mem>>) src(%dma_wait3A_266 : memref<128x128xf32, #tpu.memory_space<vmem>>) dst(%dma_wait3A_272 : memref<10112x128xf32, #tpu.memory_space<vmem_shared>>)
        tpu.yield
      }) : () -> ()
      %dma_start3A_164 = arith.constant 5 : i32
      %dma_start3A_165 = arith.constant 1 : i32
      %dma_start3A_166 = arith.constant 0 : i32
      %dma_start3A_167 = arith.constant 0 : i32
      %dma_start3A_168 = tpu.memref_slice %arg9[%dma_start3A_165, %dma_start3A_166, %dma_start3A_167] : memref<2x128x128xf32, #tpu.memory_space<vmem>> -> memref<1x128x128xf32, #tpu.memory_space<vmem>>
      %dma_start3A_169 = tpu.memref_squeeze %dma_start3A_168 : memref<1x128x128xf32, #tpu.memory_space<vmem>> -> memref<128x128xf32, #tpu.memory_space<vmem>>
      %dma_start3A_170 = arith.constant 0 : i32
      %dma_start3A_171 = tpu.memref_slice %arg7[%dma_start3A_164, %dma_start3A_170] : memref<8x128xi32, #tpu.memory_space<vmem>> -> memref<1x128xi32, #tpu.memory_space<vmem>>
      %dma_start3A_172 = tpu.memref_squeeze %dma_start3A_171 : memref<1x128xi32, #tpu.memory_space<vmem>> -> memref<128xi32, #tpu.memory_space<vmem>>
      %dma_start3A_173 = arith.constant 0 : i32
      %dma_start3A_174 = arith.constant 0 : i32
      %dma_start3A_175 = tpu.memref_slice %arg2[%dma_start3A_173, %dma_start3A_174] : memref<10112x128xf32, #tpu.memory_space<hbm>> -> memref<10112x128xf32, #tpu.memory_space<hbm>>
      tpu.enqueue_indirect_dma source(%dma_start3A_175 : memref<10112x128xf32, #tpu.memory_space<hbm>>) target(%dma_start3A_169 : memref<128x128xf32, #tpu.memory_space<vmem>>) offsets(%dma_start3A_172 : memref<128xi32, #tpu.memory_space<vmem>>) semaphore(%arg11 : memref<!tpu.dma_semaphore, #tpu.memory_space<semaphore_mem>>)
      %dma_wait3A_176 = arith.constant 0 : i32
      %dma_wait3A_177 = arith.constant 0 : i32
      %dma_wait3A_178 = arith.constant 0 : i32
      %dma_wait3A_179 = tpu.memref_slice %arg9[%dma_wait3A_176, %dma_wait3A_177, %dma_wait3A_178] : memref<2x128x128xf32, #tpu.memory_space<vmem>> -> memref<1x128x128xf32, #tpu.memory_space<vmem>>
      %dma_wait3A_180 = tpu.memref_squeeze %dma_wait3A_179 : memref<1x128x128xf32, #tpu.memory_space<vmem>> -> memref<128x128xf32, #tpu.memory_space<vmem>>
      %dma_wait3A_181 = arith.constant 0 : i32
      %dma_wait3A_182 = arith.constant 0 : i32
      %dma_wait3A_183 = tpu.memref_slice %arg2[%dma_wait3A_181, %dma_wait3A_182] : memref<10112x128xf32, #tpu.memory_space<hbm>> -> memref<128x128xf32, #tpu.memory_space<hbm>>
      %dma_wait3A_184 = arith.constant 0 : i32
      %dma_wait3A_185 = arith.constant 0 : i32
      %dma_wait3A_186 = tpu.memref_slice %arg9[%dma_wait3A_176, %dma_wait3A_184, %dma_wait3A_185] : memref<2x128x128xf32, #tpu.memory_space<vmem>> -> memref<1x128x128xf32, #tpu.memory_space<vmem>>
      %dma_wait3A_187 = tpu.memref_squeeze %dma_wait3A_186 : memref<1x128x128xf32, #tpu.memory_space<vmem>> -> memref<128x128xf32, #tpu.memory_space<vmem>>
      %dma_wait3A_188 = arith.constant 0 : i32
      %dma_wait3A_189 = arith.constant 0 : i32
      %dma_wait3A_190 = tpu.memref_slice %arg2[%dma_wait3A_188, %dma_wait3A_189] : memref<10112x128xf32, #tpu.memory_space<hbm>> -> memref<128x128xf32, #tpu.memory_space<hbm>>
      tpu.wait_dma2 semaphore(%arg11 : memref<!tpu.dma_semaphore, #tpu.memory_space<semaphore_mem>>) src(%dma_wait3A_190 : memref<128x128xf32, #tpu.memory_space<hbm>>) dst(%dma_wait3A_187 : memref<128x128xf32, #tpu.memory_space<vmem>>)
      %run_scoped3A_191 = arith.constant 0 : i32
      %run_scoped3A_192 = arith.constant 4 : i32
      "tpu.region"() ({
        %run_scoped3A_252 = tpu.sem_alloc : memref<!tpu.dma_semaphore, #tpu.memory_space<semaphore_mem>>
        %dma_start3A_253 = arith.constant 0 : i32
        %dma_start3A_254 = arith.constant 0 : i32
        %dma_start3A_255 = tpu.memref_slice %arg9[%run_scoped3A_191, %dma_start3A_253, %dma_start3A_254] : memref<2x128x128xf32, #tpu.memory_space<vmem>> -> memref<1x128x128xf32, #tpu.memory_space<vmem>>
        %dma_start3A_256 = tpu.memref_squeeze %dma_start3A_255 : memref<1x128x128xf32, #tpu.memory_space<vmem>> -> memref<128x128xf32, #tpu.memory_space<vmem>>
        %dma_start3A_257 = arith.constant 0 : i32
        %dma_start3A_258 = tpu.memref_slice %arg8[%run_scoped3A_192, %dma_start3A_257] : memref<8x128xi32, #tpu.memory_space<vmem>> -> memref<1x128xi32, #tpu.memory_space<vmem>>
        %dma_start3A_259 = tpu.memref_squeeze %dma_start3A_258 : memref<1x128xi32, #tpu.memory_space<vmem>> -> memref<128xi32, #tpu.memory_space<vmem>>
        %dma_start3A_260 = arith.constant 0 : i32
        %dma_start3A_261 = arith.constant 0 : i32
        %dma_start3A_262 = tpu.memref_slice %arg10[%dma_start3A_260, %dma_start3A_261] : memref<10112x128xf32, #tpu.memory_space<vmem_shared>> -> memref<10112x128xf32, #tpu.memory_space<vmem_shared>>
        tpu.enqueue_indirect_dma source(%dma_start3A_256 : memref<128x128xf32, #tpu.memory_space<vmem>>) target(%dma_start3A_262 : memref<10112x128xf32, #tpu.memory_space<vmem_shared>>) offsets(%dma_start3A_259 : memref<128xi32, #tpu.memory_space<vmem>>) semaphore(%run_scoped3A_252 : memref<!tpu.dma_semaphore, #tpu.memory_space<semaphore_mem>>) {add = true}
        %dma_wait3A_263 = arith.constant 0 : i32
        %dma_wait3A_264 = arith.constant 0 : i32
        %dma_wait3A_265 = tpu.memref_slice %arg9[%run_scoped3A_191, %dma_wait3A_263, %dma_wait3A_264] : memref<2x128x128xf32, #tpu.memory_space<vmem>> -> memref<1x128x128xf32, #tpu.memory_space<vmem>>
        %dma_wait3A_266 = tpu.memref_squeeze %dma_wait3A_265 : memref<1x128x128xf32, #tpu.memory_space<vmem>> -> memref<128x128xf32, #tpu.memory_space<vmem>>
        %dma_wait3A_267 = arith.constant 0 : i32
        %dma_wait3A_268 = tpu.memref_slice %arg8[%run_scoped3A_192, %dma_wait3A_267] : memref<8x128xi32, #tpu.memory_space<vmem>> -> memref<1x128xi32, #tpu.memory_space<vmem>>
        %dma_wait3A_269 = tpu.memref_squeeze %dma_wait3A_268 : memref<1x128xi32, #tpu.memory_space<vmem>> -> memref<128xi32, #tpu.memory_space<vmem>>
        %dma_wait3A_270 = arith.constant 0 : i32
        %dma_wait3A_271 = arith.constant 0 : i32
        %dma_wait3A_272 = tpu.memref_slice %arg10[%dma_wait3A_270, %dma_wait3A_271] : memref<10112x128xf32, #tpu.memory_space<vmem_shared>> -> memref<10112x128xf32, #tpu.memory_space<vmem_shared>>
        tpu.wait_indirect_dma semaphore(%run_scoped3A_252 : memref<!tpu.dma_semaphore, #tpu.memory_space<semaphore_mem>>) src(%dma_wait3A_266 : memref<128x128xf32, #tpu.memory_space<vmem>>) dst(%dma_wait3A_272 : memref<10112x128xf32, #tpu.memory_space<vmem_shared>>)
        tpu.yield
      }) : () -> ()
      %dma_start3A_193 = arith.constant 6 : i32
      %dma_start3A_194 = arith.constant 0 : i32
      %dma_start3A_195 = arith.constant 0 : i32
      %dma_start3A_196 = arith.constant 0 : i32
      %dma_start3A_197 = tpu.memref_slice %arg9[%dma_start3A_194, %dma_start3A_195, %dma_start3A_196] : memref<2x128x128xf32, #tpu.memory_space<vmem>> -> memref<1x128x128xf32, #tpu.memory_space<vmem>>
      %dma_start3A_198 = tpu.memref_squeeze %dma_start3A_197 : memref<1x128x128xf32, #tpu.memory_space<vmem>> -> memref<128x128xf32, #tpu.memory_space<vmem>>
      %dma_start3A_199 = arith.constant 0 : i32
      %dma_start3A_200 = tpu.memref_slice %arg7[%dma_start3A_193, %dma_start3A_199] : memref<8x128xi32, #tpu.memory_space<vmem>> -> memref<1x128xi32, #tpu.memory_space<vmem>>
      %dma_start3A_201 = tpu.memref_squeeze %dma_start3A_200 : memref<1x128xi32, #tpu.memory_space<vmem>> -> memref<128xi32, #tpu.memory_space<vmem>>
      %dma_start3A_202 = arith.constant 0 : i32
      %dma_start3A_203 = arith.constant 0 : i32
      %dma_start3A_204 = tpu.memref_slice %arg2[%dma_start3A_202, %dma_start3A_203] : memref<10112x128xf32, #tpu.memory_space<hbm>> -> memref<10112x128xf32, #tpu.memory_space<hbm>>
      tpu.enqueue_indirect_dma source(%dma_start3A_204 : memref<10112x128xf32, #tpu.memory_space<hbm>>) target(%dma_start3A_198 : memref<128x128xf32, #tpu.memory_space<vmem>>) offsets(%dma_start3A_201 : memref<128xi32, #tpu.memory_space<vmem>>) semaphore(%arg11 : memref<!tpu.dma_semaphore, #tpu.memory_space<semaphore_mem>>)
      %dma_wait3A_205 = arith.constant 1 : i32
      %dma_wait3A_206 = arith.constant 0 : i32
      %dma_wait3A_207 = arith.constant 0 : i32
      %dma_wait3A_208 = tpu.memref_slice %arg9[%dma_wait3A_205, %dma_wait3A_206, %dma_wait3A_207] : memref<2x128x128xf32, #tpu.memory_space<vmem>> -> memref<1x128x128xf32, #tpu.memory_space<vmem>>
      %dma_wait3A_209 = tpu.memref_squeeze %dma_wait3A_208 : memref<1x128x128xf32, #tpu.memory_space<vmem>> -> memref<128x128xf32, #tpu.memory_space<vmem>>
      %dma_wait3A_210 = arith.constant 0 : i32
      %dma_wait3A_211 = arith.constant 0 : i32
      %dma_wait3A_212 = tpu.memref_slice %arg2[%dma_wait3A_210, %dma_wait3A_211] : memref<10112x128xf32, #tpu.memory_space<hbm>> -> memref<128x128xf32, #tpu.memory_space<hbm>>
      %dma_wait3A_213 = arith.constant 0 : i32
      %dma_wait3A_214 = arith.constant 0 : i32
      %dma_wait3A_215 = tpu.memref_slice %arg9[%dma_wait3A_205, %dma_wait3A_213, %dma_wait3A_214] : memref<2x128x128xf32, #tpu.memory_space<vmem>> -> memref<1x128x128xf32, #tpu.memory_space<vmem>>
      %dma_wait3A_216 = tpu.memref_squeeze %dma_wait3A_215 : memref<1x128x128xf32, #tpu.memory_space<vmem>> -> memref<128x128xf32, #tpu.memory_space<vmem>>
      %dma_wait3A_217 = arith.constant 0 : i32
      %dma_wait3A_218 = arith.constant 0 : i32
      %dma_wait3A_219 = tpu.memref_slice %arg2[%dma_wait3A_217, %dma_wait3A_218] : memref<10112x128xf32, #tpu.memory_space<hbm>> -> memref<128x128xf32, #tpu.memory_space<hbm>>
      tpu.wait_dma2 semaphore(%arg11 : memref<!tpu.dma_semaphore, #tpu.memory_space<semaphore_mem>>) src(%dma_wait3A_219 : memref<128x128xf32, #tpu.memory_space<hbm>>) dst(%dma_wait3A_216 : memref<128x128xf32, #tpu.memory_space<vmem>>)
      %run_scoped3A_220 = arith.constant 1 : i32
      %run_scoped3A_221 = arith.constant 5 : i32
      "tpu.region"() ({
        %run_scoped3A_252 = tpu.sem_alloc : memref<!tpu.dma_semaphore, #tpu.memory_space<semaphore_mem>>
        %dma_start3A_253 = arith.constant 0 : i32
        %dma_start3A_254 = arith.constant 0 : i32
        %dma_start3A_255 = tpu.memref_slice %arg9[%run_scoped3A_220, %dma_start3A_253, %dma_start3A_254] : memref<2x128x128xf32, #tpu.memory_space<vmem>> -> memref<1x128x128xf32, #tpu.memory_space<vmem>>
        %dma_start3A_256 = tpu.memref_squeeze %dma_start3A_255 : memref<1x128x128xf32, #tpu.memory_space<vmem>> -> memref<128x128xf32, #tpu.memory_space<vmem>>
        %dma_start3A_257 = arith.constant 0 : i32
        %dma_start3A_258 = tpu.memref_slice %arg8[%run_scoped3A_221, %dma_start3A_257] : memref<8x128xi32, #tpu.memory_space<vmem>> -> memref<1x128xi32, #tpu.memory_space<vmem>>
        %dma_start3A_259 = tpu.memref_squeeze %dma_start3A_258 : memref<1x128xi32, #tpu.memory_space<vmem>> -> memref<128xi32, #tpu.memory_space<vmem>>
        %dma_start3A_260 = arith.constant 0 : i32
        %dma_start3A_261 = arith.constant 0 : i32
        %dma_start3A_262 = tpu.memref_slice %arg10[%dma_start3A_260, %dma_start3A_261] : memref<10112x128xf32, #tpu.memory_space<vmem_shared>> -> memref<10112x128xf32, #tpu.memory_space<vmem_shared>>
        tpu.enqueue_indirect_dma source(%dma_start3A_256 : memref<128x128xf32, #tpu.memory_space<vmem>>) target(%dma_start3A_262 : memref<10112x128xf32, #tpu.memory_space<vmem_shared>>) offsets(%dma_start3A_259 : memref<128xi32, #tpu.memory_space<vmem>>) semaphore(%run_scoped3A_252 : memref<!tpu.dma_semaphore, #tpu.memory_space<semaphore_mem>>) {add = true}
        %dma_wait3A_263 = arith.constant 0 : i32
        %dma_wait3A_264 = arith.constant 0 : i32
        %dma_wait3A_265 = tpu.memref_slice %arg9[%run_scoped3A_220, %dma_wait3A_263, %dma_wait3A_264] : memref<2x128x128xf32, #tpu.memory_space<vmem>> -> memref<1x128x128xf32, #tpu.memory_space<vmem>>
        %dma_wait3A_266 = tpu.memref_squeeze %dma_wait3A_265 : memref<1x128x128xf32, #tpu.memory_space<vmem>> -> memref<128x128xf32, #tpu.memory_space<vmem>>
        %dma_wait3A_267 = arith.constant 0 : i32
        %dma_wait3A_268 = tpu.memref_slice %arg8[%run_scoped3A_221, %dma_wait3A_267] : memref<8x128xi32, #tpu.memory_space<vmem>> -> memref<1x128xi32, #tpu.memory_space<vmem>>
        %dma_wait3A_269 = tpu.memref_squeeze %dma_wait3A_268 : memref<1x128xi32, #tpu.memory_space<vmem>> -> memref<128xi32, #tpu.memory_space<vmem>>
        %dma_wait3A_270 = arith.constant 0 : i32
        %dma_wait3A_271 = arith.constant 0 : i32
        %dma_wait3A_272 = tpu.memref_slice %arg10[%dma_wait3A_270, %dma_wait3A_271] : memref<10112x128xf32, #tpu.memory_space<vmem_shared>> -> memref<10112x128xf32, #tpu.memory_space<vmem_shared>>
        tpu.wait_indirect_dma semaphore(%run_scoped3A_252 : memref<!tpu.dma_semaphore, #tpu.memory_space<semaphore_mem>>) src(%dma_wait3A_266 : memref<128x128xf32, #tpu.memory_space<vmem>>) dst(%dma_wait3A_272 : memref<10112x128xf32, #tpu.memory_space<vmem_shared>>)
        tpu.yield
      }) : () -> ()
      %dma_start3A_222 = arith.constant 7 : i32
      %dma_start3A_223 = arith.constant 1 : i32
      %dma_start3A_224 = arith.constant 0 : i32
      %dma_start3A_225 = arith.constant 0 : i32
      %dma_start3A_226 = tpu.memref_slice %arg9[%dma_start3A_223, %dma_start3A_224, %dma_start3A_225] : memref<2x128x128xf32, #tpu.memory_space<vmem>> -> memref<1x128x128xf32, #tpu.memory_space<vmem>>
      %dma_start3A_227 = tpu.memref_squeeze %dma_start3A_226 : memref<1x128x128xf32, #tpu.memory_space<vmem>> -> memref<128x128xf32, #tpu.memory_space<vmem>>
      %dma_start3A_228 = arith.constant 0 : i32
      %dma_start3A_229 = tpu.memref_slice %arg7[%dma_start3A_222, %dma_start3A_228] : memref<8x128xi32, #tpu.memory_space<vmem>> -> memref<1x128xi32, #tpu.memory_space<vmem>>
      %dma_start3A_230 = tpu.memref_squeeze %dma_start3A_229 : memref<1x128xi32, #tpu.memory_space<vmem>> -> memref<128xi32, #tpu.memory_space<vmem>>
      %dma_start3A_231 = arith.constant 0 : i32
      %dma_start3A_232 = arith.constant 0 : i32
      %dma_start3A_233 = tpu.memref_slice %arg2[%dma_start3A_231, %dma_start3A_232] : memref<10112x128xf32, #tpu.memory_space<hbm>> -> memref<10112x128xf32, #tpu.memory_space<hbm>>
      tpu.enqueue_indirect_dma source(%dma_start3A_233 : memref<10112x128xf32, #tpu.memory_space<hbm>>) target(%dma_start3A_227 : memref<128x128xf32, #tpu.memory_space<vmem>>) offsets(%dma_start3A_230 : memref<128xi32, #tpu.memory_space<vmem>>) semaphore(%arg11 : memref<!tpu.dma_semaphore, #tpu.memory_space<semaphore_mem>>)
      %dma_wait3A_234 = arith.constant 0 : i32
      %dma_wait3A_235 = arith.constant 0 : i32
      %dma_wait3A_236 = arith.constant 0 : i32
      %dma_wait3A_237 = tpu.memref_slice %arg9[%dma_wait3A_234, %dma_wait3A_235, %dma_wait3A_236] : memref<2x128x128xf32, #tpu.memory_space<vmem>> -> memref<1x128x128xf32, #tpu.memory_space<vmem>>
      %dma_wait3A_238 = tpu.memref_squeeze %dma_wait3A_237 : memref<1x128x128xf32, #tpu.memory_space<vmem>> -> memref<128x128xf32, #tpu.memory_space<vmem>>
      %dma_wait3A_239 = arith.constant 0 : i32
      %dma_wait3A_240 = arith.constant 0 : i32
      %dma_wait3A_241 = tpu.memref_slice %arg2[%dma_wait3A_239, %dma_wait3A_240] : memref<10112x128xf32, #tpu.memory_space<hbm>> -> memref<128x128xf32, #tpu.memory_space<hbm>>
      %dma_wait3A_242 = arith.constant 0 : i32
      %dma_wait3A_243 = arith.constant 0 : i32
      %dma_wait3A_244 = tpu.memref_slice %arg9[%dma_wait3A_234, %dma_wait3A_242, %dma_wait3A_243] : memref<2x128x128xf32, #tpu.memory_space<vmem>> -> memref<1x128x128xf32, #tpu.memory_space<vmem>>
      %dma_wait3A_245 = tpu.memref_squeeze %dma_wait3A_244 : memref<1x128x128xf32, #tpu.memory_space<vmem>> -> memref<128x128xf32, #tpu.memory_space<vmem>>
      %dma_wait3A_246 = arith.constant 0 : i32
      %dma_wait3A_247 = arith.constant 0 : i32
      %dma_wait3A_248 = tpu.memref_slice %arg2[%dma_wait3A_246, %dma_wait3A_247] : memref<10112x128xf32, #tpu.memory_space<hbm>> -> memref<128x128xf32, #tpu.memory_space<hbm>>
      tpu.wait_dma2 semaphore(%arg11 : memref<!tpu.dma_semaphore, #tpu.memory_space<semaphore_mem>>) src(%dma_wait3A_248 : memref<128x128xf32, #tpu.memory_space<hbm>>) dst(%dma_wait3A_245 : memref<128x128xf32, #tpu.memory_space<vmem>>)
      %run_scoped3A_249 = arith.constant 0 : i32
      %run_scoped3A_250 = arith.constant 6 : i32
      "tpu.region"() ({
        %run_scoped3A_252 = tpu.sem_alloc : memref<!tpu.dma_semaphore, #tpu.memory_space<semaphore_mem>>
        %dma_start3A_253 = arith.constant 0 : i32
        %dma_start3A_254 = arith.constant 0 : i32
        %dma_start3A_255 = tpu.memref_slice %arg9[%run_scoped3A_249, %dma_start3A_253, %dma_start3A_254] : memref<2x128x128xf32, #tpu.memory_space<vmem>> -> memref<1x128x128xf32, #tpu.memory_space<vmem>>
        %dma_start3A_256 = tpu.memref_squeeze %dma_start3A_255 : memref<1x128x128xf32, #tpu.memory_space<vmem>> -> memref<128x128xf32, #tpu.memory_space<vmem>>
        %dma_start3A_257 = arith.constant 0 : i32
        %dma_start3A_258 = tpu.memref_slice %arg8[%run_scoped3A_250, %dma_start3A_257] : memref<8x128xi32, #tpu.memory_space<vmem>> -> memref<1x128xi32, #tpu.memory_space<vmem>>
        %dma_start3A_259 = tpu.memref_squeeze %dma_start3A_258 : memref<1x128xi32, #tpu.memory_space<vmem>> -> memref<128xi32, #tpu.memory_space<vmem>>
        %dma_start3A_260 = arith.constant 0 : i32
        %dma_start3A_261 = arith.constant 0 : i32
        %dma_start3A_262 = tpu.memref_slice %arg10[%dma_start3A_260, %dma_start3A_261] : memref<10112x128xf32, #tpu.memory_space<vmem_shared>> -> memref<10112x128xf32, #tpu.memory_space<vmem_shared>>
        tpu.enqueue_indirect_dma source(%dma_start3A_256 : memref<128x128xf32, #tpu.memory_space<vmem>>) target(%dma_start3A_262 : memref<10112x128xf32, #tpu.memory_space<vmem_shared>>) offsets(%dma_start3A_259 : memref<128xi32, #tpu.memory_space<vmem>>) semaphore(%run_scoped3A_252 : memref<!tpu.dma_semaphore, #tpu.memory_space<semaphore_mem>>) {add = true}
        %dma_wait3A_263 = arith.constant 0 : i32
        %dma_wait3A_264 = arith.constant 0 : i32
        %dma_wait3A_265 = tpu.memref_slice %arg9[%run_scoped3A_249, %dma_wait3A_263, %dma_wait3A_264] : memref<2x128x128xf32, #tpu.memory_space<vmem>> -> memref<1x128x128xf32, #tpu.memory_space<vmem>>
        %dma_wait3A_266 = tpu.memref_squeeze %dma_wait3A_265 : memref<1x128x128xf32, #tpu.memory_space<vmem>> -> memref<128x128xf32, #tpu.memory_space<vmem>>
        %dma_wait3A_267 = arith.constant 0 : i32
        %dma_wait3A_268 = tpu.memref_slice %arg8[%run_scoped3A_250, %dma_wait3A_267] : memref<8x128xi32, #tpu.memory_space<vmem>> -> memref<1x128xi32, #tpu.memory_space<vmem>>
        %dma_wait3A_269 = tpu.memref_squeeze %dma_wait3A_268 : memref<1x128xi32, #tpu.memory_space<vmem>> -> memref<128xi32, #tpu.memory_space<vmem>>
        %dma_wait3A_270 = arith.constant 0 : i32
        %dma_wait3A_271 = arith.constant 0 : i32
        %dma_wait3A_272 = tpu.memref_slice %arg10[%dma_wait3A_270, %dma_wait3A_271] : memref<10112x128xf32, #tpu.memory_space<vmem_shared>> -> memref<10112x128xf32, #tpu.memory_space<vmem_shared>>
        tpu.wait_indirect_dma semaphore(%run_scoped3A_252 : memref<!tpu.dma_semaphore, #tpu.memory_space<semaphore_mem>>) src(%dma_wait3A_266 : memref<128x128xf32, #tpu.memory_space<vmem>>) dst(%dma_wait3A_272 : memref<10112x128xf32, #tpu.memory_space<vmem_shared>>)
        tpu.yield
      }) : () -> ()
      %while3A_251 = arith.constant 0 : i32
      scf.yield %while3A_251 : i32
    }
    %gt3A = arith.constant 0 : i32
    %gt3A_22 = arith.cmpi sgt, %select_n3A_10, %gt3A : i32
    %convert_element_type3A = arith.extui %gt3A_22 : i1 to i32
    %cond3A = arith.constant 0 : i32
    %cond3A_23 = arith.cmpi ne, %convert_element_type3A, %cond3A : i32
    scf.if %cond3A_23 {
      %dma_wait3A = arith.constant 1 : i32
      %dma_wait3A_29 = arith.constant 0 : i32
      %dma_wait3A_30 = arith.constant 0 : i32
      %dma_wait3A_31 = tpu.memref_slice %arg9[%dma_wait3A, %dma_wait3A_29, %dma_wait3A_30] : memref<2x128x128xf32, #tpu.memory_space<vmem>> -> memref<1x128x128xf32, #tpu.memory_space<vmem>>
      %dma_wait3A_32 = tpu.memref_squeeze %dma_wait3A_31 : memref<1x128x128xf32, #tpu.memory_space<vmem>> -> memref<128x128xf32, #tpu.memory_space<vmem>>
      %dma_wait3A_33 = arith.constant 0 : i32
      %dma_wait3A_34 = arith.constant 0 : i32
      %dma_wait3A_35 = tpu.memref_slice %arg2[%dma_wait3A_33, %dma_wait3A_34] : memref<10112x128xf32, #tpu.memory_space<hbm>> -> memref<128x128xf32, #tpu.memory_space<hbm>>
      %dma_wait3A_36 = arith.constant 0 : i32
      %dma_wait3A_37 = arith.constant 0 : i32
      %dma_wait3A_38 = tpu.memref_slice %arg9[%dma_wait3A, %dma_wait3A_36, %dma_wait3A_37] : memref<2x128x128xf32, #tpu.memory_space<vmem>> -> memref<1x128x128xf32, #tpu.memory_space<vmem>>
      %dma_wait3A_39 = tpu.memref_squeeze %dma_wait3A_38 : memref<1x128x128xf32, #tpu.memory_space<vmem>> -> memref<128x128xf32, #tpu.memory_space<vmem>>
      %dma_wait3A_40 = arith.constant 0 : i32
      %dma_wait3A_41 = arith.constant 0 : i32
      %dma_wait3A_42 = tpu.memref_slice %arg2[%dma_wait3A_40, %dma_wait3A_41] : memref<10112x128xf32, #tpu.memory_space<hbm>> -> memref<128x128xf32, #tpu.memory_space<hbm>>
      tpu.wait_dma2 semaphore(%arg11 : memref<!tpu.dma_semaphore, #tpu.memory_space<semaphore_mem>>) src(%dma_wait3A_42 : memref<128x128xf32, #tpu.memory_space<hbm>>) dst(%dma_wait3A_39 : memref<128x128xf32, #tpu.memory_space<vmem>>)
      %run_scoped3A = arith.constant 1 : i32
      %run_scoped3A_43 = arith.constant 7 : i32
      "tpu.region"() ({
        %run_scoped3A_44 = tpu.sem_alloc : memref<!tpu.dma_semaphore, #tpu.memory_space<semaphore_mem>>
        %dma_start3A = arith.constant 0 : i32
        %dma_start3A_45 = arith.constant 0 : i32
        %dma_start3A_46 = tpu.memref_slice %arg9[%run_scoped3A, %dma_start3A, %dma_start3A_45] : memref<2x128x128xf32, #tpu.memory_space<vmem>> -> memref<1x128x128xf32, #tpu.memory_space<vmem>>
        %dma_start3A_47 = tpu.memref_squeeze %dma_start3A_46 : memref<1x128x128xf32, #tpu.memory_space<vmem>> -> memref<128x128xf32, #tpu.memory_space<vmem>>
        %dma_start3A_48 = arith.constant 0 : i32
        %dma_start3A_49 = tpu.memref_slice %arg8[%run_scoped3A_43, %dma_start3A_48] : memref<8x128xi32, #tpu.memory_space<vmem>> -> memref<1x128xi32, #tpu.memory_space<vmem>>
        %dma_start3A_50 = tpu.memref_squeeze %dma_start3A_49 : memref<1x128xi32, #tpu.memory_space<vmem>> -> memref<128xi32, #tpu.memory_space<vmem>>
        %dma_start3A_51 = arith.constant 0 : i32
        %dma_start3A_52 = arith.constant 0 : i32
        %dma_start3A_53 = tpu.memref_slice %arg10[%dma_start3A_51, %dma_start3A_52] : memref<10112x128xf32, #tpu.memory_space<vmem_shared>> -> memref<10112x128xf32, #tpu.memory_space<vmem_shared>>
        tpu.enqueue_indirect_dma source(%dma_start3A_47 : memref<128x128xf32, #tpu.memory_space<vmem>>) target(%dma_start3A_53 : memref<10112x128xf32, #tpu.memory_space<vmem_shared>>) offsets(%dma_start3A_50 : memref<128xi32, #tpu.memory_space<vmem>>) semaphore(%run_scoped3A_44 : memref<!tpu.dma_semaphore, #tpu.memory_space<semaphore_mem>>) {add = true}
        %dma_wait3A_54 = arith.constant 0 : i32
        %dma_wait3A_55 = arith.constant 0 : i32
        %dma_wait3A_56 = tpu.memref_slice %arg9[%run_scoped3A, %dma_wait3A_54, %dma_wait3A_55] : memref<2x128x128xf32, #tpu.memory_space<vmem>> -> memref<1x128x128xf32, #tpu.memory_space<vmem>>
        %dma_wait3A_57 = tpu.memref_squeeze %dma_wait3A_56 : memref<1x128x128xf32, #tpu.memory_space<vmem>> -> memref<128x128xf32, #tpu.memory_space<vmem>>
        %dma_wait3A_58 = arith.constant 0 : i32
        %dma_wait3A_59 = tpu.memref_slice %arg8[%run_scoped3A_43, %dma_wait3A_58] : memref<8x128xi32, #tpu.memory_space<vmem>> -> memref<1x128xi32, #tpu.memory_space<vmem>>
        %dma_wait3A_60 = tpu.memref_squeeze %dma_wait3A_59 : memref<1x128xi32, #tpu.memory_space<vmem>> -> memref<128xi32, #tpu.memory_space<vmem>>
        %dma_wait3A_61 = arith.constant 0 : i32
        %dma_wait3A_62 = arith.constant 0 : i32
        %dma_wait3A_63 = tpu.memref_slice %arg10[%dma_wait3A_61, %dma_wait3A_62] : memref<10112x128xf32, #tpu.memory_space<vmem_shared>> -> memref<10112x128xf32, #tpu.memory_space<vmem_shared>>
        tpu.wait_indirect_dma semaphore(%run_scoped3A_44 : memref<!tpu.dma_semaphore, #tpu.memory_space<semaphore_mem>>) src(%dma_wait3A_57 : memref<128x128xf32, #tpu.memory_space<vmem>>) dst(%dma_wait3A_63 : memref<10112x128xf32, #tpu.memory_space<vmem_shared>>)
        tpu.yield
      }) : () -> ()
    } else {
    }
    %barrier3A_24 = arith.constant 0 : index
    tpu.barrier barrier_id(%barrier3A_24)
    "tpu.trace_stop"() : () -> ()
    "tpu.trace_start"() <{level = 10 : i32, message = "copy_out"}> : () -> ()
    %mul3A_25 = arith.constant 632 : i32
    %mul3A_26 = arith.muli %arg1, %mul3A_25 : i32
    %mul3A_27 = arith.constant 632 : i32
    %mul3A_28 = arith.muli %arg1, %mul3A_27 : i32
    "tpu.region"() ({
      %run_scoped3A = tpu.sem_alloc : memref<!tpu.dma_semaphore, #tpu.memory_space<semaphore_mem>>
      %dma_start3A = arith.constant 0 : i32
      %dma_start3A_29 = tpu.memref_slice %arg6[%arg0, %mul3A_28, %dma_start3A] : memref<2x10112x128xf32, #tpu.memory_space<hbm>> -> memref<1x632x128xf32, #tpu.memory_space<hbm>>
      %dma_start3A_30 = tpu.memref_squeeze %dma_start3A_29 : memref<1x632x128xf32, #tpu.memory_space<hbm>> -> memref<632x128xf32, #tpu.memory_space<hbm>>
      %dma_start3A_31 = arith.constant 0 : i32
      %dma_start3A_32 = tpu.memref_slice %arg10[%mul3A_26, %dma_start3A_31] : memref<10112x128xf32, #tpu.memory_space<vmem_shared>> -> memref<632x128xf32, #tpu.memory_space<vmem_shared>>
      tpu.enqueue_dma source(%dma_start3A_32 : memref<632x128xf32, #tpu.memory_space<vmem_shared>>) target(%dma_start3A_30 : memref<632x128xf32, #tpu.memory_space<hbm>>) target_semaphore(%run_scoped3A : memref<!tpu.dma_semaphore, #tpu.memory_space<semaphore_mem>>)
      %dma_wait3A = arith.constant 0 : i32
      %dma_wait3A_33 = tpu.memref_slice %arg6[%arg0, %mul3A_28, %dma_wait3A] : memref<2x10112x128xf32, #tpu.memory_space<hbm>> -> memref<1x632x128xf32, #tpu.memory_space<hbm>>
      %dma_wait3A_34 = tpu.memref_squeeze %dma_wait3A_33 : memref<1x632x128xf32, #tpu.memory_space<hbm>> -> memref<632x128xf32, #tpu.memory_space<hbm>>
      %dma_wait3A_35 = arith.constant 0 : i32
      %dma_wait3A_36 = tpu.memref_slice %arg10[%mul3A_26, %dma_wait3A_35] : memref<10112x128xf32, #tpu.memory_space<vmem_shared>> -> memref<632x128xf32, #tpu.memory_space<vmem_shared>>
      tpu.wait_dma2 semaphore(%run_scoped3A : memref<!tpu.dma_semaphore, #tpu.memory_space<semaphore_mem>>) src(%dma_wait3A_36 : memref<632x128xf32, #tpu.memory_space<vmem_shared>>) dst(%dma_wait3A_34 : memref<632x128xf32, #tpu.memory_space<hbm>>)
      tpu.yield
    }) : () -> ()
    "tpu.trace_stop"() : () -> ()
    return
  }
}

module attributes {stable_mosaic.version = 14 : i64} {
  func.func @_mlp_body(%arg0: i32, %arg1: memref<2528x128xf32, #tpu.memory_space<vmem>>, %arg2: memref<2528x128xf32, #tpu.memory_space<vmem>>, %arg3: memref<2528x128xf32, #tpu.memory_space<vmem>>, %arg4: memref<128x128xf32, #tpu.memory_space<vmem>>, %arg5: memref<1x128xf32, #tpu.memory_space<vmem>>, %arg6: memref<128x128xf32, #tpu.memory_space<vmem>>, %arg7: memref<1x128xf32, #tpu.memory_space<vmem>>, %arg8: memref<2528x128xf32, #tpu.memory_space<vmem>>) attributes {dimension_semantics = [#tpu.dimension_semantics<arbitrary>], iteration_bounds = array<i64: 4>, scalar_prefetch = 0 : i64, scratch_operands = 0 : i64, tpu.core_type = #tpu.core_type<tc>, window_params = [{transform_indices = @transform_0, window_bounds = array<i64: 2528, 128>}, {transform_indices = @transform_1, window_bounds = array<i64: 2528, 128>}, {transform_indices = @transform_2, window_bounds = array<i64: 2528, 128>}, {pipeline_mode = #tpu.pipeline_mode<synchronous>, transform_indices = @transform_3, window_bounds = array<i64: 128, 128>}, {pipeline_mode = #tpu.pipeline_mode<synchronous>, transform_indices = @transform_4, window_bounds = array<i64: 1, 128>}, {pipeline_mode = #tpu.pipeline_mode<synchronous>, transform_indices = @transform_5, window_bounds = array<i64: 128, 128>}, {pipeline_mode = #tpu.pipeline_mode<synchronous>, transform_indices = @transform_6, window_bounds = array<i64: 1, 128>}, {transform_indices = @transform_7, window_bounds = array<i64: 2528, 128>}]} {
    %get3A = arith.constant 0 : index
    %get3A_0 = arith.constant 0 : index
    %get3A_1 = vector.load %arg1[%get3A, %get3A_0] : memref<2528x128xf32, #tpu.memory_space<vmem>>, vector<2528x128xf32>
    %get3A_2 = arith.constant 0 : index
    %get3A_3 = arith.constant 0 : index
    %get3A_4 = vector.load %arg2[%get3A_2, %get3A_3] : memref<2528x128xf32, #tpu.memory_space<vmem>>, vector<2528x128xf32>
    %add3A = arith.addf %get3A_1, %get3A_4 : vector<2528x128xf32>
    %get3A_5 = arith.constant 0 : index
    %get3A_6 = arith.constant 0 : index
    %get3A_7 = vector.load %arg3[%get3A_5, %get3A_6] : memref<2528x128xf32, #tpu.memory_space<vmem>>, vector<2528x128xf32>
    %add3A_8 = arith.addf %add3A, %get3A_7 : vector<2528x128xf32>
    %get3A_9 = arith.constant 0 : index
    %get3A_10 = arith.constant 0 : index
    %get3A_11 = vector.load %arg4[%get3A_9, %get3A_10] : memref<128x128xf32, #tpu.memory_space<vmem>>, vector<128x128xf32>
    %dot_general3A = arith.constant dense<0.000000e+00> : vector<2528x128xf32>
    %dot_general3A_12 = tpu.matmul %add3A_8, %get3A_11, %dot_general3A {dimension_numbers = #tpu.dot_dimension_numbers<[1], [0], [0], [1], [0, 0, 1, 1], [], []>, transpose_lhs_hint = false} : vector<2528x128xf32>, vector<128x128xf32>, vector<2528x128xf32> -> vector<2528x128xf32>
    %get3A_13 = arith.constant 0 : index
    %get3A_14 = arith.constant 0 : index
    %get3A_15 = vector.load %arg5[%get3A_13, %get3A_14] : memref<1x128xf32, #tpu.memory_space<vmem>>, vector<1x128xf32>
    %add3A_16 = vector.broadcast %get3A_15 : vector<1x128xf32> to vector<2528x128xf32>
    %add3A_17 = arith.addf %dot_general3A_12, %add3A_16 : vector<2528x128xf32>
    %max3A = arith.constant 0.000000e+00 : f32
    %max3A_18 = vector.broadcast %max3A : f32 to vector<2528x128xf32>
    %max3A_19 = arith.maximumf %add3A_17, %max3A_18 : vector<2528x128xf32>
    %get3A_20 = arith.constant 0 : index
    %get3A_21 = arith.constant 0 : index
    %get3A_22 = vector.load %arg6[%get3A_20, %get3A_21] : memref<128x128xf32, #tpu.memory_space<vmem>>, vector<128x128xf32>
    %dot_general3A_23 = arith.constant dense<0.000000e+00> : vector<2528x128xf32>
    %dot_general3A_24 = tpu.matmul %max3A_19, %get3A_22, %dot_general3A_23 {dimension_numbers = #tpu.dot_dimension_numbers<[1], [0], [0], [1], [0, 0, 1, 1], [], []>, transpose_lhs_hint = false} : vector<2528x128xf32>, vector<128x128xf32>, vector<2528x128xf32> -> vector<2528x128xf32>
    %get3A_25 = arith.constant 0 : index
    %get3A_26 = arith.constant 0 : index
    %get3A_27 = vector.load %arg7[%get3A_25, %get3A_26] : memref<1x128xf32, #tpu.memory_space<vmem>>, vector<1x128xf32>
    %add3A_28 = vector.broadcast %get3A_27 : vector<1x128xf32> to vector<2528x128xf32>
    %add3A_29 = arith.addf %dot_general3A_24, %add3A_28 : vector<2528x128xf32>
    %max3A_30 = arith.constant 0.000000e+00 : f32
    %max3A_31 = vector.broadcast %max3A_30 : f32 to vector<2528x128xf32>
    %max3A_32 = arith.maximumf %add3A_29, %max3A_31 : vector<2528x128xf32>
    %swap3A = arith.constant 0 : index
    %swap3A_33 = arith.constant 0 : index
    %swap3A_34 = vector.load %arg8[%swap3A, %swap3A_33] : memref<2528x128xf32, #tpu.memory_space<vmem>>, vector<2528x128xf32>
    tpu.vector_store %arg8[%swap3A, %swap3A_33], %max3A_32 {strides = array<i32>} : memref<2528x128xf32, #tpu.memory_space<vmem>>, vector<2528x128xf32>,
    return
  }
  func.func @transform_0(%arg0: i32) -> (i32, i32) {
    %c0_i32 = arith.constant 0 : i32
    %c0_i32_0 = arith.constant 0 : i32
    return %arg0, %c0_i32 : i32, i32
  }
  func.func @transform_1(%arg0: i32) -> (i32, i32) {
    %c0_i32 = arith.constant 0 : i32
    %c0_i32_0 = arith.constant 0 : i32
    return %arg0, %c0_i32 : i32, i32
  }
  func.func @transform_2(%arg0: i32) -> (i32, i32) {
    %c0_i32 = arith.constant 0 : i32
    %c0_i32_0 = arith.constant 0 : i32
    return %arg0, %c0_i32 : i32, i32
  }
  func.func @transform_3(%arg0: i32) -> (i32, i32) {
    %c0_i32 = arith.constant 0 : i32
    %c0_i32_0 = arith.constant 0 : i32
    %c0_i32_1 = arith.constant 0 : i32
    return %c0_i32, %c0_i32_0 : i32, i32
  }
  func.func @transform_4(%arg0: i32) -> (i32, i32) {
    %c0_i32 = arith.constant 0 : i32
    %c0_i32_0 = arith.constant 0 : i32
    %c0_i32_1 = arith.constant 0 : i32
    return %c0_i32, %c0_i32_0 : i32, i32
  }
  func.func @transform_5(%arg0: i32) -> (i32, i32) {
    %c0_i32 = arith.constant 0 : i32
    %c0_i32_0 = arith.constant 0 : i32
    %c0_i32_1 = arith.constant 0 : i32
    return %c0_i32, %c0_i32_0 : i32, i32
  }
  func.func @transform_6(%arg0: i32) -> (i32, i32) {
    %c0_i32 = arith.constant 0 : i32
    %c0_i32_0 = arith.constant 0 : i32
    %c0_i32_1 = arith.constant 0 : i32
    return %c0_i32, %c0_i32_0 : i32, i32
  }
  func.func @transform_7(%arg0: i32) -> (i32, i32) {
    %c0_i32 = arith.constant 0 : i32
    %c0_i32_0 = arith.constant 0 : i32
    return %arg0, %c0_i32 : i32, i32
  }
}

module attributes {stable_mosaic.version = 14 : i64} {
  func.func @_mlp2_pool_body(%arg0: i32, %arg1: memref<2528x128xf32, #tpu.memory_space<vmem>>, %arg2: memref<2528x128xf32, #tpu.memory_space<vmem>>, %arg3: memref<2528x128xf32, #tpu.memory_space<vmem>>, %arg4: memref<128x128xf32, #tpu.memory_space<vmem>>, %arg5: memref<1x128xf32, #tpu.memory_space<vmem>>, %arg6: memref<128x128xf32, #tpu.memory_space<vmem>>, %arg7: memref<1x128xf32, #tpu.memory_space<vmem>>, %arg8: memref<2528x1xi32, #tpu.memory_space<vmem>>, %arg9: memref<128x1xf32, #tpu.memory_space<vmem>>, %arg10: memref<1x1xf32, #tpu.memory_space<vmem>>, %arg11: memref<128x1xf32, #tpu.memory_space<vmem>>, %arg12: memref<128x128xf32, #tpu.memory_space<vmem>>, %arg13: memref<128x128xf32, #tpu.memory_space<vmem>>) attributes {dimension_semantics = [#tpu.dimension_semantics<arbitrary>], iteration_bounds = array<i64: 4>, scalar_prefetch = 0 : i64, scratch_operands = 2 : i64, tpu.core_type = #tpu.core_type<tc>, window_params = [{transform_indices = @transform_0, window_bounds = array<i64: 2528, 128>}, {transform_indices = @transform_1, window_bounds = array<i64: 2528, 128>}, {transform_indices = @transform_2, window_bounds = array<i64: 2528, 128>}, {pipeline_mode = #tpu.pipeline_mode<synchronous>, transform_indices = @transform_3, window_bounds = array<i64: 128, 128>}, {pipeline_mode = #tpu.pipeline_mode<synchronous>, transform_indices = @transform_4, window_bounds = array<i64: 1, 128>}, {pipeline_mode = #tpu.pipeline_mode<synchronous>, transform_indices = @transform_5, window_bounds = array<i64: 128, 128>}, {pipeline_mode = #tpu.pipeline_mode<synchronous>, transform_indices = @transform_6, window_bounds = array<i64: 1, 128>}, {transform_indices = @transform_7, window_bounds = array<i64: 2528, 1>}, {pipeline_mode = #tpu.pipeline_mode<synchronous>, transform_indices = @transform_8, window_bounds = array<i64: 128, 1>}, {pipeline_mode = #tpu.pipeline_mode<synchronous>, transform_indices = @transform_9, window_bounds = array<i64: 1, 1>}, {pipeline_mode = #tpu.pipeline_mode<synchronous>, transform_indices = @transform_10, window_bounds = array<i64: 128, 1>}]} {
    %get3A = arith.constant 0 : index
    %get3A_0 = arith.constant 0 : index
    %get3A_1 = vector.load %arg1[%get3A, %get3A_0] : memref<2528x128xf32, #tpu.memory_space<vmem>>, vector<2528x128xf32>
    %get3A_2 = arith.constant 0 : index
    %get3A_3 = arith.constant 0 : index
    %get3A_4 = vector.load %arg2[%get3A_2, %get3A_3] : memref<2528x128xf32, #tpu.memory_space<vmem>>, vector<2528x128xf32>
    %add3A = arith.addf %get3A_1, %get3A_4 : vector<2528x128xf32>
    %get3A_5 = arith.constant 0 : index
    %get3A_6 = arith.constant 0 : index
    %get3A_7 = vector.load %arg3[%get3A_5, %get3A_6] : memref<2528x128xf32, #tpu.memory_space<vmem>>, vector<2528x128xf32>
    %add3A_8 = arith.addf %add3A, %get3A_7 : vector<2528x128xf32>
    %eq3A = arith.constant 0 : i32
    %eq3A_9 = arith.cmpi eq, %arg0, %eq3A : i32
    %convert_element_type3A = arith.extui %eq3A_9 : i1 to i32
    %cond3A = arith.constant 0 : i32
    %cond3A_10 = arith.cmpi ne, %convert_element_type3A, %cond3A : i32
    scf.if %cond3A_10 {
      %broadcast_in_dim3A_65 = arith.constant 0.000000e+00 : f32
      %broadcast_in_dim3A_66 = vector.broadcast %broadcast_in_dim3A_65 : f32 to vector<128x128xf32>
      %swap3A_67 = arith.constant 0 : index
      %swap3A_68 = arith.constant 0 : index
      %swap3A_69 = vector.load %arg12[%swap3A_67, %swap3A_68] : memref<128x128xf32, #tpu.memory_space<vmem>>, vector<128x128xf32>
      tpu.vector_store %arg12[%swap3A_67, %swap3A_68], %broadcast_in_dim3A_66 {strides = array<i32>} : memref<128x128xf32, #tpu.memory_space<vmem>>, vector<128x128xf32>,
      %broadcast_in_dim3A_70 = arith.constant 0.000000e+00 : f32
      %broadcast_in_dim3A_71 = vector.broadcast %broadcast_in_dim3A_70 : f32 to vector<128x128xf32>
      %swap3A_72 = arith.constant 0 : index
      %swap3A_73 = arith.constant 0 : index
      %swap3A_74 = vector.load %arg13[%swap3A_72, %swap3A_73] : memref<128x128xf32, #tpu.memory_space<vmem>>, vector<128x128xf32>
      tpu.vector_store %arg13[%swap3A_72, %swap3A_73], %broadcast_in_dim3A_71 {strides = array<i32>} : memref<128x128xf32, #tpu.memory_space<vmem>>, vector<128x128xf32>,
    } else {
    }
    %get3A_11 = arith.constant 0 : index
    %get3A_12 = arith.constant 0 : index
    %get3A_13 = vector.load %arg4[%get3A_11, %get3A_12] : memref<128x128xf32, #tpu.memory_space<vmem>>, vector<128x128xf32>
    %dot_general3A = arith.constant dense<0.000000e+00> : vector<2528x128xf32>
    %dot_general3A_14 = tpu.matmul %add3A_8, %get3A_13, %dot_general3A {dimension_numbers = #tpu.dot_dimension_numbers<[1], [0], [0], [1], [0, 0, 1, 1], [], []>, transpose_lhs_hint = false} : vector<2528x128xf32>, vector<128x128xf32>, vector<2528x128xf32> -> vector<2528x128xf32>
    %get3A_15 = arith.constant 0 : index
    %get3A_16 = arith.constant 0 : index
    %get3A_17 = vector.load %arg5[%get3A_15, %get3A_16] : memref<1x128xf32, #tpu.memory_space<vmem>>, vector<1x128xf32>
    %add3A_18 = vector.broadcast %get3A_17 : vector<1x128xf32> to vector<2528x128xf32>
    %add3A_19 = arith.addf %dot_general3A_14, %add3A_18 : vector<2528x128xf32>
    %max3A = arith.constant 0.000000e+00 : f32
    %max3A_20 = vector.broadcast %max3A : f32 to vector<2528x128xf32>
    %max3A_21 = arith.maximumf %add3A_19, %max3A_20 : vector<2528x128xf32>
    %get3A_22 = arith.constant 0 : index
    %get3A_23 = arith.constant 0 : index
    %get3A_24 = vector.load %arg6[%get3A_22, %get3A_23] : memref<128x128xf32, #tpu.memory_space<vmem>>, vector<128x128xf32>
    %dot_general3A_25 = arith.constant dense<0.000000e+00> : vector<2528x128xf32>
    %dot_general3A_26 = tpu.matmul %max3A_21, %get3A_24, %dot_general3A_25 {dimension_numbers = #tpu.dot_dimension_numbers<[1], [0], [0], [1], [0, 0, 1, 1], [], []>, transpose_lhs_hint = false} : vector<2528x128xf32>, vector<128x128xf32>, vector<2528x128xf32> -> vector<2528x128xf32>
    %get3A_27 = arith.constant 0 : index
    %get3A_28 = arith.constant 0 : index
    %get3A_29 = vector.load %arg7[%get3A_27, %get3A_28] : memref<1x128xf32, #tpu.memory_space<vmem>>, vector<1x128xf32>
    %add3A_30 = vector.broadcast %get3A_29 : vector<1x128xf32> to vector<2528x128xf32>
    %add3A_31 = arith.addf %dot_general3A_26, %add3A_30 : vector<2528x128xf32>
    %max3A_32 = arith.constant 0.000000e+00 : f32
    %max3A_33 = vector.broadcast %max3A_32 : f32 to vector<2528x128xf32>
    %max3A_34 = arith.maximumf %add3A_31, %max3A_33 : vector<2528x128xf32>
    %get3A_35 = arith.constant 0 : index
    %get3A_36 = arith.constant 0 : index
    %get3A_37 = vector.load %arg8[%get3A_35, %get3A_36] : memref<2528x1xi32, #tpu.memory_space<vmem>>, vector<2528x1xi32>
    %iota3A = tpu.iota {dimensions = array<i32: 1>} : vector<2528x128xi32>
    %eq3A_38 = vector.broadcast %get3A_37 : vector<2528x1xi32> to vector<2528x128xi32>
    %eq3A_39 = arith.cmpi eq, %eq3A_38, %iota3A : vector<2528x128xi32>
    %convert_element_type3A_40 = arith.extui %eq3A_39 : vector<2528x128xi1> to vector<2528x128xi32>
    %convert_element_type3A_41 = arith.sitofp %convert_element_type3A_40 : vector<2528x128xi32> to vector<2528x128xf32>
    %get3A_42 = arith.constant 0 : index
    %get3A_43 = arith.constant 0 : index
    %get3A_44 = vector.load %arg12[%get3A_42, %get3A_43] : memref<128x128xf32, #tpu.memory_space<vmem>>, vector<128x128xf32>
    %dot_general3A_45 = arith.constant dense<0.000000e+00> : vector<128x128xf32>
    %dot_general3A_46 = tpu.matmul %convert_element_type3A_41, %max3A_34, %dot_general3A_45 {dimension_numbers = #tpu.dot_dimension_numbers<[0], [0], [1], [1], [0, 1, 1, 1], [], []>, transpose_lhs_hint = false} : vector<2528x128xf32>, vector<2528x128xf32>, vector<128x128xf32> -> vector<128x128xf32>
    %add3A_47 = arith.addf %get3A_44, %dot_general3A_46 : vector<128x128xf32>
    %swap3A = arith.constant 0 : index
    %swap3A_48 = arith.constant 0 : index
    %swap3A_49 = vector.load %arg12[%swap3A, %swap3A_48] : memref<128x128xf32, #tpu.memory_space<vmem>>, vector<128x128xf32>
    tpu.vector_store %arg12[%swap3A, %swap3A_48], %add3A_47 {strides = array<i32>} : memref<128x128xf32, #tpu.memory_space<vmem>>, vector<128x128xf32>,
    %get3A_50 = arith.constant 0 : index
    %get3A_51 = arith.constant 0 : index
    %get3A_52 = vector.load %arg13[%get3A_50, %get3A_51] : memref<128x128xf32, #tpu.memory_space<vmem>>, vector<128x128xf32>
    %broadcast_in_dim3A = arith.constant 1.000000e+00 : f32
    %broadcast_in_dim3A_53 = vector.broadcast %broadcast_in_dim3A : f32 to vector<2528x128xf32>
    %dot_general3A_54 = arith.constant dense<0.000000e+00> : vector<128x128xf32>
    %dot_general3A_55 = tpu.matmul %convert_element_type3A_41, %broadcast_in_dim3A_53, %dot_general3A_54 {dimension_numbers = #tpu.dot_dimension_numbers<[0], [0], [1], [1], [0, 1, 1, 1], [], []>, transpose_lhs_hint = false} : vector<2528x128xf32>, vector<2528x128xf32>, vector<128x128xf32> -> vector<128x128xf32>
    %add3A_56 = arith.addf %get3A_52, %dot_general3A_55 : vector<128x128xf32>
    %swap3A_57 = arith.constant 0 : index
    %swap3A_58 = arith.constant 0 : index
    %swap3A_59 = vector.load %arg13[%swap3A_57, %swap3A_58] : memref<128x128xf32, #tpu.memory_space<vmem>>, vector<128x128xf32>
    tpu.vector_store %arg13[%swap3A_57, %swap3A_58], %add3A_56 {strides = array<i32>} : memref<128x128xf32, #tpu.memory_space<vmem>>, vector<128x128xf32>,
    %eq3A_60 = arith.constant 3 : i32
    %eq3A_61 = arith.cmpi eq, %arg0, %eq3A_60 : i32
    %convert_element_type3A_62 = arith.extui %eq3A_61 : i1 to i32
    %cond3A_63 = arith.constant 0 : i32
    %cond3A_64 = arith.cmpi ne, %convert_element_type3A_62, %cond3A_63 : i32
    scf.if %cond3A_64 {
      %get3A_65 = arith.constant 0 : index
      %get3A_66 = arith.constant 0 : index
      %get3A_67 = vector.load %arg12[%get3A_65, %get3A_66] : memref<128x128xf32, #tpu.memory_space<vmem>>, vector<128x128xf32>
      %get3A_68 = arith.constant 0 : index
      %get3A_69 = arith.constant 0 : index
      %get3A_70 = vector.load %arg13[%get3A_68, %get3A_69] : memref<128x128xf32, #tpu.memory_space<vmem>>, vector<128x128xf32>
      %max3A_71 = arith.constant 1.000000e+00 : f32
      %max3A_72 = vector.broadcast %max3A_71 : f32 to vector<128x128xf32>
      %max3A_73 = arith.maximumf %get3A_70, %max3A_72 : vector<128x128xf32>
      %div3A = arith.divf %get3A_67, %max3A_73 : vector<128x128xf32>
      %get3A_74 = arith.constant 0 : index
      %get3A_75 = arith.constant 0 : index
      %get3A_76 = vector.load %arg9[%get3A_74, %get3A_75] : memref<128x1xf32, #tpu.memory_space<vmem>>, vector<128x1xf32>
      %dot_general3A_77 = arith.constant dense<0.000000e+00> : vector<128x1xf32>
      %dot_general3A_78 = tpu.matmul %div3A, %get3A_76, %dot_general3A_77 {dimension_numbers = #tpu.dot_dimension_numbers<[1], [0], [0], [1], [0, 0, 1, 1], [], []>, transpose_lhs_hint = false} : vector<128x128xf32>, vector<128x1xf32>, vector<128x1xf32> -> vector<128x1xf32>
      %get3A_79 = arith.constant 0 : index
      %get3A_80 = arith.constant 0 : index
      %get3A_81 = vector.load %arg10[%get3A_79, %get3A_80] : memref<1x1xf32, #tpu.memory_space<vmem>>, vector<1x1xf32>
      %add3A_82 = vector.broadcast %get3A_81 : vector<1x1xf32> to vector<128x1xf32>
      %add3A_83 = arith.addf %dot_general3A_78, %add3A_82 : vector<128x1xf32>
      %swap3A_84 = arith.constant 0 : index
      %swap3A_85 = arith.constant 0 : index
      %swap3A_86 = vector.load %arg11[%swap3A_84, %swap3A_85] : memref<128x1xf32, #tpu.memory_space<vmem>>, vector<128x1xf32>
      tpu.vector_store %arg11[%swap3A_84, %swap3A_85], %add3A_83 {strides = array<i32>} : memref<128x1xf32, #tpu.memory_space<vmem>>, vector<128x1xf32>,
    } else {
    }
    return
  }
  func.func @transform_0(%arg0: i32) -> (i32, i32) {
    %c0_i32 = arith.constant 0 : i32
    %c0_i32_0 = arith.constant 0 : i32
    return %arg0, %c0_i32 : i32, i32
  }
  func.func @transform_1(%arg0: i32) -> (i32, i32) {
    %c0_i32 = arith.constant 0 : i32
    %c0_i32_0 = arith.constant 0 : i32
    return %arg0, %c0_i32 : i32, i32
  }
  func.func @transform_2(%arg0: i32) -> (i32, i32) {
    %c0_i32 = arith.constant 0 : i32
    %c0_i32_0 = arith.constant 0 : i32
    return %arg0, %c0_i32 : i32, i32
  }
  func.func @transform_3(%arg0: i32) -> (i32, i32) {
    %c0_i32 = arith.constant 0 : i32
    %c0_i32_0 = arith.constant 0 : i32
    %c0_i32_1 = arith.constant 0 : i32
    return %c0_i32, %c0_i32_0 : i32, i32
  }
  func.func @transform_4(%arg0: i32) -> (i32, i32) {
    %c0_i32 = arith.constant 0 : i32
    %c0_i32_0 = arith.constant 0 : i32
    %c0_i32_1 = arith.constant 0 : i32
    return %c0_i32, %c0_i32_0 : i32, i32
  }
  func.func @transform_5(%arg0: i32) -> (i32, i32) {
    %c0_i32 = arith.constant 0 : i32
    %c0_i32_0 = arith.constant 0 : i32
    %c0_i32_1 = arith.constant 0 : i32
    return %c0_i32, %c0_i32_0 : i32, i32
  }
  func.func @transform_6(%arg0: i32) -> (i32, i32) {
    %c0_i32 = arith.constant 0 : i32
    %c0_i32_0 = arith.constant 0 : i32
    %c0_i32_1 = arith.constant 0 : i32
    return %c0_i32, %c0_i32_0 : i32, i32
  }
  func.func @transform_7(%arg0: i32) -> (i32, i32) {
    %c0_i32 = arith.constant 0 : i32
    %c0_i32_0 = arith.constant 0 : i32
    return %arg0, %c0_i32 : i32, i32
  }
  func.func @transform_8(%arg0: i32) -> (i32, i32) {
    %c0_i32 = arith.constant 0 : i32
    %c0_i32_0 = arith.constant 0 : i32
    %c0_i32_1 = arith.constant 0 : i32
    return %c0_i32, %c0_i32_0 : i32, i32
  }
  func.func @transform_9(%arg0: i32) -> (i32, i32) {
    %c0_i32 = arith.constant 0 : i32
    %c0_i32_0 = arith.constant 0 : i32
    %c0_i32_1 = arith.constant 0 : i32
    return %c0_i32, %c0_i32_0 : i32, i32
  }
  func.func @transform_10(%arg0: i32) -> (i32, i32) {
    %c0_i32 = arith.constant 0 : i32
    %c0_i32_0 = arith.constant 0 : i32
    %c0_i32_1 = arith.constant 0 : i32
    return %c0_i32, %c0_i32_0 : i32, i32
  }
}

</mosaic_0001>

<sc_bundles>
// kernel: kernel.6.cloned.1.call-start
scs
__scs_entry_jumppad:
0x0: {  	(pc) =	sbr.rel $0x88, $3  }
0x1: {  	(tag) =	ssettag $0x0;
	lr =	simm.s32 $0x1  }
0x2: {  	[smem:$0x3F94] =	sst lr;
	_ =	strace $0xD0000000  }
0x3: {  	_ = 	snop  }
0x4: {  	_ = 	snop  }
0x5: {  	_ = 	snop  }
0x6: {  	_ = 	snop  }
0x7: {  	_ = 	snop  }
__scs_overlays_trampoline_lowered:
0x8: {  	[smem:$0x3FA3] =	sst s0  }
0x9: {  	[smem:$0x3FA4] =	sst s1  }
0xa: {  	[smem:$0x3FA5] =	sst s2  }
0xb: {  	[smem:$0x3FA6] =	sst s3  }
0xc: {  	[smem:$0x3FA7] =	sst s4  }
0xd: {  	[smem:$0x3FA8] =	sst s5  }
0xe: {  	[smem:$0x3FA9] =	sst s6  }
0xf: {  	[smem:$0x3FAA] =	sst s7  }
0x10: {  	[smem:$0x3FAB] =	sst s8  }
0x11: {  	[smem:$0x3FAC] =	sst s9;
	s0 =	simm.s32 @!p0 $0x0  }
0x12: {  	s1 =	sld [smem:$0x3F92];
	s0 =	simm.s32 @p0 $0x1  }
0x13: {  	[smem:$0x3FAD] =	sst s0;
	s0 =	simm.s32 @!p1 $0x0  }
0x14: {  	s2 =	sld [smem:$0x3F91];
	s0 =	simm.s32 @p1 $0x1  }
0x15: {  	[smem:$0x3FAE] =	sst s0;
	s0 =	simm.s32 @!p2 $0x0  }
0x16: {  	s3 =	sld [smem:$0x3FDB];
	s0 =	simm.s32 @p2 $0x1  }
0x17: {  	s4 =	simm.s32 $0x1BF5;
	[smem:$0x3FB0] =	sst s0  }
0x18: {  	s0 =	sld [smem:$0x3F93];
	_ =	swait.ge [sflag:s4], $0x0  }
0x19: {  	s7 =	sld [smem:$0x3F94]  }
0x1a: {  	s8 =	sadd.s32 $0xFFFFE003, lr  }
0x1b: {  	s9 =	sadd.s32 $0xFFFFFEF7, lr;
	s5 =	simm.s32 $0xFFFFFFFF;
	p2 =	slt.u32 s8, $0xFFFFF086  }
0x1c: {  	p1 =	slt.u32 s9, $0xF7A;
	s5 =	simm.s32 @!p2 $0x0  }
0x1d: {  	s5 =	simm.s32 @p1 $0x1;
	p0 =	seq.s32 s7, s2  }
0x1e: {  	s7 =	smul.u32 @!p0 $0xF7A, s2;
	p2 =	seq.s32 @!p0 s5, $0x0  }
0x1f: {  	s9 =	smul.u32 $0xF7A, s1;
	s8 =	simm.s32 @!p0 $0x1BF5;
	p2 =	por !p2, p0  }
0x20: {  	[sflag:s8] =	ssyncset.s32 @!p0 $0xFFFFF086;
	s6 =	sadd.s32 @!p0 s3, s7;
	s7 =	simm.s32 @!p0 $0x108  }
0x21: {  	s3 =	sadd.s32 s3, s9;
	s6 =	sadd.s32 @!p0 $0x88, s6;
	s7 =	simm.s32 @p2 $0x1082  }
0x22: {  	[simem:s7], [sflag:s8] =	dma.local @!p0 [hbm:s6], $0xF7A  }
0x23: {  	s9 =	sor.u32 $0xD0000000, s2;
	s6 =	simm.s32 $0x108;
	_ =	swait.ge @!p0 [sflag:s8], $0x0  }
0x24: {  	s3 =	sadd.s32 $0x88, s3;
	s6 =	simm.s32 @!p1 $0x1082;
	[sflag:s4] =	ssyncset.s32 $0xFFFFF086  }
0x25: {  	[simem:s6], [sflag:s4] =	dma.local [hbm:s3], $0xF7A  }
0x26: {  	[smem:$0x3F94] =	sst s1;
	(tag) =	ssettag s2;
	_ =	strace s9  }
0x27: {  	s1 =	sld [smem:$0x3FA4]  }
0x28: {  	s2 =	sld [smem:$0x3FA5]  }
0x29: {  	s4 =	sld [smem:$0x3FA7]  }
0x2a: {  	p0 =	seq.s32 s5, $0x0;
	s5 =	sld [smem:$0x3FA8]  }
0x2b: {  	s6 =	sld [smem:$0x3FA9]  }
0x2c: {  	s7 =	sld [smem:$0x3FAA]  }
0x2d: {  	s3 =	simm.s32 $0x108;
	s8 =	sld [smem:$0x3FAB]  }
0x2e: {  	s3 =	simm.s32 @!p0 $0x1082;
	s9 =	sld [smem:$0x3FAC]  }
0x2f: {  	lr =	sadd.s32 s0, s3;
	s0 =	sld [smem:$0x3FA3]  }
0x30: {  	s3 =	sld [smem:$0x3FA6]  }
0x31: {  	[smem:$0x3FAF] =	sst s10  }
0x32: {  	s10 =	sld [smem:$0x3FAD];
	_ =	sdelay $0x3  }
0x33: {  	p0 =	seq.s32 s10, $0x1;
	s10 =	sld [smem:$0x3FAF];
	_ =	sdelay $0x3  }
0x34: {  	[smem:$0x3FAF] =	sst s10  }
0x35: {  	s10 =	sld [smem:$0x3FAE];
	_ =	sdelay $0x3  }
0x36: {  	p1 =	seq.s32 s10, $0x1;
	s10 =	sld [smem:$0x3FAF];
	_ =	sdelay $0x3  }
0x37: {  	[smem:$0x3FAF] =	sst s10  }
0x38: {  	s10 =	sld [smem:$0x3FB0]  }
0x39: {  	_ = 	snop;
	(pc) =	sbr.ind lr, $3  }
0x3a: {  	_ = 	snop  }
0x3b: {  	_ = 	snop  }
0x3c: {  	p2 =	seq.s32 s10, $0x1;
	s10 =	sld [smem:$0x3FAF]  }
0x3d: {  	_ =	shalt  }
0x3e: {  	_ =	shalt  }
0x3f: {  	_ =	shalt  }
0x40: {  	_ =	shalt  }
0x41: {  	_ =	shalt  }
0x42: {  	_ =	shalt  }
0x43: {  	_ =	shalt  }
0x44: {  	_ =	shalt  }
0x45: {  	_ =	shalt  }
0x46: {  	_ =	shalt  }
0x47: {  	_ =	shalt  }
0x48: {  	_ =	shalt  }
0x49: {  	_ =	shalt  }
0x4a: {  	_ =	shalt  }
0x4b: {  	_ =	shalt  }
0x4c: {  	_ =	shalt  }
0x4d: {  	_ =	shalt  }
0x4e: {  	_ =	shalt  }
0x4f: {  	_ =	shalt  }
0x50: {  	_ =	shalt  }
0x51: {  	_ =	shalt  }
0x52: {  	_ =	shalt  }
0x53: {  	_ =	shalt  }
0x54: {  	_ =	shalt  }
0x55: {  	_ =	shalt  }
0x56: {  	_ =	shalt  }
0x57: {  	_ =	shalt  }
0x58: {  	_ =	shalt  }
0x59: {  	_ =	shalt  }
0x5a: {  	_ =	shalt  }
0x5b: {  	_ =	shalt  }
0x5c: {  	_ =	shalt  }
0x5d: {  	_ =	shalt  }
0x5e: {  	_ =	shalt  }
0x5f: {  	_ =	shalt  }
0x60: {  	_ =	shalt  }
0x61: {  	_ =	shalt  }
0x62: {  	_ =	shalt  }
0x63: {  	_ =	shalt  }
0x64: {  	_ =	shalt  }
0x65: {  	_ =	shalt  }
0x66: {  	_ =	shalt  }
0x67: {  	_ =	shalt  }
0x68: {  	_ =	shalt  }
0x69: {  	_ =	shalt  }
0x6a: {  	_ =	shalt  }
0x6b: {  	_ =	shalt  }
0x6c: {  	_ =	shalt  }
0x6d: {  	_ =	shalt  }
0x6e: {  	_ =	shalt  }
0x6f: {  	_ =	shalt  }
0x70: {  	_ =	shalt  }
0x71: {  	_ =	shalt  }
0x72: {  	_ =	shalt  }
0x73: {  	_ =	shalt  }
0x74: {  	_ =	shalt  }
0x75: {  	_ =	shalt  }
0x76: {  	_ =	shalt  }
0x77: {  	_ =	shalt  }
0x78: {  	_ =	shalt  }
0x79: {  	_ =	shalt  }
0x7a: {  	_ =	shalt  }
0x7b: {  	_ =	shalt  }
0x7c: {  	_ =	shalt  }
0x7d: {  	_ =	shalt  }
0x7e: {  	_ =	shalt  }
0x7f: {  	_ =	shalt  }
0x80: {  	_ =	shalt  }
0x81: {  	_ =	shalt  }
0x82: {  	_ =	shalt  }
0x83: {  	_ =	shalt  }
0x84: {  	_ =	shalt  }
0x85: {  	_ =	shalt  }
0x86: {  	_ =	shalt  }
0x87: {  	_ =	shalt  }
.Lfunc_end0:
.L_simem_size_0:
called_computation_lowered:
.L_overlay_start_0:
0x88: {  	s2 =	sld [smem:$0x3FD9]  }
0x89: {  	s3 =	sld [smem:$0x3FFE];
	_ =	sdelay $0x1  }
0x8a: {  	s1 =	srdreg.scid  }
0x8b: {  	s0 =	sand.u32 $0x1, s1  }
0x8c: {  	s16 =	sshll.u32 s0, $0xA;
	s2 =	sadd.s32 s3, s2  }
0x8d: {  	s2 =	sadd.s32 s2, s16  }
0x8e: {  	[smem:$0x3FBB] =	sst s2  }
0x8f: {  	_ = 	snop  }
0x90: {  	(tm) =	ssettm $0x1  }
0x91: {  	s17 =	sld [smem:$0x3FFB];
	_ =	sdelay $0x3  }
0x92: {  	_ =	strace s17  }
0x93: {  	s2 =	sld [smem:$0x3FFC];
	_ =	sdelay $0x3  }
0x94: {  	_ =	strace s2  }
0x95: {  	s2 =	sld [smem:$0x3FFD];
	_ =	sdelay $0x3  }
0x96: {  	_ =	strace s2  }
0x97: {  	_ =	strace $0x8FFFFFFF  }
0x98: {  	s18 =	sld [smem:$0x3FDB];
	_ =	sdelay $0x1  }
0x99: {  	s19 =	simm.s32 $_scs_section_size  }
0x9a: {  	s4 =	simm.s32 $_size__tile_overlayer_lowered;
	s5 =	simm.s32 $_tile_overlayer_lowered  }
0x9b: {  	s22 =	simm.s32 $0x1BFF;
	s21 =	sshll.u32 s5, $0x1;
	s2 =	sadd.s32 s19, s18  }
0x9c: {  	s6 =	simm.s32 $0x0;
	s20 =	sshll.u32 s4, $0x1;
	s4 =	sadd.s32 s21, s2  }
0x9d: {  	[timem:s6], [sflag:s22] =	dma.local [hbm:s4], s20  }
0x9e: {  	_ =	swait.ge [sflag:s22], s20  }
0x9f: {  	s3 =	ssub.s32 $0x0, s20;
	[sflag:s22] =	ssyncset.done $0x0  }
0xa0: {  	[sflag:s22] =	ssyncadd.s32 s3;
	_ =	sdelay $0x1  }
0xa1: {  	s23 =	simm.s32 $0x1B8B  }
0xa2: {  	_ =	swait.ge [sflag:s23], $0x1  }
0xa3: {  	[sflag:s23] =	ssyncset.done $0x0  }
0xa4: {  	s25 =	simm.s32 $0x1B8E;
	s24 =	sld [smem:$0x3FFE];
	[sflag:s23] =	ssyncadd.s32 $0xFFFFFFFF  }
0xa5: {  	s26 =	simm.s32 $execute0_lowered;
	[smem:$0x3FD2] =	sst s25  }
0xa6: {  	s4 =	sshll.u32 s26, $0x1;
	_ =	strace $0x80000046;
	[dreg:$0x1] =	wrdreg $0xFFFFFFFF  }
0xa7: {  	s28 =	simm.s32 $_size_execute0_lowered;
	s2 =	sadd.s32 s2, s4;
	[dreg:$0x0] =	wrdreg $0x0  }
0xa8: {  	s4 =	sshll.u32 s28, $0x1;
	[dreg:$0x2] =	wrdreg s2  }
0xa9: {  	[dreg:$0x3] =	wrdreg s4  }
0xaa: {  	[dreg:$0x4] =	wrdreg $0xC0  }
0xab: {  	_ =	task [dreg:s6], $0x5FFFF  }
0xac: {  	[dreg:$0x1] =	wrdreg $0xFFFFFFFF  }
0xad: {  	[dreg:$0x0] =	wrdreg $0x60  }
0xae: {  	[dreg:$0x2] =	wrdreg s24  }
0xaf: {  	[dreg:$0x3] =	wrdreg $0x88000  }
0xb0: {  	[dreg:$0x4] =	wrdreg $0x9  }
0xb1: {  	_ =	task.clear_ibuf [dreg:s6], $0x5FFFF;
	_ =	strace $0x90000046  }
0xb2: {  	s29 =	simm.s32 $0x9;
	_ =	strace $0x8000004B  }
0xb3: {  	_ =	swait.ge [sflag:s29], $0x1  }
0xb4: {  	[sflag:s29] =	ssyncadd.s32 $0xFFFFFFFF  }
0xb5: {  	_ =	strace $0x9000004B  }
0xb6: {  	_ =	sfence  }
0xb7: {  	s30 =	sld [smem:$0x0];
	_ =	sdelay $0x2  }
0xb8: {  	s31 =	sshll.u32 s1, $0xD;
	s1 =	sshrl.u32 s1, $0x2  }
0xb9: {  	s3 =	sand.u32 $0x4000, s31;
	s1 =	sadd.s32 s1, s30  }
0xba: {  	s0 =	sor.u32 s3, s0;
	s1 =	sshll.u32 s1, $0x11  }
0xbb: {  	s0 =	sor.u32 s1, s0  }
0xbc: {  	s0 =	sadd.s32 $0x8F2B, s0  }
0xbd: {  	[sflag:s0] =	ssyncadd.remote.s32 $0x1  }
0xbe: {  	_ =	sfence.sel $0xFFFF  }
0xbf: {  	[dreg:$0x0] =	wrdreg $0xFFFFFFFF;
	(pc) =	sbr.abs _section_cstart, $3  }
0xc0: {  	[dreg:$0x1] =	wrdreg $0xFFFFFFFF  }
0xc1: {  	_ =	task.clear_ibuf [dreg:s6], $0x2FFFF;
	_ =	strace $0x9FFFFFFF  }
0xc2: {  	(tm) =	ssettm $0x7FFFFFFF  }
0xc3: {  	_ =	shalt  }
tec
execute0_lowered:
.L_overlay_start_1:
0x0: {  	(tag) =	ssettag $0x1  }
0x1: {  	s0 =	rddreg [dreg:$0x0]  }
0x2: {  	s2 =	rddreg [dreg:$0x1]  }
0x3: {  	s11 =	stileid.u32;
	s3 =	simm.s32 $0x0;
	s1 =	srdreg.scid  }
0x4: {  	s13 =	simm.s32 $0x2;
	s14 =	simm.s32 $0x400;
	s15 =	simm.s32 $0x80  }
0x5: {  	s16 =	simm.s32 $0x800;
	s17 =	simm.s32 $0x4800;
	s18 =	simm.s32 $0x1  }
0x6: {  	s19 =	simm.s32 $0x100;
	s20 =	simm.s32 $0x480;
	s4 =	smul.u32 $0x38, s11  }
0x7: {  	s21 =	simm.s32 $0x180;
	s28 =	simm.s32 $0x300;
	s5 =	smul.u32 $0x68, s11  }
0x8: {  	s29 =	simm.s32 $0x380;
	s30 =	simm.s32 $0x700;
	s22 =	smul.u32 $0x13C00, s11  }
0x9: {  	[smem:$0x7FF] =	sst s3;
	s1 =	sand.u32 $0x1, s1;
	s23 =	smul.u32 $0x4F000, s11  }
0xa: {  	s24 =	sadd.s32 $0x3E600, s0;
	s31 =	sshll.u32 s11, $0x6;
	p0 =	seq.s32 s1, $0x0  }
0xb: {  	s6 =	smul.u32 $0x13C000, s1;
	_ =	strace $0x80000047;
	s1 =	ssub.s32 $0x2, s1  }
0xc: {  	[dreg:$0x4] =	wrdreg s24;
	s11 =	sor.u32 $0x1C02, s31;
	s24 =	simm.s32 $0x580  }
0xd: {  	s4 =	sadd.s32 $0x680, s4;
	s25 =	sshrl.u32 s1, $0x1;
	s26 =	sshrl.u32 s23, $0x2  }
0xe: {  	s23 =	simm.s32 $0x200;
	s4 =	smov.u32 @p0 s5;
	s5 =	sadd.s32 s22, s6  }
0xf: {  	s1 =	ssub.s32 s1, s25;
	s12 =	sadd.s32 s26, s2;
	s22 =	simm.s32 $0x500  }
0x10: {  	s25 =	simm.s32 $0x280;
	s26 =	simm.s32 $0x600;
	s7 =	sshll.u32 s4, $0x4  }
0x11: {  	s4 =	sadd.s32 $0x16E00, s0;
	s6 =	sshrl.u32 s5, $0x3;
	s8 =	smax.u32 s1, $0x1  }
0x12: {  	s12 =	sshrl.u32 s12, $0x3;
	s10 =	sadd.s32 s7, s0;
	s7 =	simm.s32 $0x680  }
0x13: {  	s0 =	sadd.s32 s6, s0;
	s6 =	simm.s32 $0x680;
	s7 =	simm.s32 @!p0 $0x380  }
0x14: {  	s0 =	sadd.s32 $0x40E00, s0;
	s9 =	sadd.s32 $0x2E00, s10;
	[dreg:$0x3] =	wrdreg s7  }
0x15: {  	s10 =	sadd.s32 $0xCE00, s10;
	[dreg:$0x5] =	wrdreg s0;
	s0 =	simm.s32 $0x0  }
.LBB2_1:
0x16: {  	_ =	strace $0x80000048  }
0x17: {  	s1 =	rddreg [dreg:$0x4]  }
0x18: {  	[spmem:s12], [sflag:s11] =	dma.local [hbm:s1], $0x2780  }
0x19: {  	_ =	swait.ge [sflag:s13], $0x2780  }
0x1a: {  	[sflag:s13] =	ssyncset.done $0x0  }
0x1b: {  	[sflag:s13] =	ssyncadd.s32 $0xFFFFD880  }
0x1c: {  	[bflag:$0x0] =	sbarrier.arrive $0xFFFF  }
0x1d: {  	_ =	strace $0x90000048  }
0x1e: {  	s1 =	simm.s32 $0x0;
	_ =	strace $0x80000049  }
.LBB2_2:
0x1f: {  	p0 =	seq.s32 s1, $0x0  }
0x20: {  	s31 =	simm.s32 @!p0 $0x1  }
0x21: {  	_ =	swait.ge @!p0 [sflag:s31], $0x4000  }
0x22: {  	s5 =	simm.s32 @!p0 $0x780;
	[sflag:s31] =	ssyncset.done @!p0 $0x0  }
0x23: {  	s7 =	simm.s32 @!p0 $0x4800;
	[sflag:s31] =	ssyncadd.s32 @!p0 $0xFFFFC000;
	s31 =	simm.s32 @!p0 $0x80  }
0x24: {  	[spmem:s2] =	stream.indirect.scatter.add.f32 @!p0 [tilespmem:s7], [sflag:$0x2], $0x80, s5, s31, $0x2000b8;
	[tilespmem:$0x1C400] =	vst v63  }
0x25: {  	s5 =	simm.s32 @!p0 $0x2  }
0x26: {  	_ =	swait.ge @!p0 [sflag:s5], $0x4000  }
0x27: {  	[sflag:s5] =	ssyncset.done @!p0 $0x0  }
0x28: {  	s31 =	sadd.s32 s1, s10;
	[sflag:s5] =	ssyncadd.s32 @!p0 $0xFFFFC000  }
0x29: {  	[tilespmem:s3], [sflag:$0x2] =	stream.linear.gather [hbm4b:s31+s3], $0x400, $0x200038;
	[tilespmem:$0x1C400] =	vst v63  }
0x2a: {  	_ =	swait.ge [sflag:s13], $0x400  }
0x2b: {  	[sflag:s13] =	ssyncset.done $0x0  }
0x2c: {  	s7 =	sadd.s32 s1, s9;
	[sflag:s13] =	ssyncadd.s32 $0xFFFFFC00  }
0x2d: {  	[tilespmem:s14], [sflag:$0x2] =	stream.linear.gather [hbm4b:s7+s3], $0x400, $0x200038;
	[tilespmem:$0x1C400] =	vst v63  }
0x2e: {  	_ =	swait.ge [sflag:s13], $0x400  }
0x2f: {  	[sflag:s13] =	ssyncset.done $0x0  }
0x30: {  	[sflag:s13] =	ssyncadd.s32 $0xFFFFFC00  }
0x31: {  	[tilespmem:s16], [sflag:$0x1] =	stream.indirect.gather [hbm4b:s4+s15], $0x80, s3, s15, $0x2000b8;
	[tilespmem:$0x1C400] =	vst v63  }
0x32: {  	_ = 	snop  }
0x33: {  	[tilespmem:s17], [sflag:$0x1] =	stream.indirect.gather [hbm4b:s4+s15], $0x80, s15, s15, $0x2000b8;
	[tilespmem:$0x1C400] =	vst v63  }
0x34: {  	_ =	swait.ge [sflag:s18], $0x4000  }
0x35: {  	[sflag:s18] =	ssyncset.done $0x0  }
0x36: {  	[sflag:s18] =	ssyncadd.s32 $0xFFFFC000  }
0x37: {  	[spmem:s2] =	stream.indirect.scatter.add.f32 [tilespmem:s16], [sflag:$0x2], $0x80, s14, s15, $0x2000b8;
	[tilespmem:$0x1C400] =	vst v63  }
0x38: {  	_ =	swait.ge [sflag:s13], $0x4000  }
0x39: {  	[sflag:s13] =	ssyncset.done $0x0  }
0x3a: {  	[sflag:s13] =	ssyncadd.s32 $0xFFFFC000  }
0x3b: {  	[tilespmem:s16], [sflag:$0x1] =	stream.indirect.gather [hbm4b:s4+s15], $0x80, s19, s15, $0x2000b8;
	[tilespmem:$0x1C400] =	vst v63  }
0x3c: {  	_ =	swait.ge [sflag:s18], $0x4000  }
0x3d: {  	[sflag:s18] =	ssyncset.done $0x0  }
0x3e: {  	[sflag:s18] =	ssyncadd.s32 $0xFFFFC000  }
0x3f: {  	[spmem:s2] =	stream.indirect.scatter.add.f32 [tilespmem:s17], [sflag:$0x2], $0x80, s20, s15, $0x2000b8;
	[tilespmem:$0x1C400] =	vst v63  }
0x40: {  	_ =	swait.ge [sflag:s13], $0x4000  }
0x41: {  	[sflag:s13] =	ssyncset.done $0x0  }
0x42: {  	[sflag:s13] =	ssyncadd.s32 $0xFFFFC000  }
0x43: {  	[tilespmem:s17], [sflag:$0x1] =	stream.indirect.gather [hbm4b:s4+s15], $0x80, s21, s15, $0x2000b8;
	[tilespmem:$0x1C400] =	vst v63  }
0x44: {  	_ =	swait.ge [sflag:s18], $0x4000  }
0x45: {  	[sflag:s18] =	ssyncset.done $0x0  }
0x46: {  	[sflag:s18] =	ssyncadd.s32 $0xFFFFC000  }
0x47: {  	[spmem:s2] =	stream.indirect.scatter.add.f32 [tilespmem:s16], [sflag:$0x2], $0x80, s22, s15, $0x2000b8;
	[tilespmem:$0x1C400] =	vst v63  }
0x48: {  	_ =	swait.ge [sflag:s13], $0x4000  }
0x49: {  	[sflag:s13] =	ssyncset.done $0x0  }
0x4a: {  	[sflag:s13] =	ssyncadd.s32 $0xFFFFC000  }
0x4b: {  	[tilespmem:s16], [sflag:$0x1] =	stream.indirect.gather [hbm4b:s4+s15], $0x80, s23, s15, $0x2000b8;
	[tilespmem:$0x1C400] =	vst v63  }
0x4c: {  	_ =	swait.ge [sflag:s18], $0x4000  }
0x4d: {  	[sflag:s18] =	ssyncset.done $0x0  }
0x4e: {  	[sflag:s18] =	ssyncadd.s32 $0xFFFFC000  }
0x4f: {  	[spmem:s2] =	stream.indirect.scatter.add.f32 [tilespmem:s17], [sflag:$0x2], $0x80, s24, s15, $0x2000b8;
	[tilespmem:$0x1C400] =	vst v63  }
0x50: {  	_ =	swait.ge [sflag:s13], $0x4000  }
0x51: {  	[sflag:s13] =	ssyncset.done $0x0  }
0x52: {  	[sflag:s13] =	ssyncadd.s32 $0xFFFFC000  }
0x53: {  	[tilespmem:s17], [sflag:$0x1] =	stream.indirect.gather [hbm4b:s4+s15], $0x80, s25, s15, $0x2000b8;
	[tilespmem:$0x1C400] =	vst v63  }
0x54: {  	_ =	swait.ge [sflag:s18], $0x4000  }
0x55: {  	[sflag:s18] =	ssyncset.done $0x0  }
0x56: {  	[sflag:s18] =	ssyncadd.s32 $0xFFFFC000  }
0x57: {  	[spmem:s2] =	stream.indirect.scatter.add.f32 [tilespmem:s16], [sflag:$0x2], $0x80, s26, s15, $0x2000b8;
	[tilespmem:$0x1C400] =	vst v63  }
0x58: {  	_ =	swait.ge [sflag:s13], $0x4000  }
0x59: {  	[sflag:s13] =	ssyncset.done $0x0  }
0x5a: {  	[sflag:s13] =	ssyncadd.s32 $0xFFFFC000  }
0x5b: {  	[tilespmem:s16], [sflag:$0x1] =	stream.indirect.gather [hbm4b:s4+s15], $0x80, s28, s15, $0x2000b8;
	[tilespmem:$0x1C400] =	vst v63  }
0x5c: {  	_ =	swait.ge [sflag:s18], $0x4000  }
0x5d: {  	[sflag:s18] =	ssyncset.done $0x0  }
0x5e: {  	[sflag:s18] =	ssyncadd.s32 $0xFFFFC000  }
0x5f: {  	[spmem:s2] =	stream.indirect.scatter.add.f32 [tilespmem:s17], [sflag:$0x2], $0x80, s6, s15, $0x2000b8;
	[tilespmem:$0x1C400] =	vst v63  }
0x60: {  	_ =	swait.ge [sflag:s13], $0x4000  }
0x61: {  	[sflag:s13] =	ssyncset.done $0x0  }
0x62: {  	[sflag:s13] =	ssyncadd.s32 $0xFFFFC000  }
0x63: {  	[tilespmem:s17], [sflag:$0x1] =	stream.indirect.gather [hbm4b:s4+s15], $0x80, s29, s15, $0x2000b8;
	[tilespmem:$0x1C400] =	vst v63  }
0x64: {  	_ =	swait.ge [sflag:s18], $0x4000  }
0x65: {  	[sflag:s18] =	ssyncset.done $0x0  }
0x66: {  	[sflag:s18] =	ssyncadd.s32 $0xFFFFC000  }
0x67: {  	[spmem:s2] =	stream.indirect.scatter.add.f32 [tilespmem:s16], [sflag:$0x2], $0x80, s30, s15, $0x2000b8;
	[tilespmem:$0x1C400] =	vst v63  }
0x68: {  	_ =	swait.ge [sflag:s13], $0x4000  }
0x69: {  	s1 =	sadd.s32 $0x80, s1;
	s31 =	rddreg [dreg:$0x3]  }
0x6a: {  	p0 =	sne.s32 s31, s1  }
.Ltmp0:
0x6b: {  	_ = 	snop;
	(pc) =	sbr.rel @p0 .LBB2_2-.Ltmp0, $3  }
0x6c: {  	_ =	sdelay $0x1  }
0x6d: {  	[sflag:s13] =	ssyncset.done $0x0  }
0x6e: {  	[sflag:s13] =	ssyncadd.s32 $0xFFFFC000  }
0x6f: {  	_ =	swait.ge [sflag:s18], $0x4000  }
0x70: {  	[sflag:s18] =	ssyncset.done $0x0  }
0x71: {  	s1 =	simm.s32 $0x780;
	[sflag:s18] =	ssyncadd.s32 $0xFFFFC000  }
0x72: {  	[spmem:s2] =	stream.indirect.scatter.add.f32 [tilespmem:s17], [sflag:$0x2], $0x80, s1, s15, $0x2000b8;
	[tilespmem:$0x1C400] =	vst v63  }
0x73: {  	_ =	swait.ge [sflag:s13], $0x4000  }
0x74: {  	[sflag:s13] =	ssyncset.done $0x0  }
0x75: {  	[sflag:s13] =	ssyncadd.s32 $0xFFFFC000  }
0x76: {  	[bflag:$0x0] =	sbarrier.arrive $0xFFFF  }
0x77: {  	_ =	strace $0x90000049  }
0x78: {  	s0 =	sadd.s32 $0x1, s0;
	_ =	strace $0x8000004A  }
0x79: {  	p0 =	sne.s32 s0, s8;
	s31 =	rddreg [dreg:$0x5]  }
0x7a: {  	[hbm:s31], [sflag:s11] =	dma.local [spmem:s12], $0x2780  }
.Ltmp1:
0x7b: {  	_ = 	snop;
	(pc) =	sbr.rel @p0 .LBB2_1-.Ltmp1, $4  }
0x7c: {  	_ =	swait.ge [sflag:s13], $0x2780  }
0x7d: {  	[sflag:s13] =	ssyncset.done $0x0  }
0x7e: {  	[sflag:s13] =	ssyncadd.s32 $0xFFFFD880  }
0x7f: {  	_ =	strace $0x9000004A  }
0x80: {  	_ =	sfence.sel $0x180000  }
0x81: {  	[bflag:$0x0] =	sbarrier.arrive $0xFFFF  }
0x82: {  	_ =	strace $0x90000047  }
0x83: {  	s0 =	stileid.u32;
	[bflag:$0x2] =	sbarrier.arrive $0xFFFF  }
0x84: {  	p0 =	sne.s32 s0, $0x0;
	s0 =	rddreg [dreg:$0x2]  }
0x85: {  	s0 =	sadd.s32 @!p0 $0x100000, s0  }
0x86: {  	[sflag:s0] =	ssyncadd.tile.s32 @!p0 $0x1;
	_ =	shalt  }
.Lfunc_end2:
_tile_overlayer_lowered:
.L_overlay_start_2:
0x87: {  	(tag) =	ssettag $0x2  }
0x88: {  	s0 =	rddreg [dreg:$0x0];
	s2 =	stileid.u32  }
0x89: {  	s1 =	rddreg [dreg:$0x1];
	p0 =	sne.s32 s2, $0x0  }
0x8a: {  	s3 =	rddreg [dreg:$0x2];
	[bflag:$0x3] =	sbarrier.arrive $0xFFFF;
	s2 =	simm.s32 @!p0 $0x1C02  }
0x8b: {  	[timem:s3], [sflag:s2] =	dma.local @!p0 [hbm:s0], s1  }
0x8c: {  	s0 =	simm.s32 @!p0 $0x2  }
0x8d: {  	_ =	swait.ge @!p0 [sflag:s0], s1  }
0x8e: {  	s1 =	ssub.s32 @!p0 $0x0, s1;
	[sflag:s0] =	ssyncset.done @!p0 $0x0  }
0x8f: {  	[sflag:s0] =	ssyncadd.s32 @!p0 s1  }
0x90: {  	[bflag:$0x3] =	sbarrier.arrive $0xFFFF  }
0x91: {  	_ =	shalt  }

// kernel: kernel.9.cloned.1.call-start
scs
__scs_entry_jumppad:
0x0: {  	(pc) =	sbr.rel $0x88, $3  }
0x1: {  	(tag) =	ssettag $0x0;
	lr =	simm.s32 $0x1  }
0x2: {  	[smem:$0x3F94] =	sst lr;
	_ =	strace $0xD0000000  }
0x3: {  	_ = 	snop  }
0x4: {  	_ = 	snop  }
0x5: {  	_ = 	snop  }
0x6: {  	_ = 	snop  }
0x7: {  	_ = 	snop  }
__scs_overlays_trampoline_lowered:
0x8: {  	[smem:$0x3FA3] =	sst s0  }
0x9: {  	[smem:$0x3FA4] =	sst s1  }
0xa: {  	[smem:$0x3FA5] =	sst s2  }
0xb: {  	[smem:$0x3FA6] =	sst s3  }
0xc: {  	[smem:$0x3FA7] =	sst s4  }
0xd: {  	[smem:$0x3FA8] =	sst s5  }
0xe: {  	[smem:$0x3FA9] =	sst s6  }
0xf: {  	[smem:$0x3FAA] =	sst s7  }
0x10: {  	[smem:$0x3FAB] =	sst s8  }
0x11: {  	[smem:$0x3FAC] =	sst s9;
	s0 =	simm.s32 @!p0 $0x0  }
0x12: {  	s1 =	sld [smem:$0x3F92];
	s0 =	simm.s32 @p0 $0x1  }
0x13: {  	[smem:$0x3FAD] =	sst s0;
	s0 =	simm.s32 @!p1 $0x0  }
0x14: {  	s2 =	sld [smem:$0x3F91];
	s0 =	simm.s32 @p1 $0x1  }
0x15: {  	[smem:$0x3FAE] =	sst s0;
	s0 =	simm.s32 @!p2 $0x0  }
0x16: {  	s3 =	sld [smem:$0x3FDB];
	s0 =	simm.s32 @p2 $0x1  }
0x17: {  	s4 =	simm.s32 $0x1BF5;
	[smem:$0x3FB0] =	sst s0  }
0x18: {  	s0 =	sld [smem:$0x3F93];
	_ =	swait.ge [sflag:s4], $0x0  }
0x19: {  	s7 =	sld [smem:$0x3F94]  }
0x1a: {  	s8 =	sadd.s32 $0xFFFFE003, lr  }
0x1b: {  	s9 =	sadd.s32 $0xFFFFFEF7, lr;
	s5 =	simm.s32 $0xFFFFFFFF;
	p2 =	slt.u32 s8, $0xFFFFF086  }
0x1c: {  	p1 =	slt.u32 s9, $0xF7A;
	s5 =	simm.s32 @!p2 $0x0  }
0x1d: {  	s5 =	simm.s32 @p1 $0x1;
	p0 =	seq.s32 s7, s2  }
0x1e: {  	s7 =	smul.u32 @!p0 $0xF7A, s2;
	p2 =	seq.s32 @!p0 s5, $0x0  }
0x1f: {  	s9 =	smul.u32 $0xF7A, s1;
	s8 =	simm.s32 @!p0 $0x1BF5;
	p2 =	por !p2, p0  }
0x20: {  	[sflag:s8] =	ssyncset.s32 @!p0 $0xFFFFF086;
	s6 =	sadd.s32 @!p0 s3, s7;
	s7 =	simm.s32 @!p0 $0x108  }
0x21: {  	s3 =	sadd.s32 s3, s9;
	s6 =	sadd.s32 @!p0 $0x88, s6;
	s7 =	simm.s32 @p2 $0x1082  }
0x22: {  	[simem:s7], [sflag:s8] =	dma.local @!p0 [hbm:s6], $0xF7A  }
0x23: {  	s9 =	sor.u32 $0xD0000000, s2;
	s6 =	simm.s32 $0x108;
	_ =	swait.ge @!p0 [sflag:s8], $0x0  }
0x24: {  	s3 =	sadd.s32 $0x88, s3;
	s6 =	simm.s32 @!p1 $0x1082;
	[sflag:s4] =	ssyncset.s32 $0xFFFFF086  }
0x25: {  	[simem:s6], [sflag:s4] =	dma.local [hbm:s3], $0xF7A  }
0x26: {  	[smem:$0x3F94] =	sst s1;
	(tag) =	ssettag s2;
	_ =	strace s9  }
0x27: {  	s1 =	sld [smem:$0x3FA4]  }
0x28: {  	s2 =	sld [smem:$0x3FA5]  }
0x29: {  	s4 =	sld [smem:$0x3FA7]  }
0x2a: {  	p0 =	seq.s32 s5, $0x0;
	s5 =	sld [smem:$0x3FA8]  }
0x2b: {  	s6 =	sld [smem:$0x3FA9]  }
0x2c: {  	s7 =	sld [smem:$0x3FAA]  }
0x2d: {  	s3 =	simm.s32 $0x108;
	s8 =	sld [smem:$0x3FAB]  }
0x2e: {  	s3 =	simm.s32 @!p0 $0x1082;
	s9 =	sld [smem:$0x3FAC]  }
0x2f: {  	lr =	sadd.s32 s0, s3;
	s0 =	sld [smem:$0x3FA3]  }
0x30: {  	s3 =	sld [smem:$0x3FA6]  }
0x31: {  	[smem:$0x3FAF] =	sst s10  }
0x32: {  	s10 =	sld [smem:$0x3FAD];
	_ =	sdelay $0x3  }
0x33: {  	p0 =	seq.s32 s10, $0x1;
	s10 =	sld [smem:$0x3FAF];
	_ =	sdelay $0x3  }
0x34: {  	[smem:$0x3FAF] =	sst s10  }
0x35: {  	s10 =	sld [smem:$0x3FAE];
	_ =	sdelay $0x3  }
0x36: {  	p1 =	seq.s32 s10, $0x1;
	s10 =	sld [smem:$0x3FAF];
	_ =	sdelay $0x3  }
0x37: {  	[smem:$0x3FAF] =	sst s10  }
0x38: {  	s10 =	sld [smem:$0x3FB0]  }
0x39: {  	_ = 	snop;
	(pc) =	sbr.ind lr, $3  }
0x3a: {  	_ = 	snop  }
0x3b: {  	_ = 	snop  }
0x3c: {  	p2 =	seq.s32 s10, $0x1;
	s10 =	sld [smem:$0x3FAF]  }
0x3d: {  	_ =	shalt  }
0x3e: {  	_ =	shalt  }
0x3f: {  	_ =	shalt  }
0x40: {  	_ =	shalt  }
0x41: {  	_ =	shalt  }
0x42: {  	_ =	shalt  }
0x43: {  	_ =	shalt  }
0x44: {  	_ =	shalt  }
0x45: {  	_ =	shalt  }
0x46: {  	_ =	shalt  }
0x47: {  	_ =	shalt  }
0x48: {  	_ =	shalt  }
0x49: {  	_ =	shalt  }
0x4a: {  	_ =	shalt  }
0x4b: {  	_ =	shalt  }
0x4c: {  	_ =	shalt  }
0x4d: {  	_ =	shalt  }
0x4e: {  	_ =	shalt  }
0x4f: {  	_ =	shalt  }
0x50: {  	_ =	shalt  }
0x51: {  	_ =	shalt  }
0x52: {  	_ =	shalt  }
0x53: {  	_ =	shalt  }
0x54: {  	_ =	shalt  }
0x55: {  	_ =	shalt  }
0x56: {  	_ =	shalt  }
0x57: {  	_ =	shalt  }
0x58: {  	_ =	shalt  }
0x59: {  	_ =	shalt  }
0x5a: {  	_ =	shalt  }
0x5b: {  	_ =	shalt  }
0x5c: {  	_ =	shalt  }
0x5d: {  	_ =	shalt  }
0x5e: {  	_ =	shalt  }
0x5f: {  	_ =	shalt  }
0x60: {  	_ =	shalt  }
0x61: {  	_ =	shalt  }
0x62: {  	_ =	shalt  }
0x63: {  	_ =	shalt  }
0x64: {  	_ =	shalt  }
0x65: {  	_ =	shalt  }
0x66: {  	_ =	shalt  }
0x67: {  	_ =	shalt  }
0x68: {  	_ =	shalt  }
0x69: {  	_ =	shalt  }
0x6a: {  	_ =	shalt  }
0x6b: {  	_ =	shalt  }
0x6c: {  	_ =	shalt  }
0x6d: {  	_ =	shalt  }
0x6e: {  	_ =	shalt  }
0x6f: {  	_ =	shalt  }
0x70: {  	_ =	shalt  }
0x71: {  	_ =	shalt  }
0x72: {  	_ =	shalt  }
0x73: {  	_ =	shalt  }
0x74: {  	_ =	shalt  }
0x75: {  	_ =	shalt  }
0x76: {  	_ =	shalt  }
0x77: {  	_ =	shalt  }
0x78: {  	_ =	shalt  }
0x79: {  	_ =	shalt  }
0x7a: {  	_ =	shalt  }
0x7b: {  	_ =	shalt  }
0x7c: {  	_ =	shalt  }
0x7d: {  	_ =	shalt  }
0x7e: {  	_ =	shalt  }
0x7f: {  	_ =	shalt  }
0x80: {  	_ =	shalt  }
0x81: {  	_ =	shalt  }
0x82: {  	_ =	shalt  }
0x83: {  	_ =	shalt  }
0x84: {  	_ =	shalt  }
0x85: {  	_ =	shalt  }
0x86: {  	_ =	shalt  }
0x87: {  	_ =	shalt  }
.Lfunc_end0:
.L_simem_size_0:
called_computation.1_lowered:
.L_overlay_start_0:
0x88: {  	s2 =	sld [smem:$0x3FD9]  }
0x89: {  	s3 =	sld [smem:$0x3FFE];
	_ =	sdelay $0x1  }
0x8a: {  	s1 =	srdreg.scid  }
0x8b: {  	s0 =	sand.u32 $0x1, s1  }
0x8c: {  	s16 =	sshll.u32 s0, $0xA;
	s2 =	sadd.s32 s3, s2  }
0x8d: {  	s2 =	sadd.s32 s2, s16  }
0x8e: {  	[smem:$0x3FBB] =	sst s2  }
0x8f: {  	_ = 	snop  }
0x90: {  	(tm) =	ssettm $0x1  }
0x91: {  	s17 =	sld [smem:$0x3FFB];
	_ =	sdelay $0x3  }
0x92: {  	_ =	strace s17  }
0x93: {  	s2 =	sld [smem:$0x3FFC];
	_ =	sdelay $0x3  }
0x94: {  	_ =	strace s2  }
0x95: {  	s2 =	sld [smem:$0x3FFD];
	_ =	sdelay $0x3  }
0x96: {  	_ =	strace s2  }
0x97: {  	_ =	strace $0x8FFFFFFF  }
0x98: {  	s18 =	sld [smem:$0x3FDB];
	_ =	sdelay $0x1  }
0x99: {  	s19 =	simm.s32 $_scs_section_size  }
0x9a: {  	s4 =	simm.s32 $_size__tile_overlayer_lowered;
	s5 =	simm.s32 $_tile_overlayer_lowered  }
0x9b: {  	s22 =	simm.s32 $0x1BFF;
	s21 =	sshll.u32 s5, $0x1;
	s2 =	sadd.s32 s19, s18  }
0x9c: {  	s6 =	simm.s32 $0x0;
	s20 =	sshll.u32 s4, $0x1;
	s4 =	sadd.s32 s21, s2  }
0x9d: {  	[timem:s6], [sflag:s22] =	dma.local [hbm:s4], s20  }
0x9e: {  	_ =	swait.ge [sflag:s22], s20  }
0x9f: {  	s3 =	ssub.s32 $0x0, s20;
	[sflag:s22] =	ssyncset.done $0x0  }
0xa0: {  	[sflag:s22] =	ssyncadd.s32 s3;
	_ =	sdelay $0x1  }
0xa1: {  	s23 =	simm.s32 $0x1B8B  }
0xa2: {  	_ =	swait.ge [sflag:s23], $0x1  }
0xa3: {  	[sflag:s23] =	ssyncset.done $0x0  }
0xa4: {  	s25 =	simm.s32 $0x1B8E;
	s24 =	sld [smem:$0x3FFE];
	[sflag:s23] =	ssyncadd.s32 $0xFFFFFFFF  }
0xa5: {  	s26 =	simm.s32 $execute0_lowered;
	[smem:$0x3FD2] =	sst s25  }
0xa6: {  	s4 =	sshll.u32 s26, $0x1;
	_ =	strace $0x8000004C;
	[dreg:$0x1] =	wrdreg $0xFFFFFFFF  }
0xa7: {  	s28 =	simm.s32 $_size_execute0_lowered;
	s2 =	sadd.s32 s2, s4;
	[dreg:$0x0] =	wrdreg $0x0  }
0xa8: {  	s4 =	sshll.u32 s28, $0x1;
	[dreg:$0x2] =	wrdreg s2  }
0xa9: {  	[dreg:$0x3] =	wrdreg s4  }
0xaa: {  	[dreg:$0x4] =	wrdreg $0xC0  }
0xab: {  	_ =	task [dreg:s6], $0x5FFFF  }
0xac: {  	[dreg:$0x1] =	wrdreg $0xFFFFFFFF  }
0xad: {  	[dreg:$0x0] =	wrdreg $0x60  }
0xae: {  	[dreg:$0x2] =	wrdreg s24  }
0xaf: {  	[dreg:$0x3] =	wrdreg $0x88000  }
0xb0: {  	[dreg:$0x4] =	wrdreg $0x9  }
0xb1: {  	_ =	task.clear_ibuf [dreg:s6], $0x5FFFF;
	_ =	strace $0x9000004C  }
0xb2: {  	s29 =	simm.s32 $0x9;
	_ =	strace $0x80000051  }
0xb3: {  	_ =	swait.ge [sflag:s29], $0x1  }
0xb4: {  	[sflag:s29] =	ssyncadd.s32 $0xFFFFFFFF  }
0xb5: {  	_ =	strace $0x90000051  }
0xb6: {  	_ =	sfence  }
0xb7: {  	s30 =	sld [smem:$0x0];
	_ =	sdelay $0x2  }
0xb8: {  	s31 =	sshll.u32 s1, $0xD;
	s1 =	sshrl.u32 s1, $0x2  }
0xb9: {  	s3 =	sand.u32 $0x4000, s31;
	s1 =	sadd.s32 s1, s30  }
0xba: {  	s0 =	sor.u32 s3, s0;
	s1 =	sshll.u32 s1, $0x11  }
0xbb: {  	s0 =	sor.u32 s1, s0  }
0xbc: {  	s0 =	sadd.s32 $0x8F2B, s0  }
0xbd: {  	[sflag:s0] =	ssyncadd.remote.s32 $0x1  }
0xbe: {  	_ =	sfence.sel $0xFFFF  }
0xbf: {  	[dreg:$0x0] =	wrdreg $0xFFFFFFFF;
	(pc) =	sbr.abs _section_cstart, $3  }
0xc0: {  	[dreg:$0x1] =	wrdreg $0xFFFFFFFF  }
0xc1: {  	_ =	task.clear_ibuf [dreg:s6], $0x2FFFF;
	_ =	strace $0x9FFFFFFF  }
0xc2: {  	(tm) =	ssettm $0x7FFFFFFF  }
0xc3: {  	_ =	shalt  }
tec
execute0_lowered:
.L_overlay_start_1:
0x0: {  	(tag) =	ssettag $0x1  }
0x1: {  	s0 =	rddreg [dreg:$0x0]  }
0x2: {  	s2 =	rddreg [dreg:$0x1]  }
0x3: {  	s11 =	stileid.u32;
	s3 =	simm.s32 $0x0;
	s1 =	srdreg.scid  }
0x4: {  	s13 =	simm.s32 $0x2;
	s14 =	simm.s32 $0x400;
	s15 =	simm.s32 $0x80  }
0x5: {  	s16 =	simm.s32 $0x800;
	s17 =	simm.s32 $0x4800;
	s18 =	simm.s32 $0x1  }
0x6: {  	s19 =	simm.s32 $0x100;
	s20 =	simm.s32 $0x480;
	s4 =	smul.u32 $0x38, s11  }
0x7: {  	s21 =	simm.s32 $0x180;
	s28 =	simm.s32 $0x300;
	s5 =	smul.u32 $0x68, s11  }
0x8: {  	s29 =	simm.s32 $0x380;
	s30 =	simm.s32 $0x700;
	s22 =	smul.u32 $0x13C00, s11  }
0x9: {  	[smem:$0x7FF] =	sst s3;
	s1 =	sand.u32 $0x1, s1;
	s23 =	smul.u32 $0x4F000, s11  }
0xa: {  	s24 =	sadd.s32 $0x3E600, s0;
	s31 =	sshll.u32 s11, $0x6;
	p0 =	seq.s32 s1, $0x0  }
0xb: {  	s6 =	smul.u32 $0x13C000, s1;
	_ =	strace $0x8000004D;
	s1 =	ssub.s32 $0x2, s1  }
0xc: {  	[dreg:$0x4] =	wrdreg s24;
	s11 =	sor.u32 $0x1C02, s31;
	s24 =	simm.s32 $0x580  }
0xd: {  	s4 =	sadd.s32 $0x680, s4;
	s25 =	sshrl.u32 s1, $0x1;
	s26 =	sshrl.u32 s23, $0x2  }
0xe: {  	s23 =	simm.s32 $0x200;
	s4 =	smov.u32 @p0 s5;
	s5 =	sadd.s32 s22, s6  }
0xf: {  	s1 =	ssub.s32 s1, s25;
	s12 =	sadd.s32 s26, s2;
	s22 =	simm.s32 $0x500  }
0x10: {  	s25 =	simm.s32 $0x280;
	s26 =	simm.s32 $0x600;
	s7 =	sshll.u32 s4, $0x4  }
0x11: {  	s4 =	sadd.s32 $0x16E00, s0;
	s6 =	sshrl.u32 s5, $0x3;
	s8 =	smax.u32 s1, $0x1  }
0x12: {  	s12 =	sshrl.u32 s12, $0x3;
	s10 =	sadd.s32 s7, s0;
	s7 =	simm.s32 $0x680  }
0x13: {  	s0 =	sadd.s32 s6, s0;
	s6 =	simm.s32 $0x680;
	s7 =	simm.s32 @!p0 $0x380  }
0x14: {  	s0 =	sadd.s32 $0x40E00, s0;
	s9 =	sadd.s32 $0x2E00, s10;
	[dreg:$0x3] =	wrdreg s7  }
0x15: {  	s10 =	sadd.s32 $0xCE00, s10;
	[dreg:$0x5] =	wrdreg s0;
	s0 =	simm.s32 $0x0  }
.LBB2_1:
0x16: {  	_ =	strace $0x8000004E  }
0x17: {  	s1 =	rddreg [dreg:$0x4]  }
0x18: {  	[spmem:s12], [sflag:s11] =	dma.local [hbm:s1], $0x2780  }
0x19: {  	_ =	swait.ge [sflag:s13], $0x2780  }
0x1a: {  	[sflag:s13] =	ssyncset.done $0x0  }
0x1b: {  	[sflag:s13] =	ssyncadd.s32 $0xFFFFD880  }
0x1c: {  	[bflag:$0x0] =	sbarrier.arrive $0xFFFF  }
0x1d: {  	_ =	strace $0x9000004E  }
0x1e: {  	s1 =	simm.s32 $0x0;
	_ =	strace $0x8000004F  }
.LBB2_2:
0x1f: {  	p0 =	seq.s32 s1, $0x0  }
0x20: {  	s31 =	simm.s32 @!p0 $0x1  }
0x21: {  	_ =	swait.ge @!p0 [sflag:s31], $0x4000  }
0x22: {  	s5 =	simm.s32 @!p0 $0x780;
	[sflag:s31] =	ssyncset.done @!p0 $0x0  }
0x23: {  	s7 =	simm.s32 @!p0 $0x4800;
	[sflag:s31] =	ssyncadd.s32 @!p0 $0xFFFFC000;
	s31 =	simm.s32 @!p0 $0x80  }
0x24: {  	[spmem:s2] =	stream.indirect.scatter.add.f32 @!p0 [tilespmem:s7], [sflag:$0x2], $0x80, s5, s31, $0x2000b8;
	[tilespmem:$0x1C400] =	vst v63  }
0x25: {  	s5 =	simm.s32 @!p0 $0x2  }
0x26: {  	_ =	swait.ge @!p0 [sflag:s5], $0x4000  }
0x27: {  	[sflag:s5] =	ssyncset.done @!p0 $0x0  }
0x28: {  	s31 =	sadd.s32 s1, s10;
	[sflag:s5] =	ssyncadd.s32 @!p0 $0xFFFFC000  }
0x29: {  	[tilespmem:s3], [sflag:$0x2] =	stream.linear.gather [hbm4b:s31+s3], $0x400, $0x200038;
	[tilespmem:$0x1C400] =	vst v63  }
0x2a: {  	_ =	swait.ge [sflag:s13], $0x400  }
0x2b: {  	[sflag:s13] =	ssyncset.done $0x0  }
0x2c: {  	s7 =	sadd.s32 s1, s9;
	[sflag:s13] =	ssyncadd.s32 $0xFFFFFC00  }
0x2d: {  	[tilespmem:s14], [sflag:$0x2] =	stream.linear.gather [hbm4b:s7+s3], $0x400, $0x200038;
	[tilespmem:$0x1C400] =	vst v63  }
0x2e: {  	_ =	swait.ge [sflag:s13], $0x400  }
0x2f: {  	[sflag:s13] =	ssyncset.done $0x0  }
0x30: {  	[sflag:s13] =	ssyncadd.s32 $0xFFFFFC00  }
0x31: {  	[tilespmem:s16], [sflag:$0x1] =	stream.indirect.gather [hbm4b:s4+s15], $0x80, s3, s15, $0x2000b8;
	[tilespmem:$0x1C400] =	vst v63  }
0x32: {  	_ = 	snop  }
0x33: {  	[tilespmem:s17], [sflag:$0x1] =	stream.indirect.gather [hbm4b:s4+s15], $0x80, s15, s15, $0x2000b8;
	[tilespmem:$0x1C400] =	vst v63  }
0x34: {  	_ =	swait.ge [sflag:s18], $0x4000  }
0x35: {  	[sflag:s18] =	ssyncset.done $0x0  }
0x36: {  	[sflag:s18] =	ssyncadd.s32 $0xFFFFC000  }
0x37: {  	[spmem:s2] =	stream.indirect.scatter.add.f32 [tilespmem:s16], [sflag:$0x2], $0x80, s14, s15, $0x2000b8;
	[tilespmem:$0x1C400] =	vst v63  }
0x38: {  	_ =	swait.ge [sflag:s13], $0x4000  }
0x39: {  	[sflag:s13] =	ssyncset.done $0x0  }
0x3a: {  	[sflag:s13] =	ssyncadd.s32 $0xFFFFC000  }
0x3b: {  	[tilespmem:s16], [sflag:$0x1] =	stream.indirect.gather [hbm4b:s4+s15], $0x80, s19, s15, $0x2000b8;
	[tilespmem:$0x1C400] =	vst v63  }
0x3c: {  	_ =	swait.ge [sflag:s18], $0x4000  }
0x3d: {  	[sflag:s18] =	ssyncset.done $0x0  }
0x3e: {  	[sflag:s18] =	ssyncadd.s32 $0xFFFFC000  }
0x3f: {  	[spmem:s2] =	stream.indirect.scatter.add.f32 [tilespmem:s17], [sflag:$0x2], $0x80, s20, s15, $0x2000b8;
	[tilespmem:$0x1C400] =	vst v63  }
0x40: {  	_ =	swait.ge [sflag:s13], $0x4000  }
0x41: {  	[sflag:s13] =	ssyncset.done $0x0  }
0x42: {  	[sflag:s13] =	ssyncadd.s32 $0xFFFFC000  }
0x43: {  	[tilespmem:s17], [sflag:$0x1] =	stream.indirect.gather [hbm4b:s4+s15], $0x80, s21, s15, $0x2000b8;
	[tilespmem:$0x1C400] =	vst v63  }
0x44: {  	_ =	swait.ge [sflag:s18], $0x4000  }
0x45: {  	[sflag:s18] =	ssyncset.done $0x0  }
0x46: {  	[sflag:s18] =	ssyncadd.s32 $0xFFFFC000  }
0x47: {  	[spmem:s2] =	stream.indirect.scatter.add.f32 [tilespmem:s16], [sflag:$0x2], $0x80, s22, s15, $0x2000b8;
	[tilespmem:$0x1C400] =	vst v63  }
0x48: {  	_ =	swait.ge [sflag:s13], $0x4000  }
0x49: {  	[sflag:s13] =	ssyncset.done $0x0  }
0x4a: {  	[sflag:s13] =	ssyncadd.s32 $0xFFFFC000  }
0x4b: {  	[tilespmem:s16], [sflag:$0x1] =	stream.indirect.gather [hbm4b:s4+s15], $0x80, s23, s15, $0x2000b8;
	[tilespmem:$0x1C400] =	vst v63  }
0x4c: {  	_ =	swait.ge [sflag:s18], $0x4000  }
0x4d: {  	[sflag:s18] =	ssyncset.done $0x0  }
0x4e: {  	[sflag:s18] =	ssyncadd.s32 $0xFFFFC000  }
0x4f: {  	[spmem:s2] =	stream.indirect.scatter.add.f32 [tilespmem:s17], [sflag:$0x2], $0x80, s24, s15, $0x2000b8;
	[tilespmem:$0x1C400] =	vst v63  }
0x50: {  	_ =	swait.ge [sflag:s13], $0x4000  }
0x51: {  	[sflag:s13] =	ssyncset.done $0x0  }
0x52: {  	[sflag:s13] =	ssyncadd.s32 $0xFFFFC000  }
0x53: {  	[tilespmem:s17], [sflag:$0x1] =	stream.indirect.gather [hbm4b:s4+s15], $0x80, s25, s15, $0x2000b8;
	[tilespmem:$0x1C400] =	vst v63  }
0x54: {  	_ =	swait.ge [sflag:s18], $0x4000  }
0x55: {  	[sflag:s18] =	ssyncset.done $0x0  }
0x56: {  	[sflag:s18] =	ssyncadd.s32 $0xFFFFC000  }
0x57: {  	[spmem:s2] =	stream.indirect.scatter.add.f32 [tilespmem:s16], [sflag:$0x2], $0x80, s26, s15, $0x2000b8;
	[tilespmem:$0x1C400] =	vst v63  }
0x58: {  	_ =	swait.ge [sflag:s13], $0x4000  }
0x59: {  	[sflag:s13] =	ssyncset.done $0x0  }
0x5a: {  	[sflag:s13] =	ssyncadd.s32 $0xFFFFC000  }
0x5b: {  	[tilespmem:s16], [sflag:$0x1] =	stream.indirect.gather [hbm4b:s4+s15], $0x80, s28, s15, $0x2000b8;
	[tilespmem:$0x1C400] =	vst v63  }
0x5c: {  	_ =	swait.ge [sflag:s18], $0x4000  }
0x5d: {  	[sflag:s18] =	ssyncset.done $0x0  }
0x5e: {  	[sflag:s18] =	ssyncadd.s32 $0xFFFFC000  }
0x5f: {  	[spmem:s2] =	stream.indirect.scatter.add.f32 [tilespmem:s17], [sflag:$0x2], $0x80, s6, s15, $0x2000b8;
	[tilespmem:$0x1C400] =	vst v63  }
0x60: {  	_ =	swait.ge [sflag:s13], $0x4000  }
0x61: {  	[sflag:s13] =	ssyncset.done $0x0  }
0x62: {  	[sflag:s13] =	ssyncadd.s32 $0xFFFFC000  }
0x63: {  	[tilespmem:s17], [sflag:$0x1] =	stream.indirect.gather [hbm4b:s4+s15], $0x80, s29, s15, $0x2000b8;
	[tilespmem:$0x1C400] =	vst v63  }
0x64: {  	_ =	swait.ge [sflag:s18], $0x4000  }
0x65: {  	[sflag:s18] =	ssyncset.done $0x0  }
0x66: {  	[sflag:s18] =	ssyncadd.s32 $0xFFFFC000  }
0x67: {  	[spmem:s2] =	stream.indirect.scatter.add.f32 [tilespmem:s16], [sflag:$0x2], $0x80, s30, s15, $0x2000b8;
	[tilespmem:$0x1C400] =	vst v63  }
0x68: {  	_ =	swait.ge [sflag:s13], $0x4000  }
0x69: {  	s1 =	sadd.s32 $0x80, s1;
	s31 =	rddreg [dreg:$0x3]  }
0x6a: {  	p0 =	sne.s32 s31, s1  }
.Ltmp0:
0x6b: {  	_ = 	snop;
	(pc) =	sbr.rel @p0 .LBB2_2-.Ltmp0, $3  }
0x6c: {  	_ =	sdelay $0x1  }
0x6d: {  	[sflag:s13] =	ssyncset.done $0x0  }
0x6e: {  	[sflag:s13] =	ssyncadd.s32 $0xFFFFC000  }
0x6f: {  	_ =	swait.ge [sflag:s18], $0x4000  }
0x70: {  	[sflag:s18] =	ssyncset.done $0x0  }
0x71: {  	s1 =	simm.s32 $0x780;
	[sflag:s18] =	ssyncadd.s32 $0xFFFFC000  }
0x72: {  	[spmem:s2] =	stream.indirect.scatter.add.f32 [tilespmem:s17], [sflag:$0x2], $0x80, s1, s15, $0x2000b8;
	[tilespmem:$0x1C400] =	vst v63  }
0x73: {  	_ =	swait.ge [sflag:s13], $0x4000  }
0x74: {  	[sflag:s13] =	ssyncset.done $0x0  }
0x75: {  	[sflag:s13] =	ssyncadd.s32 $0xFFFFC000  }
0x76: {  	[bflag:$0x0] =	sbarrier.arrive $0xFFFF  }
0x77: {  	_ =	strace $0x9000004F  }
0x78: {  	s0 =	sadd.s32 $0x1, s0;
	_ =	strace $0x80000050  }
0x79: {  	p0 =	sne.s32 s0, s8;
	s31 =	rddreg [dreg:$0x5]  }
0x7a: {  	[hbm:s31], [sflag:s11] =	dma.local [spmem:s12], $0x2780  }
.Ltmp1:
0x7b: {  	_ = 	snop;
	(pc) =	sbr.rel @p0 .LBB2_1-.Ltmp1, $4  }
0x7c: {  	_ =	swait.ge [sflag:s13], $0x2780  }
0x7d: {  	[sflag:s13] =	ssyncset.done $0x0  }
0x7e: {  	[sflag:s13] =	ssyncadd.s32 $0xFFFFD880  }
0x7f: {  	_ =	strace $0x90000050  }
0x80: {  	_ =	sfence.sel $0x180000  }
0x81: {  	[bflag:$0x0] =	sbarrier.arrive $0xFFFF  }
0x82: {  	_ =	strace $0x9000004D  }
0x83: {  	s0 =	stileid.u32;
	[bflag:$0x2] =	sbarrier.arrive $0xFFFF  }
0x84: {  	p0 =	sne.s32 s0, $0x0;
	s0 =	rddreg [dreg:$0x2]  }
0x85: {  	s0 =	sadd.s32 @!p0 $0x100000, s0  }
0x86: {  	[sflag:s0] =	ssyncadd.tile.s32 @!p0 $0x1;
	_ =	shalt  }
.Lfunc_end2:
_tile_overlayer_lowered:
.L_overlay_start_2:
0x87: {  	(tag) =	ssettag $0x2  }
0x88: {  	s0 =	rddreg [dreg:$0x0];
	s2 =	stileid.u32  }
0x89: {  	s1 =	rddreg [dreg:$0x1];
	p0 =	sne.s32 s2, $0x0  }
0x8a: {  	s3 =	rddreg [dreg:$0x2];
	[bflag:$0x3] =	sbarrier.arrive $0xFFFF;
	s2 =	simm.s32 @!p0 $0x1C02  }
0x8b: {  	[timem:s3], [sflag:s2] =	dma.local @!p0 [hbm:s0], s1  }
0x8c: {  	s0 =	simm.s32 @!p0 $0x2  }
0x8d: {  	_ =	swait.ge @!p0 [sflag:s0], s1  }
0x8e: {  	s1 =	ssub.s32 @!p0 $0x0, s1;
	[sflag:s0] =	ssyncset.done @!p0 $0x0  }
0x8f: {  	[sflag:s0] =	ssyncadd.s32 @!p0 s1  }
0x90: {  	[bflag:$0x3] =	sbarrier.arrive $0xFFFF  }
0x91: {  	_ =	shalt  }

</sc_bundles>
